<compile_context>
chip_gen: v7x
topology: tpu7x:2x2x1
jax: 0.10.2.dev20260603
libtpu: 0.0.44.dev20260713+nightly
codegen_flags: <defaults>
</compile_context>

<pallas_src>
import jax
import jax.numpy as jnp
from jax import lax
from jax.experimental import pallas as pl
from jax.experimental.pallas import tpu as pltpu
from jax.experimental.pallas import tpu_sc as plsc

S = 512
L = 16
T = 256
C_CODES = 8
BB = 2
NC = 2
NS = 16


def _col2row(x_col, diag):
    zero = jnp.zeros((), x_col.dtype)
    return jnp.sum(jnp.where(diag, x_col, zero), axis=0, keepdims=True)


def _row2col(x_row, diag):
    zero = jnp.zeros((), x_row.dtype)
    return jnp.sum(jnp.where(diag, x_row, zero), axis=1, keepdims=True)


def _sum_t_like_xla(x):
    a = x[:, 0:128] + x[:, 128:256]
    at = jnp.transpose(a)
    acc = at[0:8, :]
    for k in range(1, 16):
        acc = acc + at[8 * k:8 * (k + 1), :]
    b1 = acc[0:4, :] + acc[4:8, :]
    b2 = b1[0:2, :] + b1[2:4, :]
    return b2[0:1, :] + b2[1:2, :]


def _rank_kernel(num_codes_ref, att_ref, sent_ref, sent_t_ref, len_col_ref,
                 att_out_ref, rank_out_ref, cid_out_ref, vc_out_ref):
    pid = pl.program_id(0)

    iota_sub = lax.broadcasted_iota(jnp.int32, (S, S), 0)
    iota_lane = lax.broadcasted_iota(jnp.int32, (S, S), 1)
    diag = iota_sub == iota_lane
    tri = iota_sub < iota_lane

    for bb in range(BB):
        a = sent_ref[bb]
        at = sent_t_ref[bb]
        acc = None
        for w in range(L // 2):
            p_col = a[:, 2 * w:2 * w + 1] * 32768 + a[:, 2 * w + 1:2 * w + 2]
            p_row = (at[2 * w:2 * w + 1, :] * 32768
                     + at[2 * w + 1:2 * w + 2, :])
            eq_w = p_col == p_row
            acc = eq_w if acc is None else (acc & eq_w)
        cid_out_ref[bb] = jnp.min(jnp.where(acc, iota_sub, S), axis=0,
                                  keepdims=True)

        len_col = len_col_ref[bb]
        mask0_row = _col2row(len_col, diag) == 0
        num_sent = jnp.sum(jnp.where(len_col != 0, 1, 0))
        ncodes = num_codes_ref[pid * BB + bb]

        for c in range(C_CODES):
            att_sum_row = _sum_t_like_xla(att_ref[bb, c])
            att_row = jnp.where(mask0_row, -1.0, att_sum_row)
            att_col = _row2col(att_row, diag)

            gt = att_col > att_row
            ge = att_col >= att_row
            before = gt | (tri & ge)
            rank_row = jnp.sum(before.astype(jnp.int32), axis=0,
                               keepdims=True)

            att_out_ref[bb, c] = att_row
            rank_out_ref[bb, c] = rank_row
            vc = jnp.where(c < ncodes, num_sent, 0)
            vc_out_ref[bb, c] = jnp.full((1, 1), vc, jnp.int32)


def _sc_group_kernel(rank_hbm, cid_hbm, vc_hbm, sorted_hbm, group_hbm,
                     rank_v, cid_v, sorted_v, ordered_v, group_v, gtab_v,
                     tmp_v, vc_v):
    core = lax.axis_index("c")
    sub = lax.axis_index("s")
    wid = sub * NC + core
    pltpu.sync_copy(vc_hbm, vc_v)
    iota16 = lax.iota(jnp.int32, 16)
    minus1 = jnp.full((16,), -1, jnp.int32)

    for k in range(2):
        t = wid * 2 + k
        b = t // 8
        pltpu.sync_copy(rank_hbm.at[t], rank_v)
        pltpu.sync_copy(cid_hbm.at[b], cid_v)

        def init_body(j, carry):
            gtab_v[pl.ds(j * 16, 16)] = minus1
            return carry

        lax.fori_loop(0, S // 16, init_body, 0)

        def scat_body(j, carry):
            idx = rank_v[pl.ds(j * 16, 16)]
            plsc.store_scatter(sorted_v, [idx], iota16 + j * 16)
            plsc.store_scatter(ordered_v, [idx], cid_v[pl.ds(j * 16, 16)])
            return carry

        lax.fori_loop(0, S // 16, scat_body, 0)

        vc_t = plsc.load_gather(vc_v, [jnp.full((16,), t, jnp.int32)])

        def grp_body(j, ng):
            ov = ordered_v[pl.ds(j * 16, 16)]
            key = ov * 16 + iota16
            ks = lax.sort(key)
            sv = jnp.right_shift(ks, 4)
            sl = ks & 15
            tmp_v[...] = sv
            prev = plsc.load_gather(tmp_v, [(iota16 + 15) & 15])
            dup_sorted = jnp.where((sv == prev) & (iota16 >= 1), 1, 0)
            plsc.store_scatter(tmp_v, [sl], dup_sorted)
            dup = tmp_v[...] != 0
            g0 = plsc.load_gather(gtab_v, [ov])
            avail = (g0 == -1) & (~dup)
            avail_i = avail.astype(jnp.int32)
            excl = plsc.cumsum(avail_i) - avail_i
            gid_new = ng + excl
            plsc.store_scatter(gtab_v, [ov], gid_new, mask=avail)
            g1 = plsc.load_gather(gtab_v, [ov])
            r_vec = iota16 + j * 16
            group_v[pl.ds(j * 16, 16)] = jnp.where(r_vec < vc_t, g1, -1)
            return ng + jnp.max(plsc.all_reduce_population_count(avail))

        lax.fori_loop(0, S // 16, grp_body, jnp.int32(0))

        pltpu.sync_copy(sorted_v, sorted_hbm.at[t])
        pltpu.sync_copy(group_v, group_hbm.at[t])


@jax.jit
def kernel(article_sentences, article_sentences_lengths, attention, num_codes):
    B, S_, L_ = article_sentences.shape
    C = attention.shape[1]
    sent = article_sentences.astype(jnp.int32)
    sent_t = jnp.swapaxes(sent, 1, 2)
    lengths = article_sentences_lengths.astype(jnp.int32)
    len_col = lengths.reshape(B, S_, 1)

    grid = (B // BB,)
    row_spec = pl.BlockSpec((BB, C, 1, S_), lambda b: (b, 0, 0, 0))
    att_s, rank_s, cid_s, vc_s = pl.pallas_call(
        _rank_kernel,
        grid=grid,
        in_specs=[
            pl.BlockSpec(memory_space=pltpu.SMEM),
            pl.BlockSpec((BB, C, S_, T), lambda b: (b, 0, 0, 0)),
            pl.BlockSpec((BB, S_, L_), lambda b: (b, 0, 0)),
            pl.BlockSpec((BB, L_, S_), lambda b: (b, 0, 0)),
            pl.BlockSpec((BB, S_, 1), lambda b: (b, 0, 0)),
        ],
        out_specs=(row_spec, row_spec,
                   pl.BlockSpec((BB, 1, S_), lambda b: (b, 0, 0)),
                   pl.BlockSpec((BB, C, 1, 1), lambda b: (b, 0, 0, 0))),
        out_shape=(
            jax.ShapeDtypeStruct((B, C, 1, S_), jnp.float32),
            jax.ShapeDtypeStruct((B, C, 1, S_), jnp.int32),
            jax.ShapeDtypeStruct((B, 1, S_), jnp.int32),
            jax.ShapeDtypeStruct((B, C, 1, 1), jnp.int32),
        ),
    )(num_codes.astype(jnp.int32), attention, sent, sent_t, len_col)

    rank2 = rank_s.reshape(B * C, S_)
    cid2 = cid_s.reshape(B, S_)
    vc2 = vc_s.reshape(B * C)

    sc_fn = pl.kernel(
        _sc_group_kernel,
        out_type=(
            jax.ShapeDtypeStruct((B * C, S_), jnp.int32),
            jax.ShapeDtypeStruct((B * C, S_), jnp.int32),
        ),
        mesh=plsc.VectorSubcoreMesh(core_axis_name="c", subcore_axis_name="s",
                                    num_cores=NC, num_subcores=NS),
        scratch_types=[
            pltpu.VMEM((S_,), jnp.int32),
            pltpu.VMEM((S_,), jnp.int32),
            pltpu.VMEM((S_,), jnp.int32),
            pltpu.VMEM((S_,), jnp.int32),
            pltpu.VMEM((S_,), jnp.int32),
            pltpu.VMEM((S_,), jnp.int32),
            pltpu.VMEM((16,), jnp.int32),
            pltpu.VMEM((B * C,), jnp.int32),
        ],
        compiler_params=pltpu.CompilerParams(needs_layout_passes=False),
    )
    sorted2, group2 = sc_fn(rank2, cid2, vc2)

    return (att_s.reshape(B, C, S_), sorted2.reshape(B, C, S_),
            group2.reshape(B, C, S_))

# --- scband reference (transcript-rebuilt; emitter-appended) ---
"""Pipeline reference for scband-clusterer-54339926229252 (READ-ONLY COPY).

The authoritative reference and input builder live on the scoring server;
editing this copy changes nothing except your own understanding.
"""

import jax, jax.numpy as jnp
import numpy as np


def setup_inputs(seed: int = 0) -> dict:
    key = jax.random.key(seed)
    k1, k2, k3, k4 = jax.random.split(key, 4)
    B, S, L, C, T = 8, 512, 16, 8, 256
    article_sentences = jax.random.randint(k1, (B, S, L), 0, 30000)
    article_sentences_lengths = jax.random.randint(k2, (B, S), 0, 17)
    attention = jax.random.normal(k3, (B, C, S, T), dtype=jnp.float32)
    num_codes = jax.random.randint(k4, (B,), 0, 8)
    return {
        "article_sentences": article_sentences,
        "article_sentences_lengths": article_sentences_lengths,
        "attention": attention,
        "num_codes": num_codes,
    }


def reference(article_sentences, article_sentences_lengths, attention, num_codes):
    B, S, L = article_sentences.shape
    C = attention.shape[1]
    # mask of padded sentences
    mask = article_sentences_lengths == 0  # [B, S]
    num_sentences = jnp.sum(article_sentences_lengths != 0, axis=1)  # [B]
    # sentence-level attention score
    sentence_attention = attention.sum(-1)  # [B, C, S]
    sentence_attention = jnp.where(mask[:, None, :], -1.0, sentence_attention)
    # descending sort of sentences by attention per (b, c)
    sorted_indices = jnp.argsort(-sentence_attention, axis=-1)  # [B, C, S]
    # content id per sentence: index of first identical sentence in the article
    eq = jnp.all(
        article_sentences[:, :, None, :] == article_sentences[:, None, :, :], axis=-1
    )  # [B, S, S]
    content_id = jnp.argmax(eq, axis=-1)  # [B, S]
    # content ids re-ordered by attention rank
    ordered = jnp.take_along_axis(
        jnp.broadcast_to(content_id[:, None, :], sorted_indices.shape),
        sorted_indices,
        axis=-1,
    )  # [B, C, S]
    # group id = dict-insertion-order group index of each sentence (dedup identical sentences)
    eq2 = ordered[..., :, None] == ordered[..., None, :]  # [B, C, S, S]
    first_occ = jnp.argmax(eq2, axis=-1)  # [B, C, S] first position with same content
    pos = jnp.arange(S)
    is_first = (first_occ == pos).astype(jnp.int32)  # new group opened at this rank
    grp_cum = jnp.cumsum(is_first, axis=-1)
    group_ids = jnp.take_along_axis(grp_cum, first_occ, axis=-1) - 1  # [B, C, S]
    # validity: only first num_sentences[b] ranks and first num_codes[b] codes are used
    valid_i = pos[None, None, :] < num_sentences[:, None, None]
    valid_c = jnp.arange(C)[None, :, None] < num_codes[:, None, None]
    group_ids = jnp.where(valid_i & valid_c, group_ids, -1)
    return sentence_attention, sorted_indices, group_ids

if __name__ == "__main__":
    import jax
    _d = setup_inputs()
    print(jax.jit(kernel)(*tuple(_d.values())))

</pallas_src>

<mosaic_0001>
#map = affine_map<(d0, d1) -> (0, 0)>
#map1 = affine_map<(d0, d1) -> (0)>
module attributes {stable_mosaic.version = 14 : i64} {
  func.func @_sc_group_kernel(%arg0: i32, %arg1: i32, %arg2: memref<64x512xi32, #tpu.memory_space<hbm>>, %arg3: memref<8x512xi32, #tpu.memory_space<hbm>>, %arg4: memref<64xi32, #tpu.memory_space<hbm>>, %arg5: memref<64x512xi32, #tpu.memory_space<hbm>>, %arg6: memref<64x512xi32, #tpu.memory_space<hbm>>, %arg7: memref<512xi32, #tpu.memory_space<vmem>>, %arg8: memref<512xi32, #tpu.memory_space<vmem>>, %arg9: memref<512xi32, #tpu.memory_space<vmem>>, %arg10: memref<512xi32, #tpu.memory_space<vmem>>, %arg11: memref<512xi32, #tpu.memory_space<vmem>>, %arg12: memref<512xi32, #tpu.memory_space<vmem>>, %arg13: memref<16xi32, #tpu.memory_space<vmem>>, %arg14: memref<64xi32, #tpu.memory_space<vmem>>) attributes {dimension_semantics = [#tpu.dimension_semantics<core_parallel>, #tpu.dimension_semantics<subcore_parallel>], iteration_bounds = array<i64: 2, 16>, scalar_prefetch = 0 : i64, scratch_operands = 8 : i64, tpu.core_type = #tpu.core_type<sc_vector_subcore>, window_params = [{transform_indices = #map}, {transform_indices = #map}, {transform_indices = #map1}, {transform_indices = #map}, {transform_indices = #map}]} {
    %mul3A = arith.constant 2 : i32
    %mul3A_0 = arith.muli %arg1, %mul3A : i32
    %add3A = arith.addi %mul3A_0, %arg0 : i32
    "tpu.region"() ({
      %run_scoped3A = tpu.sem_alloc : memref<!tpu.dma_semaphore, #tpu.memory_space<semaphore_mem>>
      tpu.enqueue_dma source(%arg4 : memref<64xi32, #tpu.memory_space<hbm>>) target(%arg14 : memref<64xi32, #tpu.memory_space<vmem>>) target_semaphore(%run_scoped3A : memref<!tpu.dma_semaphore, #tpu.memory_space<semaphore_mem>>)
      tpu.wait_dma2 semaphore(%run_scoped3A : memref<!tpu.dma_semaphore, #tpu.memory_space<semaphore_mem>>) src(%arg4 : memref<64xi32, #tpu.memory_space<hbm>>) dst(%arg14 : memref<64xi32, #tpu.memory_space<vmem>>)
      tpu.yield
    }) : () -> ()
    %iota3A = tpu.iota {dimensions = array<i32: 0>} : vector<16xi32>
    %broadcast_in_dim3A = arith.constant -1 : i32
    %broadcast_in_dim3A_1 = vector.broadcast %broadcast_in_dim3A : i32 to vector<16xi32>
    %mul3A_2 = arith.constant 2 : i32
    %mul3A_3 = arith.muli %add3A, %mul3A_2 : i32
    %add3A_4 = arith.constant 0 : i32
    %add3A_5 = arith.addi %mul3A_3, %add3A_4 : i32
    %jit3A = arith.constant 8 : i32
    %div3A = arith.divsi %add3A_5, %jit3A : i32
    %sign3A = arith.constant 0 : i32
    %sign3A_6 = arith.cmpi sgt, %add3A_5, %sign3A : i32
    %sign3A_7 = arith.extui %sign3A_6 : i1 to i32
    %sign3A_8 = arith.constant 0 : i32
    %sign3A_9 = arith.cmpi slt, %add3A_5, %sign3A_8 : i32
    %sign3A_10 = arith.extui %sign3A_9 : i1 to i32
    %sign3A_11 = arith.subi %sign3A_7, %sign3A_10 : i32
    %sign3A_12 = arith.constant 0 : i32
    %sign3A_13 = arith.cmpi sgt, %jit3A, %sign3A_12 : i32
    %sign3A_14 = arith.extui %sign3A_13 : i1 to i32
    %sign3A_15 = arith.constant 0 : i32
    %sign3A_16 = arith.cmpi slt, %jit3A, %sign3A_15 : i32
    %sign3A_17 = arith.extui %sign3A_16 : i1 to i32
    %sign3A_18 = arith.subi %sign3A_14, %sign3A_17 : i32
    %ne3A = arith.cmpi ne, %sign3A_11, %sign3A_18 : i32
    %rem3A = arith.remsi %add3A_5, %jit3A : i32
    %ne3A_19 = arith.constant 0 : i32
    %ne3A_20 = arith.cmpi ne, %rem3A, %ne3A_19 : i32
    %and3A = arith.andi %ne3A, %ne3A_20 : i1
    %sub3A = arith.constant 1 : i32
    %sub3A_21 = arith.subi %div3A, %sub3A : i32
    %select_n3A = arith.select %and3A, %sub3A_21, %div3A : i32
    "tpu.region"() ({
      %run_scoped3A = tpu.sem_alloc : memref<!tpu.dma_semaphore, #tpu.memory_space<semaphore_mem>>
      %dma_start3A = arith.constant 0 : i32
      %dma_start3A_90 = tpu.memref_slice %arg2[%add3A_5, %dma_start3A] : memref<64x512xi32, #tpu.memory_space<hbm>> -> memref<1x512xi32, #tpu.memory_space<hbm>>
      %dma_start3A_91 = tpu.memref_squeeze %dma_start3A_90 : memref<1x512xi32, #tpu.memory_space<hbm>> -> memref<512xi32, #tpu.memory_space<hbm>>
      %dma_start3A_92 = arith.constant 0 : i32
      %dma_start3A_93 = tpu.memref_slice %arg2[%add3A_5, %dma_start3A_92] : memref<64x512xi32, #tpu.memory_space<hbm>> -> memref<1x512xi32, #tpu.memory_space<hbm>>
      %dma_start3A_94 = tpu.memref_squeeze %dma_start3A_93 : memref<1x512xi32, #tpu.memory_space<hbm>> -> memref<512xi32, #tpu.memory_space<hbm>>
      tpu.enqueue_dma source(%dma_start3A_94 : memref<512xi32, #tpu.memory_space<hbm>>) target(%arg7 : memref<512xi32, #tpu.memory_space<vmem>>) target_semaphore(%run_scoped3A : memref<!tpu.dma_semaphore, #tpu.memory_space<semaphore_mem>>)
      %dma_wait3A = arith.constant 0 : i32
      %dma_wait3A_95 = tpu.memref_slice %arg2[%add3A_5, %dma_wait3A] : memref<64x512xi32, #tpu.memory_space<hbm>> -> memref<1x512xi32, #tpu.memory_space<hbm>>
      %dma_wait3A_96 = tpu.memref_squeeze %dma_wait3A_95 : memref<1x512xi32, #tpu.memory_space<hbm>> -> memref<512xi32, #tpu.memory_space<hbm>>
      %dma_wait3A_97 = arith.constant 0 : i32
      %dma_wait3A_98 = tpu.memref_slice %arg2[%add3A_5, %dma_wait3A_97] : memref<64x512xi32, #tpu.memory_space<hbm>> -> memref<1x512xi32, #tpu.memory_space<hbm>>
      %dma_wait3A_99 = tpu.memref_squeeze %dma_wait3A_98 : memref<1x512xi32, #tpu.memory_space<hbm>> -> memref<512xi32, #tpu.memory_space<hbm>>
      tpu.wait_dma2 semaphore(%run_scoped3A : memref<!tpu.dma_semaphore, #tpu.memory_space<semaphore_mem>>) src(%dma_wait3A_99 : memref<512xi32, #tpu.memory_space<hbm>>) dst(%arg7 : memref<512xi32, #tpu.memory_space<vmem>>)
      tpu.yield
    }) : () -> ()
    "tpu.region"() ({
      %run_scoped3A = tpu.sem_alloc : memref<!tpu.dma_semaphore, #tpu.memory_space<semaphore_mem>>
      %dma_start3A = arith.constant 0 : i32
      %dma_start3A_90 = tpu.memref_slice %arg3[%select_n3A, %dma_start3A] : memref<8x512xi32, #tpu.memory_space<hbm>> -> memref<1x512xi32, #tpu.memory_space<hbm>>
      %dma_start3A_91 = tpu.memref_squeeze %dma_start3A_90 : memref<1x512xi32, #tpu.memory_space<hbm>> -> memref<512xi32, #tpu.memory_space<hbm>>
      %dma_start3A_92 = arith.constant 0 : i32
      %dma_start3A_93 = tpu.memref_slice %arg3[%select_n3A, %dma_start3A_92] : memref<8x512xi32, #tpu.memory_space<hbm>> -> memref<1x512xi32, #tpu.memory_space<hbm>>
      %dma_start3A_94 = tpu.memref_squeeze %dma_start3A_93 : memref<1x512xi32, #tpu.memory_space<hbm>> -> memref<512xi32, #tpu.memory_space<hbm>>
      tpu.enqueue_dma source(%dma_start3A_94 : memref<512xi32, #tpu.memory_space<hbm>>) target(%arg8 : memref<512xi32, #tpu.memory_space<vmem>>) target_semaphore(%run_scoped3A : memref<!tpu.dma_semaphore, #tpu.memory_space<semaphore_mem>>)
      %dma_wait3A = arith.constant 0 : i32
      %dma_wait3A_95 = tpu.memref_slice %arg3[%select_n3A, %dma_wait3A] : memref<8x512xi32, #tpu.memory_space<hbm>> -> memref<1x512xi32, #tpu.memory_space<hbm>>
      %dma_wait3A_96 = tpu.memref_squeeze %dma_wait3A_95 : memref<1x512xi32, #tpu.memory_space<hbm>> -> memref<512xi32, #tpu.memory_space<hbm>>
      %dma_wait3A_97 = arith.constant 0 : i32
      %dma_wait3A_98 = tpu.memref_slice %arg3[%select_n3A, %dma_wait3A_97] : memref<8x512xi32, #tpu.memory_space<hbm>> -> memref<1x512xi32, #tpu.memory_space<hbm>>
      %dma_wait3A_99 = tpu.memref_squeeze %dma_wait3A_98 : memref<1x512xi32, #tpu.memory_space<hbm>> -> memref<512xi32, #tpu.memory_space<hbm>>
      tpu.wait_dma2 semaphore(%run_scoped3A : memref<!tpu.dma_semaphore, #tpu.memory_space<semaphore_mem>>) src(%dma_wait3A_99 : memref<512xi32, #tpu.memory_space<hbm>>) dst(%arg8 : memref<512xi32, #tpu.memory_space<vmem>>)
      tpu.yield
    }) : () -> ()
    %scan3A = arith.constant 0 : i32
    %scan3A_22 = arith.constant 0 : i32
    %scan3A_23 = arith.constant 32 : i32
    %scan3A_24 = arith.addi %scan3A_22, %scan3A_23 : i32
    %scan3A_25 = arith.constant 1 : i32
    scf.for %scan3A_90 = %scan3A_22 to %scan3A_24 step %scan3A_25  : i32 {
      %mul3A_91 = arith.constant 16 : i32
      %mul3A_92 = arith.muli %scan3A_90, %mul3A_91 : i32
      %swap3A = arith.index_cast %mul3A_92 : i32 to index
      %swap3A_93 = tpu.vector_load %arg12[%swap3A] {strides = array<i32>} : memref<512xi32, #tpu.memory_space<vmem>>, vector<16xi32>,
      tpu.vector_store %arg12[%swap3A], %broadcast_in_dim3A_1 {strides = array<i32>} : memref<512xi32, #tpu.memory_space<vmem>>, vector<16xi32>,
    }
    %scan3A_26 = arith.constant 32 : i32
    %scan3A_27 = arith.constant 0 : i32
    %scan3A_28 = arith.constant 0 : i32
    %scan3A_29 = arith.constant 32 : i32
    %scan3A_30 = arith.addi %scan3A_28, %scan3A_29 : i32
    %scan3A_31 = arith.constant 1 : i32
    scf.for %scan3A_90 = %scan3A_28 to %scan3A_30 step %scan3A_31  : i32 {
      %mul3A_91 = arith.constant 16 : i32
      %mul3A_92 = arith.muli %scan3A_90, %mul3A_91 : i32
      %get3A = arith.index_cast %mul3A_92 : i32 to index
      %get3A_93 = tpu.vector_load %arg7[%get3A] {strides = array<i32>} : memref<512xi32, #tpu.memory_space<vmem>>, vector<16xi32>,
      %mul3A_94 = arith.constant 16 : i32
      %mul3A_95 = arith.muli %scan3A_90, %mul3A_94 : i32
      %add3A_96 = vector.broadcast %mul3A_95 : i32 to vector<16xi32>
      %add3A_97 = arith.addi %iota3A, %add3A_96 : vector<16xi32>
      tpu.vector_store_idx %arg9[%get3A_93], %add3A_97 : memref<512xi32, #tpu.memory_space<vmem>>[vector<16xi32>], vector<16xi32>,
      %mul3A_98 = arith.constant 16 : i32
      %mul3A_99 = arith.muli %scan3A_90, %mul3A_98 : i32
      %get3A_100 = arith.index_cast %mul3A_99 : i32 to index
      %get3A_101 = tpu.vector_load %arg8[%get3A_100] {strides = array<i32>} : memref<512xi32, #tpu.memory_space<vmem>>, vector<16xi32>,
      tpu.vector_store_idx %arg10[%get3A_93], %get3A_101 : memref<512xi32, #tpu.memory_space<vmem>>[vector<16xi32>], vector<16xi32>,
    }
    %scan3A_32 = arith.constant 32 : i32
    %broadcast_in_dim3A_33 = vector.broadcast %add3A_5 : i32 to vector<16xi32>
    %gather3A = tpu.vector_load_idx %arg14[%broadcast_in_dim3A_33] : memref<64xi32, #tpu.memory_space<vmem>>[vector<16xi32>], vector<16xi32>,
    %scan3A_34 = arith.constant 0 : i32
    %scan3A_35 = arith.constant 0 : i32
    %scan3A_36 = arith.constant 32 : i32
    %scan3A_37 = arith.addi %scan3A_35, %scan3A_36 : i32
    %scan3A_38 = arith.constant 1 : i32
    %scan3A_39 = scf.for %scan3A_90 = %scan3A_35 to %scan3A_37 step %scan3A_38 iter_args(%scan3A_91 = %scan3A_34) -> (i32)  : i32 {
      %mul3A_92 = arith.constant 16 : i32
      %mul3A_93 = arith.muli %scan3A_90, %mul3A_92 : i32
      %get3A = arith.index_cast %mul3A_93 : i32 to index
      %get3A_94 = tpu.vector_load %arg10[%get3A] {strides = array<i32>} : memref<512xi32, #tpu.memory_space<vmem>>, vector<16xi32>,
      %mul3A_95 = arith.constant 16 : i32
      %mul3A_96 = vector.broadcast %mul3A_95 : i32 to vector<16xi32>
      %mul3A_97 = arith.muli %get3A_94, %mul3A_96 : vector<16xi32>
      %add3A_98 = arith.addi %mul3A_97, %iota3A : vector<16xi32>
      %sort3A = arith.constant dense<true> : vector<16xi1>
      %sort3A_99, %sort3A_100, %sort3A_101 = tpu.sort %add3A_98, %add3A_98 masked %sort3A : (vector<16xi32>, vector<16xi32>, vector<16xi1>) -> (vector<16xi1>, vector<16xi32>, vector<16xi32>)
      %shift_right_arithmetic3A = arith.constant 4 : i32
      %shift_right_arithmetic3A_102 = vector.broadcast %shift_right_arithmetic3A : i32 to vector<16xi32>
      %shift_right_arithmetic3A_103 = arith.shrsi %sort3A_100, %shift_right_arithmetic3A_102 : vector<16xi32>
      %and3A_104 = arith.constant 15 : i32
      %and3A_105 = vector.broadcast %and3A_104 : i32 to vector<16xi32>
      %and3A_106 = arith.andi %sort3A_100, %and3A_105 : vector<16xi32>
      %swap3A = arith.constant 0 : index
      %swap3A_107 = tpu.vector_load %arg13[%swap3A] {strides = array<i32>} : memref<16xi32, #tpu.memory_space<vmem>>, vector<16xi32>,
      tpu.vector_store %arg13[%swap3A], %shift_right_arithmetic3A_103 {strides = array<i32>} : memref<16xi32, #tpu.memory_space<vmem>>, vector<16xi32>,
      %add3A_108 = arith.constant 15 : i32
      %add3A_109 = vector.broadcast %add3A_108 : i32 to vector<16xi32>
      %add3A_110 = arith.addi %iota3A, %add3A_109 : vector<16xi32>
      %and3A_111 = arith.constant 15 : i32
      %and3A_112 = vector.broadcast %and3A_111 : i32 to vector<16xi32>
      %and3A_113 = arith.andi %add3A_110, %and3A_112 : vector<16xi32>
      %gather3A_114 = tpu.vector_load_idx %arg13[%and3A_113] : memref<16xi32, #tpu.memory_space<vmem>>[vector<16xi32>], vector<16xi32>,
      %eq3A = arith.cmpi eq, %shift_right_arithmetic3A_103, %gather3A_114 : vector<16xi32>
      %ge3A = arith.constant 1 : i32
      %ge3A_115 = vector.broadcast %ge3A : i32 to vector<16xi32>
      %ge3A_116 = arith.cmpi sge, %iota3A, %ge3A_115 : vector<16xi32>
      %and3A_117 = arith.andi %eq3A, %ge3A_116 : vector<16xi1>
      %jit3A_118 = arith.constant 1 : i32
      %jit3A_119 = arith.constant 0 : i32
      %broadcast_in_dim3A_120 = vector.broadcast %jit3A_118 : i32 to vector<16xi32>
      %broadcast_in_dim3A_121 = vector.broadcast %jit3A_119 : i32 to vector<16xi32>
      %select_n3A_122 = arith.select %and3A_117, %broadcast_in_dim3A_120, %broadcast_in_dim3A_121 : vector<16xi1>, vector<16xi32>
      tpu.vector_store_idx %arg13[%and3A_106], %select_n3A_122 : memref<16xi32, #tpu.memory_space<vmem>>[vector<16xi32>], vector<16xi32>,
      %get3A_123 = arith.constant 0 : index
      %get3A_124 = tpu.vector_load %arg13[%get3A_123] {strides = array<i32>} : memref<16xi32, #tpu.memory_space<vmem>>, vector<16xi32>,
      %ne3A_125 = arith.constant 0 : i32
      %ne3A_126 = vector.broadcast %ne3A_125 : i32 to vector<16xi32>
      %ne3A_127 = arith.cmpi ne, %get3A_124, %ne3A_126 : vector<16xi32>
      %gather3A_128 = tpu.vector_load_idx %arg12[%get3A_94] : memref<512xi32, #tpu.memory_space<vmem>>[vector<16xi32>], vector<16xi32>,
      %eq3A_129 = arith.constant -1 : i32
      %eq3A_130 = vector.broadcast %eq3A_129 : i32 to vector<16xi32>
      %eq3A_131 = arith.cmpi eq, %gather3A_128, %eq3A_130 : vector<16xi32>
      %not3A = arith.constant dense<true> : vector<16xi1>
      %not3A_132 = arith.xori %ne3A_127, %not3A : vector<16xi1>
      %and3A_133 = arith.andi %eq3A_131, %not3A_132 : vector<16xi1>
      %convert_element_type3A = arith.extui %and3A_133 : vector<16xi1> to vector<16xi32>
      %broadcast_in_dim3A_134 = arith.constant true
      %broadcast_in_dim3A_135 = vector.broadcast %broadcast_in_dim3A_134 : i1 to vector<16xi1>
      %masked_cumsum3A = tpu.scan <sum>, %convert_element_type3A masked %broadcast_in_dim3A_135 : vector<16xi32>, vector<16xi1> -> vector<16xi32>
      %sub3A_136 = arith.subi %masked_cumsum3A, %convert_element_type3A : vector<16xi32>
      %add3A_137 = vector.broadcast %scan3A_91 : i32 to vector<16xi32>
      %add3A_138 = arith.addi %add3A_137, %sub3A_136 : vector<16xi32>
      tpu.vector_store_idx %arg12[%get3A_94], %add3A_138 masked %and3A_133 : memref<512xi32, #tpu.memory_space<vmem>>[vector<16xi32>], vector<16xi32>, vector<16xi1>
      %gather3A_139 = tpu.vector_load_idx %arg12[%get3A_94] : memref<512xi32, #tpu.memory_space<vmem>>[vector<16xi32>], vector<16xi32>,
      %mul3A_140 = arith.constant 16 : i32
      %mul3A_141 = arith.muli %scan3A_90, %mul3A_140 : i32
      %add3A_142 = vector.broadcast %mul3A_141 : i32 to vector<16xi32>
      %add3A_143 = arith.addi %iota3A, %add3A_142 : vector<16xi32>
      %lt3A = arith.cmpi slt, %add3A_143, %gather3A : vector<16xi32>
      %jit3A_144 = arith.constant -1 : i32
      %broadcast_in_dim3A_145 = vector.broadcast %jit3A_144 : i32 to vector<16xi32>
      %select_n3A_146 = arith.select %lt3A, %gather3A_139, %broadcast_in_dim3A_145 : vector<16xi1>, vector<16xi32>
      %mul3A_147 = arith.constant 16 : i32
      %mul3A_148 = arith.muli %scan3A_90, %mul3A_147 : i32
      %swap3A_149 = arith.index_cast %mul3A_148 : i32 to index
      %swap3A_150 = tpu.vector_load %arg11[%swap3A_149] {strides = array<i32>} : memref<512xi32, #tpu.memory_space<vmem>>, vector<16xi32>,
      tpu.vector_store %arg11[%swap3A_149], %select_n3A_146 {strides = array<i32>} : memref<512xi32, #tpu.memory_space<vmem>>, vector<16xi32>,
      %all_reduce_population_count3A = tpu.all_reduce %and3A_133 {dim = 0 : i64, kind = #tpu.reduction_kind<sum>} : vector<16xi1> -> vector<16xi32>
      %reduce_max3A = arith.constant true
      %reduce_max3A_151 = vector.broadcast %reduce_max3A : i1 to vector<16xi1>
      %reduce_max3A_152 = arith.constant -2147483648 : i32
      %reduce_max3A_153 = vector.broadcast %reduce_max3A_152 : i32 to vector<16xi32>
      %reduce_max3A_154 = arith.xori %all_reduce_population_count3A, %reduce_max3A_153 : vector<16xi32>
      %reduce_max3A_155 = tpu.scan <max>, %reduce_max3A_154 masked %reduce_max3A_151 : vector<16xi32>, vector<16xi1> -> vector<16xi32>
      %reduce_max3A_156 = arith.xori %reduce_max3A_155, %reduce_max3A_153 : vector<16xi32>
      %reduce_max3A_157 = vector.extract %reduce_max3A_156[15] : i32 from vector<16xi32>
      %add3A_158 = arith.addi %scan3A_91, %reduce_max3A_157 : i32
      scf.yield %add3A_158 : i32
    }
    %scan3A_40 = arith.constant 32 : i32
    "tpu.region"() ({
      %run_scoped3A = tpu.sem_alloc : memref<!tpu.dma_semaphore, #tpu.memory_space<semaphore_mem>>
      %dma_start3A = arith.constant 0 : i32
      %dma_start3A_90 = tpu.memref_slice %arg5[%add3A_5, %dma_start3A] : memref<64x512xi32, #tpu.memory_space<hbm>> -> memref<1x512xi32, #tpu.memory_space<hbm>>
      %dma_start3A_91 = tpu.memref_squeeze %dma_start3A_90 : memref<1x512xi32, #tpu.memory_space<hbm>> -> memref<512xi32, #tpu.memory_space<hbm>>
      %dma_start3A_92 = arith.constant 0 : i32
      %dma_start3A_93 = tpu.memref_slice %arg5[%add3A_5, %dma_start3A_92] : memref<64x512xi32, #tpu.memory_space<hbm>> -> memref<1x512xi32, #tpu.memory_space<hbm>>
      %dma_start3A_94 = tpu.memref_squeeze %dma_start3A_93 : memref<1x512xi32, #tpu.memory_space<hbm>> -> memref<512xi32, #tpu.memory_space<hbm>>
      tpu.enqueue_dma source(%arg9 : memref<512xi32, #tpu.memory_space<vmem>>) target(%dma_start3A_94 : memref<512xi32, #tpu.memory_space<hbm>>) target_semaphore(%run_scoped3A : memref<!tpu.dma_semaphore, #tpu.memory_space<semaphore_mem>>)
      %dma_wait3A = arith.constant 0 : i32
      %dma_wait3A_95 = tpu.memref_slice %arg5[%add3A_5, %dma_wait3A] : memref<64x512xi32, #tpu.memory_space<hbm>> -> memref<1x512xi32, #tpu.memory_space<hbm>>
      %dma_wait3A_96 = tpu.memref_squeeze %dma_wait3A_95 : memref<1x512xi32, #tpu.memory_space<hbm>> -> memref<512xi32, #tpu.memory_space<hbm>>
      %dma_wait3A_97 = arith.constant 0 : i32
      %dma_wait3A_98 = tpu.memref_slice %arg5[%add3A_5, %dma_wait3A_97] : memref<64x512xi32, #tpu.memory_space<hbm>> -> memref<1x512xi32, #tpu.memory_space<hbm>>
      %dma_wait3A_99 = tpu.memref_squeeze %dma_wait3A_98 : memref<1x512xi32, #tpu.memory_space<hbm>> -> memref<512xi32, #tpu.memory_space<hbm>>
      tpu.wait_dma2 semaphore(%run_scoped3A : memref<!tpu.dma_semaphore, #tpu.memory_space<semaphore_mem>>) src(%arg9 : memref<512xi32, #tpu.memory_space<vmem>>) dst(%dma_wait3A_99 : memref<512xi32, #tpu.memory_space<hbm>>)
      tpu.yield
    }) : () -> ()
    "tpu.region"() ({
      %run_scoped3A = tpu.sem_alloc : memref<!tpu.dma_semaphore, #tpu.memory_space<semaphore_mem>>
      %dma_start3A = arith.constant 0 : i32
      %dma_start3A_90 = tpu.memref_slice %arg6[%add3A_5, %dma_start3A] : memref<64x512xi32, #tpu.memory_space<hbm>> -> memref<1x512xi32, #tpu.memory_space<hbm>>
      %dma_start3A_91 = tpu.memref_squeeze %dma_start3A_90 : memref<1x512xi32, #tpu.memory_space<hbm>> -> memref<512xi32, #tpu.memory_space<hbm>>
      %dma_start3A_92 = arith.constant 0 : i32
      %dma_start3A_93 = tpu.memref_slice %arg6[%add3A_5, %dma_start3A_92] : memref<64x512xi32, #tpu.memory_space<hbm>> -> memref<1x512xi32, #tpu.memory_space<hbm>>
      %dma_start3A_94 = tpu.memref_squeeze %dma_start3A_93 : memref<1x512xi32, #tpu.memory_space<hbm>> -> memref<512xi32, #tpu.memory_space<hbm>>
      tpu.enqueue_dma source(%arg11 : memref<512xi32, #tpu.memory_space<vmem>>) target(%dma_start3A_94 : memref<512xi32, #tpu.memory_space<hbm>>) target_semaphore(%run_scoped3A : memref<!tpu.dma_semaphore, #tpu.memory_space<semaphore_mem>>)
      %dma_wait3A = arith.constant 0 : i32
      %dma_wait3A_95 = tpu.memref_slice %arg6[%add3A_5, %dma_wait3A] : memref<64x512xi32, #tpu.memory_space<hbm>> -> memref<1x512xi32, #tpu.memory_space<hbm>>
      %dma_wait3A_96 = tpu.memref_squeeze %dma_wait3A_95 : memref<1x512xi32, #tpu.memory_space<hbm>> -> memref<512xi32, #tpu.memory_space<hbm>>
      %dma_wait3A_97 = arith.constant 0 : i32
      %dma_wait3A_98 = tpu.memref_slice %arg6[%add3A_5, %dma_wait3A_97] : memref<64x512xi32, #tpu.memory_space<hbm>> -> memref<1x512xi32, #tpu.memory_space<hbm>>
      %dma_wait3A_99 = tpu.memref_squeeze %dma_wait3A_98 : memref<1x512xi32, #tpu.memory_space<hbm>> -> memref<512xi32, #tpu.memory_space<hbm>>
      tpu.wait_dma2 semaphore(%run_scoped3A : memref<!tpu.dma_semaphore, #tpu.memory_space<semaphore_mem>>) src(%arg11 : memref<512xi32, #tpu.memory_space<vmem>>) dst(%dma_wait3A_99 : memref<512xi32, #tpu.memory_space<hbm>>)
      tpu.yield
    }) : () -> ()
    %mul3A_41 = arith.constant 2 : i32
    %mul3A_42 = arith.muli %add3A, %mul3A_41 : i32
    %add3A_43 = arith.constant 1 : i32
    %add3A_44 = arith.addi %mul3A_42, %add3A_43 : i32
    %jit3A_45 = arith.constant 8 : i32
    %div3A_46 = arith.divsi %add3A_44, %jit3A_45 : i32
    %sign3A_47 = arith.constant 0 : i32
    %sign3A_48 = arith.cmpi sgt, %add3A_44, %sign3A_47 : i32
    %sign3A_49 = arith.extui %sign3A_48 : i1 to i32
    %sign3A_50 = arith.constant 0 : i32
    %sign3A_51 = arith.cmpi slt, %add3A_44, %sign3A_50 : i32
    %sign3A_52 = arith.extui %sign3A_51 : i1 to i32
    %sign3A_53 = arith.subi %sign3A_49, %sign3A_52 : i32
    %sign3A_54 = arith.constant 0 : i32
    %sign3A_55 = arith.cmpi sgt, %jit3A_45, %sign3A_54 : i32
    %sign3A_56 = arith.extui %sign3A_55 : i1 to i32
    %sign3A_57 = arith.constant 0 : i32
    %sign3A_58 = arith.cmpi slt, %jit3A_45, %sign3A_57 : i32
    %sign3A_59 = arith.extui %sign3A_58 : i1 to i32
    %sign3A_60 = arith.subi %sign3A_56, %sign3A_59 : i32
    %ne3A_61 = arith.cmpi ne, %sign3A_53, %sign3A_60 : i32
    %rem3A_62 = arith.remsi %add3A_44, %jit3A_45 : i32
    %ne3A_63 = arith.constant 0 : i32
    %ne3A_64 = arith.cmpi ne, %rem3A_62, %ne3A_63 : i32
    %and3A_65 = arith.andi %ne3A_61, %ne3A_64 : i1
    %sub3A_66 = arith.constant 1 : i32
    %sub3A_67 = arith.subi %div3A_46, %sub3A_66 : i32
    %select_n3A_68 = arith.select %and3A_65, %sub3A_67, %div3A_46 : i32
    "tpu.region"() ({
      %run_scoped3A = tpu.sem_alloc : memref<!tpu.dma_semaphore, #tpu.memory_space<semaphore_mem>>
      %dma_start3A = arith.constant 0 : i32
      %dma_start3A_90 = tpu.memref_slice %arg2[%add3A_44, %dma_start3A] : memref<64x512xi32, #tpu.memory_space<hbm>> -> memref<1x512xi32, #tpu.memory_space<hbm>>
      %dma_start3A_91 = tpu.memref_squeeze %dma_start3A_90 : memref<1x512xi32, #tpu.memory_space<hbm>> -> memref<512xi32, #tpu.memory_space<hbm>>
      %dma_start3A_92 = arith.constant 0 : i32
      %dma_start3A_93 = tpu.memref_slice %arg2[%add3A_44, %dma_start3A_92] : memref<64x512xi32, #tpu.memory_space<hbm>> -> memref<1x512xi32, #tpu.memory_space<hbm>>
      %dma_start3A_94 = tpu.memref_squeeze %dma_start3A_93 : memref<1x512xi32, #tpu.memory_space<hbm>> -> memref<512xi32, #tpu.memory_space<hbm>>
      tpu.enqueue_dma source(%dma_start3A_94 : memref<512xi32, #tpu.memory_space<hbm>>) target(%arg7 : memref<512xi32, #tpu.memory_space<vmem>>) target_semaphore(%run_scoped3A : memref<!tpu.dma_semaphore, #tpu.memory_space<semaphore_mem>>)
      %dma_wait3A = arith.constant 0 : i32
      %dma_wait3A_95 = tpu.memref_slice %arg2[%add3A_44, %dma_wait3A] : memref<64x512xi32, #tpu.memory_space<hbm>> -> memref<1x512xi32, #tpu.memory_space<hbm>>
      %dma_wait3A_96 = tpu.memref_squeeze %dma_wait3A_95 : memref<1x512xi32, #tpu.memory_space<hbm>> -> memref<512xi32, #tpu.memory_space<hbm>>
      %dma_wait3A_97 = arith.constant 0 : i32
      %dma_wait3A_98 = tpu.memref_slice %arg2[%add3A_44, %dma_wait3A_97] : memref<64x512xi32, #tpu.memory_space<hbm>> -> memref<1x512xi32, #tpu.memory_space<hbm>>
      %dma_wait3A_99 = tpu.memref_squeeze %dma_wait3A_98 : memref<1x512xi32, #tpu.memory_space<hbm>> -> memref<512xi32, #tpu.memory_space<hbm>>
      tpu.wait_dma2 semaphore(%run_scoped3A : memref<!tpu.dma_semaphore, #tpu.memory_space<semaphore_mem>>) src(%dma_wait3A_99 : memref<512xi32, #tpu.memory_space<hbm>>) dst(%arg7 : memref<512xi32, #tpu.memory_space<vmem>>)
      tpu.yield
    }) : () -> ()
    "tpu.region"() ({
      %run_scoped3A = tpu.sem_alloc : memref<!tpu.dma_semaphore, #tpu.memory_space<semaphore_mem>>
      %dma_start3A = arith.constant 0 : i32
      %dma_start3A_90 = tpu.memref_slice %arg3[%select_n3A_68, %dma_start3A] : memref<8x512xi32, #tpu.memory_space<hbm>> -> memref<1x512xi32, #tpu.memory_space<hbm>>
      %dma_start3A_91 = tpu.memref_squeeze %dma_start3A_90 : memref<1x512xi32, #tpu.memory_space<hbm>> -> memref<512xi32, #tpu.memory_space<hbm>>
      %dma_start3A_92 = arith.constant 0 : i32
      %dma_start3A_93 = tpu.memref_slice %arg3[%select_n3A_68, %dma_start3A_92] : memref<8x512xi32, #tpu.memory_space<hbm>> -> memref<1x512xi32, #tpu.memory_space<hbm>>
      %dma_start3A_94 = tpu.memref_squeeze %dma_start3A_93 : memref<1x512xi32, #tpu.memory_space<hbm>> -> memref<512xi32, #tpu.memory_space<hbm>>
      tpu.enqueue_dma source(%dma_start3A_94 : memref<512xi32, #tpu.memory_space<hbm>>) target(%arg8 : memref<512xi32, #tpu.memory_space<vmem>>) target_semaphore(%run_scoped3A : memref<!tpu.dma_semaphore, #tpu.memory_space<semaphore_mem>>)
      %dma_wait3A = arith.constant 0 : i32
      %dma_wait3A_95 = tpu.memref_slice %arg3[%select_n3A_68, %dma_wait3A] : memref<8x512xi32, #tpu.memory_space<hbm>> -> memref<1x512xi32, #tpu.memory_space<hbm>>
      %dma_wait3A_96 = tpu.memref_squeeze %dma_wait3A_95 : memref<1x512xi32, #tpu.memory_space<hbm>> -> memref<512xi32, #tpu.memory_space<hbm>>
      %dma_wait3A_97 = arith.constant 0 : i32
      %dma_wait3A_98 = tpu.memref_slice %arg3[%select_n3A_68, %dma_wait3A_97] : memref<8x512xi32, #tpu.memory_space<hbm>> -> memref<1x512xi32, #tpu.memory_space<hbm>>
      %dma_wait3A_99 = tpu.memref_squeeze %dma_wait3A_98 : memref<1x512xi32, #tpu.memory_space<hbm>> -> memref<512xi32, #tpu.memory_space<hbm>>
      tpu.wait_dma2 semaphore(%run_scoped3A : memref<!tpu.dma_semaphore, #tpu.memory_space<semaphore_mem>>) src(%dma_wait3A_99 : memref<512xi32, #tpu.memory_space<hbm>>) dst(%arg8 : memref<512xi32, #tpu.memory_space<vmem>>)
      tpu.yield
    }) : () -> ()
    %scan3A_69 = arith.constant 0 : i32
    %scan3A_70 = arith.constant 0 : i32
    %scan3A_71 = arith.constant 32 : i32
    %scan3A_72 = arith.addi %scan3A_70, %scan3A_71 : i32
    %scan3A_73 = arith.constant 1 : i32
    scf.for %scan3A_90 = %scan3A_70 to %scan3A_72 step %scan3A_73  : i32 {
      %mul3A_91 = arith.constant 16 : i32
      %mul3A_92 = arith.muli %scan3A_90, %mul3A_91 : i32
      %swap3A = arith.index_cast %mul3A_92 : i32 to index
      %swap3A_93 = tpu.vector_load %arg12[%swap3A] {strides = array<i32>} : memref<512xi32, #tpu.memory_space<vmem>>, vector<16xi32>,
      tpu.vector_store %arg12[%swap3A], %broadcast_in_dim3A_1 {strides = array<i32>} : memref<512xi32, #tpu.memory_space<vmem>>, vector<16xi32>,
    }
    %scan3A_74 = arith.constant 32 : i32
    %scan3A_75 = arith.constant 0 : i32
    %scan3A_76 = arith.constant 0 : i32
    %scan3A_77 = arith.constant 32 : i32
    %scan3A_78 = arith.addi %scan3A_76, %scan3A_77 : i32
    %scan3A_79 = arith.constant 1 : i32
    scf.for %scan3A_90 = %scan3A_76 to %scan3A_78 step %scan3A_79  : i32 {
      %mul3A_91 = arith.constant 16 : i32
      %mul3A_92 = arith.muli %scan3A_90, %mul3A_91 : i32
      %get3A = arith.index_cast %mul3A_92 : i32 to index
      %get3A_93 = tpu.vector_load %arg7[%get3A] {strides = array<i32>} : memref<512xi32, #tpu.memory_space<vmem>>, vector<16xi32>,
      %mul3A_94 = arith.constant 16 : i32
      %mul3A_95 = arith.muli %scan3A_90, %mul3A_94 : i32
      %add3A_96 = vector.broadcast %mul3A_95 : i32 to vector<16xi32>
      %add3A_97 = arith.addi %iota3A, %add3A_96 : vector<16xi32>
      tpu.vector_store_idx %arg9[%get3A_93], %add3A_97 : memref<512xi32, #tpu.memory_space<vmem>>[vector<16xi32>], vector<16xi32>,
      %mul3A_98 = arith.constant 16 : i32
      %mul3A_99 = arith.muli %scan3A_90, %mul3A_98 : i32
      %get3A_100 = arith.index_cast %mul3A_99 : i32 to index
      %get3A_101 = tpu.vector_load %arg8[%get3A_100] {strides = array<i32>} : memref<512xi32, #tpu.memory_space<vmem>>, vector<16xi32>,
      tpu.vector_store_idx %arg10[%get3A_93], %get3A_101 : memref<512xi32, #tpu.memory_space<vmem>>[vector<16xi32>], vector<16xi32>,
    }
    %scan3A_80 = arith.constant 32 : i32
    %broadcast_in_dim3A_81 = vector.broadcast %add3A_44 : i32 to vector<16xi32>
    %gather3A_82 = tpu.vector_load_idx %arg14[%broadcast_in_dim3A_81] : memref<64xi32, #tpu.memory_space<vmem>>[vector<16xi32>], vector<16xi32>,
    %scan3A_83 = arith.constant 0 : i32
    %scan3A_84 = arith.constant 0 : i32
    %scan3A_85 = arith.constant 32 : i32
    %scan3A_86 = arith.addi %scan3A_84, %scan3A_85 : i32
    %scan3A_87 = arith.constant 1 : i32
    %scan3A_88 = scf.for %scan3A_90 = %scan3A_84 to %scan3A_86 step %scan3A_87 iter_args(%scan3A_91 = %scan3A_83) -> (i32)  : i32 {
      %mul3A_92 = arith.constant 16 : i32
      %mul3A_93 = arith.muli %scan3A_90, %mul3A_92 : i32
      %get3A = arith.index_cast %mul3A_93 : i32 to index
      %get3A_94 = tpu.vector_load %arg10[%get3A] {strides = array<i32>} : memref<512xi32, #tpu.memory_space<vmem>>, vector<16xi32>,
      %mul3A_95 = arith.constant 16 : i32
      %mul3A_96 = vector.broadcast %mul3A_95 : i32 to vector<16xi32>
      %mul3A_97 = arith.muli %get3A_94, %mul3A_96 : vector<16xi32>
      %add3A_98 = arith.addi %mul3A_97, %iota3A : vector<16xi32>
      %sort3A = arith.constant dense<true> : vector<16xi1>
      %sort3A_99, %sort3A_100, %sort3A_101 = tpu.sort %add3A_98, %add3A_98 masked %sort3A : (vector<16xi32>, vector<16xi32>, vector<16xi1>) -> (vector<16xi1>, vector<16xi32>, vector<16xi32>)
      %shift_right_arithmetic3A = arith.constant 4 : i32
      %shift_right_arithmetic3A_102 = vector.broadcast %shift_right_arithmetic3A : i32 to vector<16xi32>
      %shift_right_arithmetic3A_103 = arith.shrsi %sort3A_100, %shift_right_arithmetic3A_102 : vector<16xi32>
      %and3A_104 = arith.constant 15 : i32
      %and3A_105 = vector.broadcast %and3A_104 : i32 to vector<16xi32>
      %and3A_106 = arith.andi %sort3A_100, %and3A_105 : vector<16xi32>
      %swap3A = arith.constant 0 : index
      %swap3A_107 = tpu.vector_load %arg13[%swap3A] {strides = array<i32>} : memref<16xi32, #tpu.memory_space<vmem>>, vector<16xi32>,
      tpu.vector_store %arg13[%swap3A], %shift_right_arithmetic3A_103 {strides = array<i32>} : memref<16xi32, #tpu.memory_space<vmem>>, vector<16xi32>,
      %add3A_108 = arith.constant 15 : i32
      %add3A_109 = vector.broadcast %add3A_108 : i32 to vector<16xi32>
      %add3A_110 = arith.addi %iota3A, %add3A_109 : vector<16xi32>
      %and3A_111 = arith.constant 15 : i32
      %and3A_112 = vector.broadcast %and3A_111 : i32 to vector<16xi32>
      %and3A_113 = arith.andi %add3A_110, %and3A_112 : vector<16xi32>
      %gather3A_114 = tpu.vector_load_idx %arg13[%and3A_113] : memref<16xi32, #tpu.memory_space<vmem>>[vector<16xi32>], vector<16xi32>,
      %eq3A = arith.cmpi eq, %shift_right_arithmetic3A_103, %gather3A_114 : vector<16xi32>
      %ge3A = arith.constant 1 : i32
      %ge3A_115 = vector.broadcast %ge3A : i32 to vector<16xi32>
      %ge3A_116 = arith.cmpi sge, %iota3A, %ge3A_115 : vector<16xi32>
      %and3A_117 = arith.andi %eq3A, %ge3A_116 : vector<16xi1>
      %jit3A_118 = arith.constant 1 : i32
      %jit3A_119 = arith.constant 0 : i32
      %broadcast_in_dim3A_120 = vector.broadcast %jit3A_118 : i32 to vector<16xi32>
      %broadcast_in_dim3A_121 = vector.broadcast %jit3A_119 : i32 to vector<16xi32>
      %select_n3A_122 = arith.select %and3A_117, %broadcast_in_dim3A_120, %broadcast_in_dim3A_121 : vector<16xi1>, vector<16xi32>
      tpu.vector_store_idx %arg13[%and3A_106], %select_n3A_122 : memref<16xi32, #tpu.memory_space<vmem>>[vector<16xi32>], vector<16xi32>,
      %get3A_123 = arith.constant 0 : index
      %get3A_124 = tpu.vector_load %arg13[%get3A_123] {strides = array<i32>} : memref<16xi32, #tpu.memory_space<vmem>>, vector<16xi32>,
      %ne3A_125 = arith.constant 0 : i32
      %ne3A_126 = vector.broadcast %ne3A_125 : i32 to vector<16xi32>
      %ne3A_127 = arith.cmpi ne, %get3A_124, %ne3A_126 : vector<16xi32>
      %gather3A_128 = tpu.vector_load_idx %arg12[%get3A_94] : memref<512xi32, #tpu.memory_space<vmem>>[vector<16xi32>], vector<16xi32>,
      %eq3A_129 = arith.constant -1 : i32
      %eq3A_130 = vector.broadcast %eq3A_129 : i32 to vector<16xi32>
      %eq3A_131 = arith.cmpi eq, %gather3A_128, %eq3A_130 : vector<16xi32>
      %not3A = arith.constant dense<true> : vector<16xi1>
      %not3A_132 = arith.xori %ne3A_127, %not3A : vector<16xi1>
      %and3A_133 = arith.andi %eq3A_131, %not3A_132 : vector<16xi1>
      %convert_element_type3A = arith.extui %and3A_133 : vector<16xi1> to vector<16xi32>
      %broadcast_in_dim3A_134 = arith.constant true
      %broadcast_in_dim3A_135 = vector.broadcast %broadcast_in_dim3A_134 : i1 to vector<16xi1>
      %masked_cumsum3A = tpu.scan <sum>, %convert_element_type3A masked %broadcast_in_dim3A_135 : vector<16xi32>, vector<16xi1> -> vector<16xi32>
      %sub3A_136 = arith.subi %masked_cumsum3A, %convert_element_type3A : vector<16xi32>
      %add3A_137 = vector.broadcast %scan3A_91 : i32 to vector<16xi32>
      %add3A_138 = arith.addi %add3A_137, %sub3A_136 : vector<16xi32>
      tpu.vector_store_idx %arg12[%get3A_94], %add3A_138 masked %and3A_133 : memref<512xi32, #tpu.memory_space<vmem>>[vector<16xi32>], vector<16xi32>, vector<16xi1>
      %gather3A_139 = tpu.vector_load_idx %arg12[%get3A_94] : memref<512xi32, #tpu.memory_space<vmem>>[vector<16xi32>], vector<16xi32>,
      %mul3A_140 = arith.constant 16 : i32
      %mul3A_141 = arith.muli %scan3A_90, %mul3A_140 : i32
      %add3A_142 = vector.broadcast %mul3A_141 : i32 to vector<16xi32>
      %add3A_143 = arith.addi %iota3A, %add3A_142 : vector<16xi32>
      %lt3A = arith.cmpi slt, %add3A_143, %gather3A_82 : vector<16xi32>
      %jit3A_144 = arith.constant -1 : i32
      %broadcast_in_dim3A_145 = vector.broadcast %jit3A_144 : i32 to vector<16xi32>
      %select_n3A_146 = arith.select %lt3A, %gather3A_139, %broadcast_in_dim3A_145 : vector<16xi1>, vector<16xi32>
      %mul3A_147 = arith.constant 16 : i32
      %mul3A_148 = arith.muli %scan3A_90, %mul3A_147 : i32
      %swap3A_149 = arith.index_cast %mul3A_148 : i32 to index
      %swap3A_150 = tpu.vector_load %arg11[%swap3A_149] {strides = array<i32>} : memref<512xi32, #tpu.memory_space<vmem>>, vector<16xi32>,
      tpu.vector_store %arg11[%swap3A_149], %select_n3A_146 {strides = array<i32>} : memref<512xi32, #tpu.memory_space<vmem>>, vector<16xi32>,
      %all_reduce_population_count3A = tpu.all_reduce %and3A_133 {dim = 0 : i64, kind = #tpu.reduction_kind<sum>} : vector<16xi1> -> vector<16xi32>
      %reduce_max3A = arith.constant true
      %reduce_max3A_151 = vector.broadcast %reduce_max3A : i1 to vector<16xi1>
      %reduce_max3A_152 = arith.constant -2147483648 : i32
      %reduce_max3A_153 = vector.broadcast %reduce_max3A_152 : i32 to vector<16xi32>
      %reduce_max3A_154 = arith.xori %all_reduce_population_count3A, %reduce_max3A_153 : vector<16xi32>
      %reduce_max3A_155 = tpu.scan <max>, %reduce_max3A_154 masked %reduce_max3A_151 : vector<16xi32>, vector<16xi1> -> vector<16xi32>
      %reduce_max3A_156 = arith.xori %reduce_max3A_155, %reduce_max3A_153 : vector<16xi32>
      %reduce_max3A_157 = vector.extract %reduce_max3A_156[15] : i32 from vector<16xi32>
      %add3A_158 = arith.addi %scan3A_91, %reduce_max3A_157 : i32
      scf.yield %add3A_158 : i32
    }
    %scan3A_89 = arith.constant 32 : i32
    "tpu.region"() ({
      %run_scoped3A = tpu.sem_alloc : memref<!tpu.dma_semaphore, #tpu.memory_space<semaphore_mem>>
      %dma_start3A = arith.constant 0 : i32
      %dma_start3A_90 = tpu.memref_slice %arg5[%add3A_44, %dma_start3A] : memref<64x512xi32, #tpu.memory_space<hbm>> -> memref<1x512xi32, #tpu.memory_space<hbm>>
      %dma_start3A_91 = tpu.memref_squeeze %dma_start3A_90 : memref<1x512xi32, #tpu.memory_space<hbm>> -> memref<512xi32, #tpu.memory_space<hbm>>
      %dma_start3A_92 = arith.constant 0 : i32
      %dma_start3A_93 = tpu.memref_slice %arg5[%add3A_44, %dma_start3A_92] : memref<64x512xi32, #tpu.memory_space<hbm>> -> memref<1x512xi32, #tpu.memory_space<hbm>>
      %dma_start3A_94 = tpu.memref_squeeze %dma_start3A_93 : memref<1x512xi32, #tpu.memory_space<hbm>> -> memref<512xi32, #tpu.memory_space<hbm>>
      tpu.enqueue_dma source(%arg9 : memref<512xi32, #tpu.memory_space<vmem>>) target(%dma_start3A_94 : memref<512xi32, #tpu.memory_space<hbm>>) target_semaphore(%run_scoped3A : memref<!tpu.dma_semaphore, #tpu.memory_space<semaphore_mem>>)
      %dma_wait3A = arith.constant 0 : i32
      %dma_wait3A_95 = tpu.memref_slice %arg5[%add3A_44, %dma_wait3A] : memref<64x512xi32, #tpu.memory_space<hbm>> -> memref<1x512xi32, #tpu.memory_space<hbm>>
      %dma_wait3A_96 = tpu.memref_squeeze %dma_wait3A_95 : memref<1x512xi32, #tpu.memory_space<hbm>> -> memref<512xi32, #tpu.memory_space<hbm>>
      %dma_wait3A_97 = arith.constant 0 : i32
      %dma_wait3A_98 = tpu.memref_slice %arg5[%add3A_44, %dma_wait3A_97] : memref<64x512xi32, #tpu.memory_space<hbm>> -> memref<1x512xi32, #tpu.memory_space<hbm>>
      %dma_wait3A_99 = tpu.memref_squeeze %dma_wait3A_98 : memref<1x512xi32, #tpu.memory_space<hbm>> -> memref<512xi32, #tpu.memory_space<hbm>>
      tpu.wait_dma2 semaphore(%run_scoped3A : memref<!tpu.dma_semaphore, #tpu.memory_space<semaphore_mem>>) src(%arg9 : memref<512xi32, #tpu.memory_space<vmem>>) dst(%dma_wait3A_99 : memref<512xi32, #tpu.memory_space<hbm>>)
      tpu.yield
    }) : () -> ()
    "tpu.region"() ({
      %run_scoped3A = tpu.sem_alloc : memref<!tpu.dma_semaphore, #tpu.memory_space<semaphore_mem>>
      %dma_start3A = arith.constant 0 : i32
      %dma_start3A_90 = tpu.memref_slice %arg6[%add3A_44, %dma_start3A] : memref<64x512xi32, #tpu.memory_space<hbm>> -> memref<1x512xi32, #tpu.memory_space<hbm>>
      %dma_start3A_91 = tpu.memref_squeeze %dma_start3A_90 : memref<1x512xi32, #tpu.memory_space<hbm>> -> memref<512xi32, #tpu.memory_space<hbm>>
      %dma_start3A_92 = arith.constant 0 : i32
      %dma_start3A_93 = tpu.memref_slice %arg6[%add3A_44, %dma_start3A_92] : memref<64x512xi32, #tpu.memory_space<hbm>> -> memref<1x512xi32, #tpu.memory_space<hbm>>
      %dma_start3A_94 = tpu.memref_squeeze %dma_start3A_93 : memref<1x512xi32, #tpu.memory_space<hbm>> -> memref<512xi32, #tpu.memory_space<hbm>>
      tpu.enqueue_dma source(%arg11 : memref<512xi32, #tpu.memory_space<vmem>>) target(%dma_start3A_94 : memref<512xi32, #tpu.memory_space<hbm>>) target_semaphore(%run_scoped3A : memref<!tpu.dma_semaphore, #tpu.memory_space<semaphore_mem>>)
      %dma_wait3A = arith.constant 0 : i32
      %dma_wait3A_95 = tpu.memref_slice %arg6[%add3A_44, %dma_wait3A] : memref<64x512xi32, #tpu.memory_space<hbm>> -> memref<1x512xi32, #tpu.memory_space<hbm>>
      %dma_wait3A_96 = tpu.memref_squeeze %dma_wait3A_95 : memref<1x512xi32, #tpu.memory_space<hbm>> -> memref<512xi32, #tpu.memory_space<hbm>>
      %dma_wait3A_97 = arith.constant 0 : i32
      %dma_wait3A_98 = tpu.memref_slice %arg6[%add3A_44, %dma_wait3A_97] : memref<64x512xi32, #tpu.memory_space<hbm>> -> memref<1x512xi32, #tpu.memory_space<hbm>>
      %dma_wait3A_99 = tpu.memref_squeeze %dma_wait3A_98 : memref<1x512xi32, #tpu.memory_space<hbm>> -> memref<512xi32, #tpu.memory_space<hbm>>
      tpu.wait_dma2 semaphore(%run_scoped3A : memref<!tpu.dma_semaphore, #tpu.memory_space<semaphore_mem>>) src(%arg11 : memref<512xi32, #tpu.memory_space<vmem>>) dst(%dma_wait3A_99 : memref<512xi32, #tpu.memory_space<hbm>>)
      tpu.yield
    }) : () -> ()
    return
  }
}

module attributes {stable_mosaic.version = 14 : i64} {
  func.func @_rank_kernel(%arg0: i32, %arg1: memref<8xi32, #tpu.memory_space<smem>>, %arg2: memref<2x8x512x256xf32, #tpu.memory_space<vmem>>, %arg3: memref<2x512x16xi32, #tpu.memory_space<vmem>>, %arg4: memref<2x16x512xi32, #tpu.memory_space<vmem>>, %arg5: memref<2x512x1xi32, #tpu.memory_space<vmem>>, %arg6: memref<2x8x1x512xf32, #tpu.memory_space<vmem>>, %arg7: memref<2x8x1x512xi32, #tpu.memory_space<vmem>>, %arg8: memref<2x1x512xi32, #tpu.memory_space<vmem>>, %arg9: memref<2x8x1x1xi32, #tpu.memory_space<vmem>>) attributes {dimension_semantics = [#tpu.dimension_semantics<arbitrary>], iteration_bounds = array<i64: 4>, scalar_prefetch = 0 : i64, scratch_operands = 0 : i64, tpu.core_type = #tpu.core_type<tc>, window_params = [{transform_indices = @transform_0, window_bounds = array<i64: 8>}, {transform_indices = @transform_1, window_bounds = array<i64: 2, 8, 512, 256>}, {transform_indices = @transform_2, window_bounds = array<i64: 2, 512, 16>}, {transform_indices = @transform_3, window_bounds = array<i64: 2, 16, 512>}, {transform_indices = @transform_4, window_bounds = array<i64: 2, 512, 1>}, {transform_indices = @transform_5, window_bounds = array<i64: 2, 8, 1, 512>}, {transform_indices = @transform_6, window_bounds = array<i64: 2, 8, 1, 512>}, {transform_indices = @transform_7, window_bounds = array<i64: 2, 1, 512>}, {transform_indices = @transform_8, window_bounds = array<i64: 2, 8, 1, 1>}]} {
    %iota3A = tpu.iota {dimensions = array<i32: 0>} : vector<512x512xi32>
    %iota3A_0 = tpu.iota {dimensions = array<i32: 1>} : vector<512x512xi32>
    %eq3A = arith.cmpi eq, %iota3A, %iota3A_0 : vector<512x512xi32>
    %lt3A = arith.cmpi slt, %iota3A, %iota3A_0 : vector<512x512xi32>
    %get3A = arith.constant 0 : index
    %get3A_1 = arith.constant 0 : index
    %get3A_2 = arith.constant 0 : index
    %get3A_3 = vector.load %arg3[%get3A, %get3A_1, %get3A_2] : memref<2x512x16xi32, #tpu.memory_space<vmem>>, vector<1x512x16xi32>
    %get3A_4 = vector.shape_cast %get3A_3 : vector<1x512x16xi32> to vector<512x16xi32>
    %get3A_5 = arith.constant 0 : index
    %get3A_6 = arith.constant 0 : index
    %get3A_7 = arith.constant 0 : index
    %get3A_8 = vector.load %arg4[%get3A_5, %get3A_6, %get3A_7] : memref<2x16x512xi32, #tpu.memory_space<vmem>>, vector<1x16x512xi32>
    %get3A_9 = vector.shape_cast %get3A_8 : vector<1x16x512xi32> to vector<16x512xi32>
    %slice3A = vector.extract_strided_slice %get3A_4 {offsets = [0, 0], sizes = [512, 1], strides = [1, 1]} : vector<512x16xi32> to vector<512x1xi32>
    %mul3A = arith.constant 32768 : i32
    %mul3A_10 = vector.broadcast %mul3A : i32 to vector<512x1xi32>
    %mul3A_11 = arith.muli %slice3A, %mul3A_10 : vector<512x1xi32>
    %slice3A_12 = vector.extract_strided_slice %get3A_4 {offsets = [0, 1], sizes = [512, 1], strides = [1, 1]} : vector<512x16xi32> to vector<512x1xi32>
    %add3A = arith.addi %mul3A_11, %slice3A_12 : vector<512x1xi32>
    %slice3A_13 = vector.extract_strided_slice %get3A_9 {offsets = [0, 0], sizes = [1, 512], strides = [1, 1]} : vector<16x512xi32> to vector<1x512xi32>
    %mul3A_14 = arith.constant 32768 : i32
    %mul3A_15 = vector.broadcast %mul3A_14 : i32 to vector<1x512xi32>
    %mul3A_16 = arith.muli %slice3A_13, %mul3A_15 : vector<1x512xi32>
    %slice3A_17 = vector.extract_strided_slice %get3A_9 {offsets = [1, 0], sizes = [1, 512], strides = [1, 1]} : vector<16x512xi32> to vector<1x512xi32>
    %add3A_18 = arith.addi %mul3A_16, %slice3A_17 : vector<1x512xi32>
    %eq3A_19 = vector.broadcast %add3A : vector<512x1xi32> to vector<512x512xi32>
    %eq3A_20 = vector.broadcast %add3A_18 : vector<1x512xi32> to vector<512x512xi32>
    %eq3A_21 = arith.cmpi eq, %eq3A_19, %eq3A_20 : vector<512x512xi32>
    %slice3A_22 = vector.extract_strided_slice %get3A_4 {offsets = [0, 2], sizes = [512, 1], strides = [1, 1]} : vector<512x16xi32> to vector<512x1xi32>
    %mul3A_23 = arith.constant 32768 : i32
    %mul3A_24 = vector.broadcast %mul3A_23 : i32 to vector<512x1xi32>
    %mul3A_25 = arith.muli %slice3A_22, %mul3A_24 : vector<512x1xi32>
    %slice3A_26 = vector.extract_strided_slice %get3A_4 {offsets = [0, 3], sizes = [512, 1], strides = [1, 1]} : vector<512x16xi32> to vector<512x1xi32>
    %add3A_27 = arith.addi %mul3A_25, %slice3A_26 : vector<512x1xi32>
    %slice3A_28 = vector.extract_strided_slice %get3A_9 {offsets = [2, 0], sizes = [1, 512], strides = [1, 1]} : vector<16x512xi32> to vector<1x512xi32>
    %mul3A_29 = arith.constant 32768 : i32
    %mul3A_30 = vector.broadcast %mul3A_29 : i32 to vector<1x512xi32>
    %mul3A_31 = arith.muli %slice3A_28, %mul3A_30 : vector<1x512xi32>
    %slice3A_32 = vector.extract_strided_slice %get3A_9 {offsets = [3, 0], sizes = [1, 512], strides = [1, 1]} : vector<16x512xi32> to vector<1x512xi32>
    %add3A_33 = arith.addi %mul3A_31, %slice3A_32 : vector<1x512xi32>
    %eq3A_34 = vector.broadcast %add3A_27 : vector<512x1xi32> to vector<512x512xi32>
    %eq3A_35 = vector.broadcast %add3A_33 : vector<1x512xi32> to vector<512x512xi32>
    %eq3A_36 = arith.cmpi eq, %eq3A_34, %eq3A_35 : vector<512x512xi32>
    %and3A = arith.andi %eq3A_21, %eq3A_36 : vector<512x512xi1>
    %slice3A_37 = vector.extract_strided_slice %get3A_4 {offsets = [0, 4], sizes = [512, 1], strides = [1, 1]} : vector<512x16xi32> to vector<512x1xi32>
    %mul3A_38 = arith.constant 32768 : i32
    %mul3A_39 = vector.broadcast %mul3A_38 : i32 to vector<512x1xi32>
    %mul3A_40 = arith.muli %slice3A_37, %mul3A_39 : vector<512x1xi32>
    %slice3A_41 = vector.extract_strided_slice %get3A_4 {offsets = [0, 5], sizes = [512, 1], strides = [1, 1]} : vector<512x16xi32> to vector<512x1xi32>
    %add3A_42 = arith.addi %mul3A_40, %slice3A_41 : vector<512x1xi32>
    %slice3A_43 = vector.extract_strided_slice %get3A_9 {offsets = [4, 0], sizes = [1, 512], strides = [1, 1]} : vector<16x512xi32> to vector<1x512xi32>
    %mul3A_44 = arith.constant 32768 : i32
    %mul3A_45 = vector.broadcast %mul3A_44 : i32 to vector<1x512xi32>
    %mul3A_46 = arith.muli %slice3A_43, %mul3A_45 : vector<1x512xi32>
    %slice3A_47 = vector.extract_strided_slice %get3A_9 {offsets = [5, 0], sizes = [1, 512], strides = [1, 1]} : vector<16x512xi32> to vector<1x512xi32>
    %add3A_48 = arith.addi %mul3A_46, %slice3A_47 : vector<1x512xi32>
    %eq3A_49 = vector.broadcast %add3A_42 : vector<512x1xi32> to vector<512x512xi32>
    %eq3A_50 = vector.broadcast %add3A_48 : vector<1x512xi32> to vector<512x512xi32>
    %eq3A_51 = arith.cmpi eq, %eq3A_49, %eq3A_50 : vector<512x512xi32>
    %and3A_52 = arith.andi %and3A, %eq3A_51 : vector<512x512xi1>
    %slice3A_53 = vector.extract_strided_slice %get3A_4 {offsets = [0, 6], sizes = [512, 1], strides = [1, 1]} : vector<512x16xi32> to vector<512x1xi32>
    %mul3A_54 = arith.constant 32768 : i32
    %mul3A_55 = vector.broadcast %mul3A_54 : i32 to vector<512x1xi32>
    %mul3A_56 = arith.muli %slice3A_53, %mul3A_55 : vector<512x1xi32>
    %slice3A_57 = vector.extract_strided_slice %get3A_4 {offsets = [0, 7], sizes = [512, 1], strides = [1, 1]} : vector<512x16xi32> to vector<512x1xi32>
    %add3A_58 = arith.addi %mul3A_56, %slice3A_57 : vector<512x1xi32>
    %slice3A_59 = vector.extract_strided_slice %get3A_9 {offsets = [6, 0], sizes = [1, 512], strides = [1, 1]} : vector<16x512xi32> to vector<1x512xi32>
    %mul3A_60 = arith.constant 32768 : i32
    %mul3A_61 = vector.broadcast %mul3A_60 : i32 to vector<1x512xi32>
    %mul3A_62 = arith.muli %slice3A_59, %mul3A_61 : vector<1x512xi32>
    %slice3A_63 = vector.extract_strided_slice %get3A_9 {offsets = [7, 0], sizes = [1, 512], strides = [1, 1]} : vector<16x512xi32> to vector<1x512xi32>
    %add3A_64 = arith.addi %mul3A_62, %slice3A_63 : vector<1x512xi32>
    %eq3A_65 = vector.broadcast %add3A_58 : vector<512x1xi32> to vector<512x512xi32>
    %eq3A_66 = vector.broadcast %add3A_64 : vector<1x512xi32> to vector<512x512xi32>
    %eq3A_67 = arith.cmpi eq, %eq3A_65, %eq3A_66 : vector<512x512xi32>
    %and3A_68 = arith.andi %and3A_52, %eq3A_67 : vector<512x512xi1>
    %slice3A_69 = vector.extract_strided_slice %get3A_4 {offsets = [0, 8], sizes = [512, 1], strides = [1, 1]} : vector<512x16xi32> to vector<512x1xi32>
    %mul3A_70 = arith.constant 32768 : i32
    %mul3A_71 = vector.broadcast %mul3A_70 : i32 to vector<512x1xi32>
    %mul3A_72 = arith.muli %slice3A_69, %mul3A_71 : vector<512x1xi32>
    %slice3A_73 = vector.extract_strided_slice %get3A_4 {offsets = [0, 9], sizes = [512, 1], strides = [1, 1]} : vector<512x16xi32> to vector<512x1xi32>
    %add3A_74 = arith.addi %mul3A_72, %slice3A_73 : vector<512x1xi32>
    %slice3A_75 = vector.extract_strided_slice %get3A_9 {offsets = [8, 0], sizes = [1, 512], strides = [1, 1]} : vector<16x512xi32> to vector<1x512xi32>
    %mul3A_76 = arith.constant 32768 : i32
    %mul3A_77 = vector.broadcast %mul3A_76 : i32 to vector<1x512xi32>
    %mul3A_78 = arith.muli %slice3A_75, %mul3A_77 : vector<1x512xi32>
    %slice3A_79 = vector.extract_strided_slice %get3A_9 {offsets = [9, 0], sizes = [1, 512], strides = [1, 1]} : vector<16x512xi32> to vector<1x512xi32>
    %add3A_80 = arith.addi %mul3A_78, %slice3A_79 : vector<1x512xi32>
    %eq3A_81 = vector.broadcast %add3A_74 : vector<512x1xi32> to vector<512x512xi32>
    %eq3A_82 = vector.broadcast %add3A_80 : vector<1x512xi32> to vector<512x512xi32>
    %eq3A_83 = arith.cmpi eq, %eq3A_81, %eq3A_82 : vector<512x512xi32>
    %and3A_84 = arith.andi %and3A_68, %eq3A_83 : vector<512x512xi1>
    %slice3A_85 = vector.extract_strided_slice %get3A_4 {offsets = [0, 10], sizes = [512, 1], strides = [1, 1]} : vector<512x16xi32> to vector<512x1xi32>
    %mul3A_86 = arith.constant 32768 : i32
    %mul3A_87 = vector.broadcast %mul3A_86 : i32 to vector<512x1xi32>
    %mul3A_88 = arith.muli %slice3A_85, %mul3A_87 : vector<512x1xi32>
    %slice3A_89 = vector.extract_strided_slice %get3A_4 {offsets = [0, 11], sizes = [512, 1], strides = [1, 1]} : vector<512x16xi32> to vector<512x1xi32>
    %add3A_90 = arith.addi %mul3A_88, %slice3A_89 : vector<512x1xi32>
    %slice3A_91 = vector.extract_strided_slice %get3A_9 {offsets = [10, 0], sizes = [1, 512], strides = [1, 1]} : vector<16x512xi32> to vector<1x512xi32>
    %mul3A_92 = arith.constant 32768 : i32
    %mul3A_93 = vector.broadcast %mul3A_92 : i32 to vector<1x512xi32>
    %mul3A_94 = arith.muli %slice3A_91, %mul3A_93 : vector<1x512xi32>
    %slice3A_95 = vector.extract_strided_slice %get3A_9 {offsets = [11, 0], sizes = [1, 512], strides = [1, 1]} : vector<16x512xi32> to vector<1x512xi32>
    %add3A_96 = arith.addi %mul3A_94, %slice3A_95 : vector<1x512xi32>
    %eq3A_97 = vector.broadcast %add3A_90 : vector<512x1xi32> to vector<512x512xi32>
    %eq3A_98 = vector.broadcast %add3A_96 : vector<1x512xi32> to vector<512x512xi32>
    %eq3A_99 = arith.cmpi eq, %eq3A_97, %eq3A_98 : vector<512x512xi32>
    %and3A_100 = arith.andi %and3A_84, %eq3A_99 : vector<512x512xi1>
    %slice3A_101 = vector.extract_strided_slice %get3A_4 {offsets = [0, 12], sizes = [512, 1], strides = [1, 1]} : vector<512x16xi32> to vector<512x1xi32>
    %mul3A_102 = arith.constant 32768 : i32
    %mul3A_103 = vector.broadcast %mul3A_102 : i32 to vector<512x1xi32>
    %mul3A_104 = arith.muli %slice3A_101, %mul3A_103 : vector<512x1xi32>
    %slice3A_105 = vector.extract_strided_slice %get3A_4 {offsets = [0, 13], sizes = [512, 1], strides = [1, 1]} : vector<512x16xi32> to vector<512x1xi32>
    %add3A_106 = arith.addi %mul3A_104, %slice3A_105 : vector<512x1xi32>
    %slice3A_107 = vector.extract_strided_slice %get3A_9 {offsets = [12, 0], sizes = [1, 512], strides = [1, 1]} : vector<16x512xi32> to vector<1x512xi32>
    %mul3A_108 = arith.constant 32768 : i32
    %mul3A_109 = vector.broadcast %mul3A_108 : i32 to vector<1x512xi32>
    %mul3A_110 = arith.muli %slice3A_107, %mul3A_109 : vector<1x512xi32>
    %slice3A_111 = vector.extract_strided_slice %get3A_9 {offsets = [13, 0], sizes = [1, 512], strides = [1, 1]} : vector<16x512xi32> to vector<1x512xi32>
    %add3A_112 = arith.addi %mul3A_110, %slice3A_111 : vector<1x512xi32>
    %eq3A_113 = vector.broadcast %add3A_106 : vector<512x1xi32> to vector<512x512xi32>
    %eq3A_114 = vector.broadcast %add3A_112 : vector<1x512xi32> to vector<512x512xi32>
    %eq3A_115 = arith.cmpi eq, %eq3A_113, %eq3A_114 : vector<512x512xi32>
    %and3A_116 = arith.andi %and3A_100, %eq3A_115 : vector<512x512xi1>
    %slice3A_117 = vector.extract_strided_slice %get3A_4 {offsets = [0, 14], sizes = [512, 1], strides = [1, 1]} : vector<512x16xi32> to vector<512x1xi32>
    %mul3A_118 = arith.constant 32768 : i32
    %mul3A_119 = vector.broadcast %mul3A_118 : i32 to vector<512x1xi32>
    %mul3A_120 = arith.muli %slice3A_117, %mul3A_119 : vector<512x1xi32>
    %slice3A_121 = vector.extract_strided_slice %get3A_4 {offsets = [0, 15], sizes = [512, 1], strides = [1, 1]} : vector<512x16xi32> to vector<512x1xi32>
    %add3A_122 = arith.addi %mul3A_120, %slice3A_121 : vector<512x1xi32>
    %slice3A_123 = vector.extract_strided_slice %get3A_9 {offsets = [14, 0], sizes = [1, 512], strides = [1, 1]} : vector<16x512xi32> to vector<1x512xi32>
    %mul3A_124 = arith.constant 32768 : i32
    %mul3A_125 = vector.broadcast %mul3A_124 : i32 to vector<1x512xi32>
    %mul3A_126 = arith.muli %slice3A_123, %mul3A_125 : vector<1x512xi32>
    %slice3A_127 = vector.extract_strided_slice %get3A_9 {offsets = [15, 0], sizes = [1, 512], strides = [1, 1]} : vector<16x512xi32> to vector<1x512xi32>
    %add3A_128 = arith.addi %mul3A_126, %slice3A_127 : vector<1x512xi32>
    %eq3A_129 = vector.broadcast %add3A_122 : vector<512x1xi32> to vector<512x512xi32>
    %eq3A_130 = vector.broadcast %add3A_128 : vector<1x512xi32> to vector<512x512xi32>
    %eq3A_131 = arith.cmpi eq, %eq3A_129, %eq3A_130 : vector<512x512xi32>
    %and3A_132 = arith.andi %and3A_116, %eq3A_131 : vector<512x512xi1>
    %jit3A = arith.constant 512 : i32
    %broadcast_in_dim3A = vector.broadcast %jit3A : i32 to vector<512x512xi32>
    %select_n3A = arith.select %and3A_132, %iota3A, %broadcast_in_dim3A : vector<512x512xi1>, vector<512x512xi32>
    %reduce_min3A = arith.constant dense<2147483647> : vector<512xi32>
    %reduce_min3A_133 = vector.multi_reduction <minsi>, %select_n3A, %reduce_min3A [0] : vector<512x512xi32> to vector<512xi32>
    %broadcast_in_dim3A_134 = vector.shape_cast %reduce_min3A_133 : vector<512xi32> to vector<1x512xi32>
    %swap3A = arith.constant 0 : index
    %swap3A_135 = arith.constant 0 : index
    %swap3A_136 = arith.constant 0 : index
    %swap3A_137 = vector.load %arg8[%swap3A, %swap3A_135, %swap3A_136] : memref<2x1x512xi32, #tpu.memory_space<vmem>>, vector<1x1x512xi32>
    %swap3A_138 = vector.shape_cast %swap3A_137 : vector<1x1x512xi32> to vector<1x512xi32>
    %swap3A_139 = vector.shape_cast %broadcast_in_dim3A_134 : vector<1x512xi32> to vector<1x1x512xi32>
    tpu.vector_store %arg8[%swap3A, %swap3A_135, %swap3A_136], %swap3A_139 {strides = array<i32>} : memref<2x1x512xi32, #tpu.memory_space<vmem>>, vector<1x1x512xi32>,
    %get3A_140 = arith.constant 0 : index
    %get3A_141 = arith.constant 0 : index
    %get3A_142 = arith.constant 0 : index
    %get3A_143 = vector.load %arg5[%get3A_140, %get3A_141, %get3A_142] : memref<2x512x1xi32, #tpu.memory_space<vmem>>, vector<1x512x1xi32>
    %get3A_144 = vector.shape_cast %get3A_143 : vector<1x512x1xi32> to vector<512x1xi32>
    %jit3A_145 = arith.constant 0 : i32
    %broadcast_in_dim3A_146 = vector.shape_cast %get3A_144 : vector<512x1xi32> to vector<512x1xi32>
    %broadcast_in_dim3A_147 = vector.broadcast %broadcast_in_dim3A_146 : vector<512x1xi32> to vector<512x512xi32>
    %broadcast_in_dim3A_148 = vector.broadcast %jit3A_145 : i32 to vector<512x512xi32>
    %select_n3A_149 = arith.select %eq3A, %broadcast_in_dim3A_147, %broadcast_in_dim3A_148 : vector<512x512xi1>, vector<512x512xi32>
    %reduce_sum3A = arith.constant dense<0> : vector<512xi32>
    %reduce_sum3A_150 = vector.multi_reduction <add>, %select_n3A_149, %reduce_sum3A [0] : vector<512x512xi32> to vector<512xi32>
    %broadcast_in_dim3A_151 = vector.shape_cast %reduce_sum3A_150 : vector<512xi32> to vector<1x512xi32>
    %eq3A_152 = arith.constant 0 : i32
    %eq3A_153 = vector.broadcast %eq3A_152 : i32 to vector<1x512xi32>
    %eq3A_154 = arith.cmpi eq, %broadcast_in_dim3A_151, %eq3A_153 : vector<1x512xi32>
    %ne3A = arith.constant 0 : i32
    %ne3A_155 = vector.broadcast %ne3A : i32 to vector<512x1xi32>
    %ne3A_156 = arith.cmpi ne, %get3A_144, %ne3A_155 : vector<512x1xi32>
    %jit3A_157 = arith.constant 1 : i32
    %jit3A_158 = arith.constant 0 : i32
    %broadcast_in_dim3A_159 = vector.broadcast %jit3A_157 : i32 to vector<512x1xi32>
    %broadcast_in_dim3A_160 = vector.broadcast %jit3A_158 : i32 to vector<512x1xi32>
    %select_n3A_161 = arith.select %ne3A_156, %broadcast_in_dim3A_159, %broadcast_in_dim3A_160 : vector<512x1xi1>, vector<512x1xi32>
    %reduce_sum3A_162 = vector.shape_cast %select_n3A_161 : vector<512x1xi32> to vector<1x512x1xi32>
    %reduce_sum3A_163 = arith.constant dense<0> : vector<1xi32>
    %reduce_sum3A_164 = vector.multi_reduction <add>, %reduce_sum3A_162, %reduce_sum3A_163 [1, 2] : vector<1x512x1xi32> to vector<1xi32>
    %reduce_sum3A_165 = vector.shape_cast %reduce_sum3A_164 : vector<1xi32> to vector<1x1x1xi32>
    %reduce_sum3A_166 = vector.extract %reduce_sum3A_165[0, 0, 0] : i32 from vector<1x1x1xi32>
    %mul3A_167 = arith.constant 2 : i32
    %mul3A_168 = arith.muli %arg0, %mul3A_167 : i32
    %add3A_169 = arith.constant 0 : i32
    %add3A_170 = arith.addi %mul3A_168, %add3A_169 : i32
    %get3A_171 = arith.index_cast %add3A_170 : i32 to index
    %get3A_172 = memref.load %arg1[%get3A_171] : memref<8xi32, #tpu.memory_space<smem>>
    %get3A_173 = arith.constant 0 : index
    %get3A_174 = arith.constant 0 : index
    %get3A_175 = arith.constant 0 : index
    %get3A_176 = arith.constant 0 : index
    %get3A_177 = vector.load %arg2[%get3A_173, %get3A_174, %get3A_175, %get3A_176] : memref<2x8x512x256xf32, #tpu.memory_space<vmem>>, vector<1x1x512x256xf32>
    %get3A_178 = vector.shape_cast %get3A_177 : vector<1x1x512x256xf32> to vector<512x256xf32>
    %slice3A_179 = vector.extract_strided_slice %get3A_178 {offsets = [0, 0], sizes = [512, 128], strides = [1, 1]} : vector<512x256xf32> to vector<512x128xf32>
    %slice3A_180 = vector.extract_strided_slice %get3A_178 {offsets = [0, 128], sizes = [512, 128], strides = [1, 1]} : vector<512x256xf32> to vector<512x128xf32>
    %add3A_181 = arith.addf %slice3A_179, %slice3A_180 : vector<512x128xf32>
    %transpose3A = tpu.transpose %add3A_181, [1, 0] : vector<512x128xf32> -> vector<128x512xf32>
    %slice3A_182 = vector.extract_strided_slice %transpose3A {offsets = [0, 0], sizes = [8, 512], strides = [1, 1]} : vector<128x512xf32> to vector<8x512xf32>
    %slice3A_183 = vector.extract_strided_slice %transpose3A {offsets = [8, 0], sizes = [8, 512], strides = [1, 1]} : vector<128x512xf32> to vector<8x512xf32>
    %add3A_184 = arith.addf %slice3A_182, %slice3A_183 : vector<8x512xf32>
    %slice3A_185 = vector.extract_strided_slice %transpose3A {offsets = [16, 0], sizes = [8, 512], strides = [1, 1]} : vector<128x512xf32> to vector<8x512xf32>
    %add3A_186 = arith.addf %add3A_184, %slice3A_185 : vector<8x512xf32>
    %slice3A_187 = vector.extract_strided_slice %transpose3A {offsets = [24, 0], sizes = [8, 512], strides = [1, 1]} : vector<128x512xf32> to vector<8x512xf32>
    %add3A_188 = arith.addf %add3A_186, %slice3A_187 : vector<8x512xf32>
    %slice3A_189 = vector.extract_strided_slice %transpose3A {offsets = [32, 0], sizes = [8, 512], strides = [1, 1]} : vector<128x512xf32> to vector<8x512xf32>
    %add3A_190 = arith.addf %add3A_188, %slice3A_189 : vector<8x512xf32>
    %slice3A_191 = vector.extract_strided_slice %transpose3A {offsets = [40, 0], sizes = [8, 512], strides = [1, 1]} : vector<128x512xf32> to vector<8x512xf32>
    %add3A_192 = arith.addf %add3A_190, %slice3A_191 : vector<8x512xf32>
    %slice3A_193 = vector.extract_strided_slice %transpose3A {offsets = [48, 0], sizes = [8, 512], strides = [1, 1]} : vector<128x512xf32> to vector<8x512xf32>
    %add3A_194 = arith.addf %add3A_192, %slice3A_193 : vector<8x512xf32>
    %slice3A_195 = vector.extract_strided_slice %transpose3A {offsets = [56, 0], sizes = [8, 512], strides = [1, 1]} : vector<128x512xf32> to vector<8x512xf32>
    %add3A_196 = arith.addf %add3A_194, %slice3A_195 : vector<8x512xf32>
    %slice3A_197 = vector.extract_strided_slice %transpose3A {offsets = [64, 0], sizes = [8, 512], strides = [1, 1]} : vector<128x512xf32> to vector<8x512xf32>
    %add3A_198 = arith.addf %add3A_196, %slice3A_197 : vector<8x512xf32>
    %slice3A_199 = vector.extract_strided_slice %transpose3A {offsets = [72, 0], sizes = [8, 512], strides = [1, 1]} : vector<128x512xf32> to vector<8x512xf32>
    %add3A_200 = arith.addf %add3A_198, %slice3A_199 : vector<8x512xf32>
    %slice3A_201 = vector.extract_strided_slice %transpose3A {offsets = [80, 0], sizes = [8, 512], strides = [1, 1]} : vector<128x512xf32> to vector<8x512xf32>
    %add3A_202 = arith.addf %add3A_200, %slice3A_201 : vector<8x512xf32>
    %slice3A_203 = vector.extract_strided_slice %transpose3A {offsets = [88, 0], sizes = [8, 512], strides = [1, 1]} : vector<128x512xf32> to vector<8x512xf32>
    %add3A_204 = arith.addf %add3A_202, %slice3A_203 : vector<8x512xf32>
    %slice3A_205 = vector.extract_strided_slice %transpose3A {offsets = [96, 0], sizes = [8, 512], strides = [1, 1]} : vector<128x512xf32> to vector<8x512xf32>
    %add3A_206 = arith.addf %add3A_204, %slice3A_205 : vector<8x512xf32>
    %slice3A_207 = vector.extract_strided_slice %transpose3A {offsets = [104, 0], sizes = [8, 512], strides = [1, 1]} : vector<128x512xf32> to vector<8x512xf32>
    %add3A_208 = arith.addf %add3A_206, %slice3A_207 : vector<8x512xf32>
    %slice3A_209 = vector.extract_strided_slice %transpose3A {offsets = [112, 0], sizes = [8, 512], strides = [1, 1]} : vector<128x512xf32> to vector<8x512xf32>
    %add3A_210 = arith.addf %add3A_208, %slice3A_209 : vector<8x512xf32>
    %slice3A_211 = vector.extract_strided_slice %transpose3A {offsets = [120, 0], sizes = [8, 512], strides = [1, 1]} : vector<128x512xf32> to vector<8x512xf32>
    %add3A_212 = arith.addf %add3A_210, %slice3A_211 : vector<8x512xf32>
    %slice3A_213 = vector.extract_strided_slice %add3A_212 {offsets = [0, 0], sizes = [4, 512], strides = [1, 1]} : vector<8x512xf32> to vector<4x512xf32>
    %slice3A_214 = vector.extract_strided_slice %add3A_212 {offsets = [4, 0], sizes = [4, 512], strides = [1, 1]} : vector<8x512xf32> to vector<4x512xf32>
    %add3A_215 = arith.addf %slice3A_213, %slice3A_214 : vector<4x512xf32>
    %slice3A_216 = vector.extract_strided_slice %add3A_215 {offsets = [0, 0], sizes = [2, 512], strides = [1, 1]} : vector<4x512xf32> to vector<2x512xf32>
    %slice3A_217 = vector.extract_strided_slice %add3A_215 {offsets = [2, 0], sizes = [2, 512], strides = [1, 1]} : vector<4x512xf32> to vector<2x512xf32>
    %add3A_218 = arith.addf %slice3A_216, %slice3A_217 : vector<2x512xf32>
    %slice3A_219 = vector.extract_strided_slice %add3A_218 {offsets = [0, 0], sizes = [1, 512], strides = [1, 1]} : vector<2x512xf32> to vector<1x512xf32>
    %slice3A_220 = vector.extract_strided_slice %add3A_218 {offsets = [1, 0], sizes = [1, 512], strides = [1, 1]} : vector<2x512xf32> to vector<1x512xf32>
    %add3A_221 = arith.addf %slice3A_219, %slice3A_220 : vector<1x512xf32>
    %jit3A_222 = arith.constant -1.000000e+00 : f32
    %broadcast_in_dim3A_223 = vector.broadcast %jit3A_222 : f32 to vector<1x512xf32>
    %select_n3A_224 = arith.select %eq3A_154, %broadcast_in_dim3A_223, %add3A_221 : vector<1x512xi1>, vector<1x512xf32>
    %jit3A_225 = arith.constant 0.000000e+00 : f32
    %broadcast_in_dim3A_226 = vector.shape_cast %select_n3A_224 : vector<1x512xf32> to vector<1x512xf32>
    %broadcast_in_dim3A_227 = vector.broadcast %broadcast_in_dim3A_226 : vector<1x512xf32> to vector<512x512xf32>
    %broadcast_in_dim3A_228 = vector.broadcast %jit3A_225 : f32 to vector<512x512xf32>
    %select_n3A_229 = arith.select %eq3A, %broadcast_in_dim3A_227, %broadcast_in_dim3A_228 : vector<512x512xi1>, vector<512x512xf32>
    %reduce_sum3A_230 = arith.constant dense<0.000000e+00> : vector<512xf32>
    %reduce_sum3A_231 = vector.multi_reduction <add>, %select_n3A_229, %reduce_sum3A_230 [1] : vector<512x512xf32> to vector<512xf32>
    %broadcast_in_dim3A_232 = vector.shape_cast %reduce_sum3A_231 : vector<512xf32> to vector<512x1xf32>
    %gt3A = vector.broadcast %broadcast_in_dim3A_232 : vector<512x1xf32> to vector<512x512xf32>
    %gt3A_233 = vector.broadcast %select_n3A_224 : vector<1x512xf32> to vector<512x512xf32>
    %gt3A_234 = arith.cmpf ogt, %gt3A, %gt3A_233 : vector<512x512xf32>
    %ge3A = vector.broadcast %broadcast_in_dim3A_232 : vector<512x1xf32> to vector<512x512xf32>
    %ge3A_235 = vector.broadcast %select_n3A_224 : vector<1x512xf32> to vector<512x512xf32>
    %ge3A_236 = arith.cmpf oge, %ge3A, %ge3A_235 : vector<512x512xf32>
    %and3A_237 = arith.andi %lt3A, %ge3A_236 : vector<512x512xi1>
    %or3A = arith.ori %gt3A_234, %and3A_237 : vector<512x512xi1>
    %convert_element_type3A = arith.extui %or3A : vector<512x512xi1> to vector<512x512xi32>
    %reduce_sum3A_238 = arith.constant dense<0> : vector<512xi32>
    %reduce_sum3A_239 = vector.multi_reduction <add>, %convert_element_type3A, %reduce_sum3A_238 [0] : vector<512x512xi32> to vector<512xi32>
    %broadcast_in_dim3A_240 = vector.shape_cast %reduce_sum3A_239 : vector<512xi32> to vector<1x512xi32>
    %swap3A_241 = arith.constant 0 : index
    %swap3A_242 = arith.constant 0 : index
    %swap3A_243 = arith.constant 0 : index
    %swap3A_244 = arith.constant 0 : index
    %swap3A_245 = vector.load %arg6[%swap3A_241, %swap3A_242, %swap3A_243, %swap3A_244] : memref<2x8x1x512xf32, #tpu.memory_space<vmem>>, vector<1x1x1x512xf32>
    %swap3A_246 = vector.shape_cast %swap3A_245 : vector<1x1x1x512xf32> to vector<1x512xf32>
    %swap3A_247 = vector.shape_cast %select_n3A_224 : vector<1x512xf32> to vector<1x1x1x512xf32>
    tpu.vector_store %arg6[%swap3A_241, %swap3A_242, %swap3A_243, %swap3A_244], %swap3A_247 {strides = array<i32>} : memref<2x8x1x512xf32, #tpu.memory_space<vmem>>, vector<1x1x1x512xf32>,
    %swap3A_248 = arith.constant 0 : index
    %swap3A_249 = arith.constant 0 : index
    %swap3A_250 = arith.constant 0 : index
    %swap3A_251 = arith.constant 0 : index
    %swap3A_252 = vector.load %arg7[%swap3A_248, %swap3A_249, %swap3A_250, %swap3A_251] : memref<2x8x1x512xi32, #tpu.memory_space<vmem>>, vector<1x1x1x512xi32>
    %swap3A_253 = vector.shape_cast %swap3A_252 : vector<1x1x1x512xi32> to vector<1x512xi32>
    %swap3A_254 = vector.shape_cast %broadcast_in_dim3A_240 : vector<1x512xi32> to vector<1x1x1x512xi32>
    tpu.vector_store %arg7[%swap3A_248, %swap3A_249, %swap3A_250, %swap3A_251], %swap3A_254 {strides = array<i32>} : memref<2x8x1x512xi32, #tpu.memory_space<vmem>>, vector<1x1x1x512xi32>,
    %gt3A_255 = arith.constant 0 : i32
    %gt3A_256 = arith.cmpi sgt, %get3A_172, %gt3A_255 : i32
    %jit3A_257 = arith.constant 0 : i32
    %select_n3A_258 = arith.select %gt3A_256, %reduce_sum3A_166, %jit3A_257 : i32
    %broadcast_in_dim3A_259 = vector.broadcast %select_n3A_258 : i32 to vector<1x1xi32>
    %swap3A_260 = arith.constant 0 : index
    %swap3A_261 = arith.constant 0 : index
    %swap3A_262 = arith.constant 0 : index
    %swap3A_263 = arith.constant 0 : index
    %swap3A_264 = vector.load %arg9[%swap3A_260, %swap3A_261, %swap3A_262, %swap3A_263] : memref<2x8x1x1xi32, #tpu.memory_space<vmem>>, vector<1x1x1x1xi32>
    %swap3A_265 = vector.shape_cast %swap3A_264 : vector<1x1x1x1xi32> to vector<1x1xi32>
    %swap3A_266 = vector.shape_cast %broadcast_in_dim3A_259 : vector<1x1xi32> to vector<1x1x1x1xi32>
    tpu.vector_store %arg9[%swap3A_260, %swap3A_261, %swap3A_262, %swap3A_263], %swap3A_266 {strides = array<i32>} : memref<2x8x1x1xi32, #tpu.memory_space<vmem>>, vector<1x1x1x1xi32>,
    %get3A_267 = arith.constant 0 : index
    %get3A_268 = arith.constant 1 : index
    %get3A_269 = arith.constant 0 : index
    %get3A_270 = arith.constant 0 : index
    %get3A_271 = vector.load %arg2[%get3A_267, %get3A_268, %get3A_269, %get3A_270] : memref<2x8x512x256xf32, #tpu.memory_space<vmem>>, vector<1x1x512x256xf32>
    %get3A_272 = vector.shape_cast %get3A_271 : vector<1x1x512x256xf32> to vector<512x256xf32>
    %slice3A_273 = vector.extract_strided_slice %get3A_272 {offsets = [0, 0], sizes = [512, 128], strides = [1, 1]} : vector<512x256xf32> to vector<512x128xf32>
    %slice3A_274 = vector.extract_strided_slice %get3A_272 {offsets = [0, 128], sizes = [512, 128], strides = [1, 1]} : vector<512x256xf32> to vector<512x128xf32>
    %add3A_275 = arith.addf %slice3A_273, %slice3A_274 : vector<512x128xf32>
    %transpose3A_276 = tpu.transpose %add3A_275, [1, 0] : vector<512x128xf32> -> vector<128x512xf32>
    %slice3A_277 = vector.extract_strided_slice %transpose3A_276 {offsets = [0, 0], sizes = [8, 512], strides = [1, 1]} : vector<128x512xf32> to vector<8x512xf32>
    %slice3A_278 = vector.extract_strided_slice %transpose3A_276 {offsets = [8, 0], sizes = [8, 512], strides = [1, 1]} : vector<128x512xf32> to vector<8x512xf32>
    %add3A_279 = arith.addf %slice3A_277, %slice3A_278 : vector<8x512xf32>
    %slice3A_280 = vector.extract_strided_slice %transpose3A_276 {offsets = [16, 0], sizes = [8, 512], strides = [1, 1]} : vector<128x512xf32> to vector<8x512xf32>
    %add3A_281 = arith.addf %add3A_279, %slice3A_280 : vector<8x512xf32>
    %slice3A_282 = vector.extract_strided_slice %transpose3A_276 {offsets = [24, 0], sizes = [8, 512], strides = [1, 1]} : vector<128x512xf32> to vector<8x512xf32>
    %add3A_283 = arith.addf %add3A_281, %slice3A_282 : vector<8x512xf32>
    %slice3A_284 = vector.extract_strided_slice %transpose3A_276 {offsets = [32, 0], sizes = [8, 512], strides = [1, 1]} : vector<128x512xf32> to vector<8x512xf32>
    %add3A_285 = arith.addf %add3A_283, %slice3A_284 : vector<8x512xf32>
    %slice3A_286 = vector.extract_strided_slice %transpose3A_276 {offsets = [40, 0], sizes = [8, 512], strides = [1, 1]} : vector<128x512xf32> to vector<8x512xf32>
    %add3A_287 = arith.addf %add3A_285, %slice3A_286 : vector<8x512xf32>
    %slice3A_288 = vector.extract_strided_slice %transpose3A_276 {offsets = [48, 0], sizes = [8, 512], strides = [1, 1]} : vector<128x512xf32> to vector<8x512xf32>
    %add3A_289 = arith.addf %add3A_287, %slice3A_288 : vector<8x512xf32>
    %slice3A_290 = vector.extract_strided_slice %transpose3A_276 {offsets = [56, 0], sizes = [8, 512], strides = [1, 1]} : vector<128x512xf32> to vector<8x512xf32>
    %add3A_291 = arith.addf %add3A_289, %slice3A_290 : vector<8x512xf32>
    %slice3A_292 = vector.extract_strided_slice %transpose3A_276 {offsets = [64, 0], sizes = [8, 512], strides = [1, 1]} : vector<128x512xf32> to vector<8x512xf32>
    %add3A_293 = arith.addf %add3A_291, %slice3A_292 : vector<8x512xf32>
    %slice3A_294 = vector.extract_strided_slice %transpose3A_276 {offsets = [72, 0], sizes = [8, 512], strides = [1, 1]} : vector<128x512xf32> to vector<8x512xf32>
    %add3A_295 = arith.addf %add3A_293, %slice3A_294 : vector<8x512xf32>
    %slice3A_296 = vector.extract_strided_slice %transpose3A_276 {offsets = [80, 0], sizes = [8, 512], strides = [1, 1]} : vector<128x512xf32> to vector<8x512xf32>
    %add3A_297 = arith.addf %add3A_295, %slice3A_296 : vector<8x512xf32>
    %slice3A_298 = vector.extract_strided_slice %transpose3A_276 {offsets = [88, 0], sizes = [8, 512], strides = [1, 1]} : vector<128x512xf32> to vector<8x512xf32>
    %add3A_299 = arith.addf %add3A_297, %slice3A_298 : vector<8x512xf32>
    %slice3A_300 = vector.extract_strided_slice %transpose3A_276 {offsets = [96, 0], sizes = [8, 512], strides = [1, 1]} : vector<128x512xf32> to vector<8x512xf32>
    %add3A_301 = arith.addf %add3A_299, %slice3A_300 : vector<8x512xf32>
    %slice3A_302 = vector.extract_strided_slice %transpose3A_276 {offsets = [104, 0], sizes = [8, 512], strides = [1, 1]} : vector<128x512xf32> to vector<8x512xf32>
    %add3A_303 = arith.addf %add3A_301, %slice3A_302 : vector<8x512xf32>
    %slice3A_304 = vector.extract_strided_slice %transpose3A_276 {offsets = [112, 0], sizes = [8, 512], strides = [1, 1]} : vector<128x512xf32> to vector<8x512xf32>
    %add3A_305 = arith.addf %add3A_303, %slice3A_304 : vector<8x512xf32>
    %slice3A_306 = vector.extract_strided_slice %transpose3A_276 {offsets = [120, 0], sizes = [8, 512], strides = [1, 1]} : vector<128x512xf32> to vector<8x512xf32>
    %add3A_307 = arith.addf %add3A_305, %slice3A_306 : vector<8x512xf32>
    %slice3A_308 = vector.extract_strided_slice %add3A_307 {offsets = [0, 0], sizes = [4, 512], strides = [1, 1]} : vector<8x512xf32> to vector<4x512xf32>
    %slice3A_309 = vector.extract_strided_slice %add3A_307 {offsets = [4, 0], sizes = [4, 512], strides = [1, 1]} : vector<8x512xf32> to vector<4x512xf32>
    %add3A_310 = arith.addf %slice3A_308, %slice3A_309 : vector<4x512xf32>
    %slice3A_311 = vector.extract_strided_slice %add3A_310 {offsets = [0, 0], sizes = [2, 512], strides = [1, 1]} : vector<4x512xf32> to vector<2x512xf32>
    %slice3A_312 = vector.extract_strided_slice %add3A_310 {offsets = [2, 0], sizes = [2, 512], strides = [1, 1]} : vector<4x512xf32> to vector<2x512xf32>
    %add3A_313 = arith.addf %slice3A_311, %slice3A_312 : vector<2x512xf32>
    %slice3A_314 = vector.extract_strided_slice %add3A_313 {offsets = [0, 0], sizes = [1, 512], strides = [1, 1]} : vector<2x512xf32> to vector<1x512xf32>
    %slice3A_315 = vector.extract_strided_slice %add3A_313 {offsets = [1, 0], sizes = [1, 512], strides = [1, 1]} : vector<2x512xf32> to vector<1x512xf32>
    %add3A_316 = arith.addf %slice3A_314, %slice3A_315 : vector<1x512xf32>
    %jit3A_317 = arith.constant -1.000000e+00 : f32
    %broadcast_in_dim3A_318 = vector.broadcast %jit3A_317 : f32 to vector<1x512xf32>
    %select_n3A_319 = arith.select %eq3A_154, %broadcast_in_dim3A_318, %add3A_316 : vector<1x512xi1>, vector<1x512xf32>
    %jit3A_320 = arith.constant 0.000000e+00 : f32
    %broadcast_in_dim3A_321 = vector.shape_cast %select_n3A_319 : vector<1x512xf32> to vector<1x512xf32>
    %broadcast_in_dim3A_322 = vector.broadcast %broadcast_in_dim3A_321 : vector<1x512xf32> to vector<512x512xf32>
    %broadcast_in_dim3A_323 = vector.broadcast %jit3A_320 : f32 to vector<512x512xf32>
    %select_n3A_324 = arith.select %eq3A, %broadcast_in_dim3A_322, %broadcast_in_dim3A_323 : vector<512x512xi1>, vector<512x512xf32>
    %reduce_sum3A_325 = arith.constant dense<0.000000e+00> : vector<512xf32>
    %reduce_sum3A_326 = vector.multi_reduction <add>, %select_n3A_324, %reduce_sum3A_325 [1] : vector<512x512xf32> to vector<512xf32>
    %broadcast_in_dim3A_327 = vector.shape_cast %reduce_sum3A_326 : vector<512xf32> to vector<512x1xf32>
    %gt3A_328 = vector.broadcast %broadcast_in_dim3A_327 : vector<512x1xf32> to vector<512x512xf32>
    %gt3A_329 = vector.broadcast %select_n3A_319 : vector<1x512xf32> to vector<512x512xf32>
    %gt3A_330 = arith.cmpf ogt, %gt3A_328, %gt3A_329 : vector<512x512xf32>
    %ge3A_331 = vector.broadcast %broadcast_in_dim3A_327 : vector<512x1xf32> to vector<512x512xf32>
    %ge3A_332 = vector.broadcast %select_n3A_319 : vector<1x512xf32> to vector<512x512xf32>
    %ge3A_333 = arith.cmpf oge, %ge3A_331, %ge3A_332 : vector<512x512xf32>
    %and3A_334 = arith.andi %lt3A, %ge3A_333 : vector<512x512xi1>
    %or3A_335 = arith.ori %gt3A_330, %and3A_334 : vector<512x512xi1>
    %convert_element_type3A_336 = arith.extui %or3A_335 : vector<512x512xi1> to vector<512x512xi32>
    %reduce_sum3A_337 = arith.constant dense<0> : vector<512xi32>
    %reduce_sum3A_338 = vector.multi_reduction <add>, %convert_element_type3A_336, %reduce_sum3A_337 [0] : vector<512x512xi32> to vector<512xi32>
    %broadcast_in_dim3A_339 = vector.shape_cast %reduce_sum3A_338 : vector<512xi32> to vector<1x512xi32>
    %swap3A_340 = arith.constant 0 : index
    %swap3A_341 = arith.constant 1 : index
    %swap3A_342 = arith.constant 0 : index
    %swap3A_343 = arith.constant 0 : index
    %swap3A_344 = vector.load %arg6[%swap3A_340, %swap3A_341, %swap3A_342, %swap3A_343] : memref<2x8x1x512xf32, #tpu.memory_space<vmem>>, vector<1x1x1x512xf32>
    %swap3A_345 = vector.shape_cast %swap3A_344 : vector<1x1x1x512xf32> to vector<1x512xf32>
    %swap3A_346 = vector.shape_cast %select_n3A_319 : vector<1x512xf32> to vector<1x1x1x512xf32>
    tpu.vector_store %arg6[%swap3A_340, %swap3A_341, %swap3A_342, %swap3A_343], %swap3A_346 {strides = array<i32>} : memref<2x8x1x512xf32, #tpu.memory_space<vmem>>, vector<1x1x1x512xf32>,
    %swap3A_347 = arith.constant 0 : index
    %swap3A_348 = arith.constant 1 : index
    %swap3A_349 = arith.constant 0 : index
    %swap3A_350 = arith.constant 0 : index
    %swap3A_351 = vector.load %arg7[%swap3A_347, %swap3A_348, %swap3A_349, %swap3A_350] : memref<2x8x1x512xi32, #tpu.memory_space<vmem>>, vector<1x1x1x512xi32>
    %swap3A_352 = vector.shape_cast %swap3A_351 : vector<1x1x1x512xi32> to vector<1x512xi32>
    %swap3A_353 = vector.shape_cast %broadcast_in_dim3A_339 : vector<1x512xi32> to vector<1x1x1x512xi32>
    tpu.vector_store %arg7[%swap3A_347, %swap3A_348, %swap3A_349, %swap3A_350], %swap3A_353 {strides = array<i32>} : memref<2x8x1x512xi32, #tpu.memory_space<vmem>>, vector<1x1x1x512xi32>,
    %gt3A_354 = arith.constant 1 : i32
    %gt3A_355 = arith.cmpi sgt, %get3A_172, %gt3A_354 : i32
    %jit3A_356 = arith.constant 0 : i32
    %select_n3A_357 = arith.select %gt3A_355, %reduce_sum3A_166, %jit3A_356 : i32
    %broadcast_in_dim3A_358 = vector.broadcast %select_n3A_357 : i32 to vector<1x1xi32>
    %swap3A_359 = arith.constant 0 : index
    %swap3A_360 = arith.constant 1 : index
    %swap3A_361 = arith.constant 0 : index
    %swap3A_362 = arith.constant 0 : index
    %swap3A_363 = vector.load %arg9[%swap3A_359, %swap3A_360, %swap3A_361, %swap3A_362] : memref<2x8x1x1xi32, #tpu.memory_space<vmem>>, vector<1x1x1x1xi32>
    %swap3A_364 = vector.shape_cast %swap3A_363 : vector<1x1x1x1xi32> to vector<1x1xi32>
    %swap3A_365 = vector.shape_cast %broadcast_in_dim3A_358 : vector<1x1xi32> to vector<1x1x1x1xi32>
    tpu.vector_store %arg9[%swap3A_359, %swap3A_360, %swap3A_361, %swap3A_362], %swap3A_365 {strides = array<i32>} : memref<2x8x1x1xi32, #tpu.memory_space<vmem>>, vector<1x1x1x1xi32>,
    %get3A_366 = arith.constant 0 : index
    %get3A_367 = arith.constant 2 : index
    %get3A_368 = arith.constant 0 : index
    %get3A_369 = arith.constant 0 : index
    %get3A_370 = vector.load %arg2[%get3A_366, %get3A_367, %get3A_368, %get3A_369] : memref<2x8x512x256xf32, #tpu.memory_space<vmem>>, vector<1x1x512x256xf32>
    %get3A_371 = vector.shape_cast %get3A_370 : vector<1x1x512x256xf32> to vector<512x256xf32>
    %slice3A_372 = vector.extract_strided_slice %get3A_371 {offsets = [0, 0], sizes = [512, 128], strides = [1, 1]} : vector<512x256xf32> to vector<512x128xf32>
    %slice3A_373 = vector.extract_strided_slice %get3A_371 {offsets = [0, 128], sizes = [512, 128], strides = [1, 1]} : vector<512x256xf32> to vector<512x128xf32>
    %add3A_374 = arith.addf %slice3A_372, %slice3A_373 : vector<512x128xf32>
    %transpose3A_375 = tpu.transpose %add3A_374, [1, 0] : vector<512x128xf32> -> vector<128x512xf32>
    %slice3A_376 = vector.extract_strided_slice %transpose3A_375 {offsets = [0, 0], sizes = [8, 512], strides = [1, 1]} : vector<128x512xf32> to vector<8x512xf32>
    %slice3A_377 = vector.extract_strided_slice %transpose3A_375 {offsets = [8, 0], sizes = [8, 512], strides = [1, 1]} : vector<128x512xf32> to vector<8x512xf32>
    %add3A_378 = arith.addf %slice3A_376, %slice3A_377 : vector<8x512xf32>
    %slice3A_379 = vector.extract_strided_slice %transpose3A_375 {offsets = [16, 0], sizes = [8, 512], strides = [1, 1]} : vector<128x512xf32> to vector<8x512xf32>
    %add3A_380 = arith.addf %add3A_378, %slice3A_379 : vector<8x512xf32>
    %slice3A_381 = vector.extract_strided_slice %transpose3A_375 {offsets = [24, 0], sizes = [8, 512], strides = [1, 1]} : vector<128x512xf32> to vector<8x512xf32>
    %add3A_382 = arith.addf %add3A_380, %slice3A_381 : vector<8x512xf32>
    %slice3A_383 = vector.extract_strided_slice %transpose3A_375 {offsets = [32, 0], sizes = [8, 512], strides = [1, 1]} : vector<128x512xf32> to vector<8x512xf32>
    %add3A_384 = arith.addf %add3A_382, %slice3A_383 : vector<8x512xf32>
    %slice3A_385 = vector.extract_strided_slice %transpose3A_375 {offsets = [40, 0], sizes = [8, 512], strides = [1, 1]} : vector<128x512xf32> to vector<8x512xf32>
    %add3A_386 = arith.addf %add3A_384, %slice3A_385 : vector<8x512xf32>
    %slice3A_387 = vector.extract_strided_slice %transpose3A_375 {offsets = [48, 0], sizes = [8, 512], strides = [1, 1]} : vector<128x512xf32> to vector<8x512xf32>
    %add3A_388 = arith.addf %add3A_386, %slice3A_387 : vector<8x512xf32>
    %slice3A_389 = vector.extract_strided_slice %transpose3A_375 {offsets = [56, 0], sizes = [8, 512], strides = [1, 1]} : vector<128x512xf32> to vector<8x512xf32>
    %add3A_390 = arith.addf %add3A_388, %slice3A_389 : vector<8x512xf32>
    %slice3A_391 = vector.extract_strided_slice %transpose3A_375 {offsets = [64, 0], sizes = [8, 512], strides = [1, 1]} : vector<128x512xf32> to vector<8x512xf32>
    %add3A_392 = arith.addf %add3A_390, %slice3A_391 : vector<8x512xf32>
    %slice3A_393 = vector.extract_strided_slice %transpose3A_375 {offsets = [72, 0], sizes = [8, 512], strides = [1, 1]} : vector<128x512xf32> to vector<8x512xf32>
    %add3A_394 = arith.addf %add3A_392, %slice3A_393 : vector<8x512xf32>
    %slice3A_395 = vector.extract_strided_slice %transpose3A_375 {offsets = [80, 0], sizes = [8, 512], strides = [1, 1]} : vector<128x512xf32> to vector<8x512xf32>
    %add3A_396 = arith.addf %add3A_394, %slice3A_395 : vector<8x512xf32>
    %slice3A_397 = vector.extract_strided_slice %transpose3A_375 {offsets = [88, 0], sizes = [8, 512], strides = [1, 1]} : vector<128x512xf32> to vector<8x512xf32>
    %add3A_398 = arith.addf %add3A_396, %slice3A_397 : vector<8x512xf32>
    %slice3A_399 = vector.extract_strided_slice %transpose3A_375 {offsets = [96, 0], sizes = [8, 512], strides = [1, 1]} : vector<128x512xf32> to vector<8x512xf32>
    %add3A_400 = arith.addf %add3A_398, %slice3A_399 : vector<8x512xf32>
    %slice3A_401 = vector.extract_strided_slice %transpose3A_375 {offsets = [104, 0], sizes = [8, 512], strides = [1, 1]} : vector<128x512xf32> to vector<8x512xf32>
    %add3A_402 = arith.addf %add3A_400, %slice3A_401 : vector<8x512xf32>
    %slice3A_403 = vector.extract_strided_slice %transpose3A_375 {offsets = [112, 0], sizes = [8, 512], strides = [1, 1]} : vector<128x512xf32> to vector<8x512xf32>
    %add3A_404 = arith.addf %add3A_402, %slice3A_403 : vector<8x512xf32>
    %slice3A_405 = vector.extract_strided_slice %transpose3A_375 {offsets = [120, 0], sizes = [8, 512], strides = [1, 1]} : vector<128x512xf32> to vector<8x512xf32>
    %add3A_406 = arith.addf %add3A_404, %slice3A_405 : vector<8x512xf32>
    %slice3A_407 = vector.extract_strided_slice %add3A_406 {offsets = [0, 0], sizes = [4, 512], strides = [1, 1]} : vector<8x512xf32> to vector<4x512xf32>
    %slice3A_408 = vector.extract_strided_slice %add3A_406 {offsets = [4, 0], sizes = [4, 512], strides = [1, 1]} : vector<8x512xf32> to vector<4x512xf32>
    %add3A_409 = arith.addf %slice3A_407, %slice3A_408 : vector<4x512xf32>
    %slice3A_410 = vector.extract_strided_slice %add3A_409 {offsets = [0, 0], sizes = [2, 512], strides = [1, 1]} : vector<4x512xf32> to vector<2x512xf32>
    %slice3A_411 = vector.extract_strided_slice %add3A_409 {offsets = [2, 0], sizes = [2, 512], strides = [1, 1]} : vector<4x512xf32> to vector<2x512xf32>
    %add3A_412 = arith.addf %slice3A_410, %slice3A_411 : vector<2x512xf32>
    %slice3A_413 = vector.extract_strided_slice %add3A_412 {offsets = [0, 0], sizes = [1, 512], strides = [1, 1]} : vector<2x512xf32> to vector<1x512xf32>
    %slice3A_414 = vector.extract_strided_slice %add3A_412 {offsets = [1, 0], sizes = [1, 512], strides = [1, 1]} : vector<2x512xf32> to vector<1x512xf32>
    %add3A_415 = arith.addf %slice3A_413, %slice3A_414 : vector<1x512xf32>
    %jit3A_416 = arith.constant -1.000000e+00 : f32
    %broadcast_in_dim3A_417 = vector.broadcast %jit3A_416 : f32 to vector<1x512xf32>
    %select_n3A_418 = arith.select %eq3A_154, %broadcast_in_dim3A_417, %add3A_415 : vector<1x512xi1>, vector<1x512xf32>
    %jit3A_419 = arith.constant 0.000000e+00 : f32
    %broadcast_in_dim3A_420 = vector.shape_cast %select_n3A_418 : vector<1x512xf32> to vector<1x512xf32>
    %broadcast_in_dim3A_421 = vector.broadcast %broadcast_in_dim3A_420 : vector<1x512xf32> to vector<512x512xf32>
    %broadcast_in_dim3A_422 = vector.broadcast %jit3A_419 : f32 to vector<512x512xf32>
    %select_n3A_423 = arith.select %eq3A, %broadcast_in_dim3A_421, %broadcast_in_dim3A_422 : vector<512x512xi1>, vector<512x512xf32>
    %reduce_sum3A_424 = arith.constant dense<0.000000e+00> : vector<512xf32>
    %reduce_sum3A_425 = vector.multi_reduction <add>, %select_n3A_423, %reduce_sum3A_424 [1] : vector<512x512xf32> to vector<512xf32>
    %broadcast_in_dim3A_426 = vector.shape_cast %reduce_sum3A_425 : vector<512xf32> to vector<512x1xf32>
    %gt3A_427 = vector.broadcast %broadcast_in_dim3A_426 : vector<512x1xf32> to vector<512x512xf32>
    %gt3A_428 = vector.broadcast %select_n3A_418 : vector<1x512xf32> to vector<512x512xf32>
    %gt3A_429 = arith.cmpf ogt, %gt3A_427, %gt3A_428 : vector<512x512xf32>
    %ge3A_430 = vector.broadcast %broadcast_in_dim3A_426 : vector<512x1xf32> to vector<512x512xf32>
    %ge3A_431 = vector.broadcast %select_n3A_418 : vector<1x512xf32> to vector<512x512xf32>
    %ge3A_432 = arith.cmpf oge, %ge3A_430, %ge3A_431 : vector<512x512xf32>
    %and3A_433 = arith.andi %lt3A, %ge3A_432 : vector<512x512xi1>
    %or3A_434 = arith.ori %gt3A_429, %and3A_433 : vector<512x512xi1>
    %convert_element_type3A_435 = arith.extui %or3A_434 : vector<512x512xi1> to vector<512x512xi32>
    %reduce_sum3A_436 = arith.constant dense<0> : vector<512xi32>
    %reduce_sum3A_437 = vector.multi_reduction <add>, %convert_element_type3A_435, %reduce_sum3A_436 [0] : vector<512x512xi32> to vector<512xi32>
    %broadcast_in_dim3A_438 = vector.shape_cast %reduce_sum3A_437 : vector<512xi32> to vector<1x512xi32>
    %swap3A_439 = arith.constant 0 : index
    %swap3A_440 = arith.constant 2 : index
    %swap3A_441 = arith.constant 0 : index
    %swap3A_442 = arith.constant 0 : index
    %swap3A_443 = vector.load %arg6[%swap3A_439, %swap3A_440, %swap3A_441, %swap3A_442] : memref<2x8x1x512xf32, #tpu.memory_space<vmem>>, vector<1x1x1x512xf32>
    %swap3A_444 = vector.shape_cast %swap3A_443 : vector<1x1x1x512xf32> to vector<1x512xf32>
    %swap3A_445 = vector.shape_cast %select_n3A_418 : vector<1x512xf32> to vector<1x1x1x512xf32>
    tpu.vector_store %arg6[%swap3A_439, %swap3A_440, %swap3A_441, %swap3A_442], %swap3A_445 {strides = array<i32>} : memref<2x8x1x512xf32, #tpu.memory_space<vmem>>, vector<1x1x1x512xf32>,
    %swap3A_446 = arith.constant 0 : index
    %swap3A_447 = arith.constant 2 : index
    %swap3A_448 = arith.constant 0 : index
    %swap3A_449 = arith.constant 0 : index
    %swap3A_450 = vector.load %arg7[%swap3A_446, %swap3A_447, %swap3A_448, %swap3A_449] : memref<2x8x1x512xi32, #tpu.memory_space<vmem>>, vector<1x1x1x512xi32>
    %swap3A_451 = vector.shape_cast %swap3A_450 : vector<1x1x1x512xi32> to vector<1x512xi32>
    %swap3A_452 = vector.shape_cast %broadcast_in_dim3A_438 : vector<1x512xi32> to vector<1x1x1x512xi32>
    tpu.vector_store %arg7[%swap3A_446, %swap3A_447, %swap3A_448, %swap3A_449], %swap3A_452 {strides = array<i32>} : memref<2x8x1x512xi32, #tpu.memory_space<vmem>>, vector<1x1x1x512xi32>,
    %gt3A_453 = arith.constant 2 : i32
    %gt3A_454 = arith.cmpi sgt, %get3A_172, %gt3A_453 : i32
    %jit3A_455 = arith.constant 0 : i32
    %select_n3A_456 = arith.select %gt3A_454, %reduce_sum3A_166, %jit3A_455 : i32
    %broadcast_in_dim3A_457 = vector.broadcast %select_n3A_456 : i32 to vector<1x1xi32>
    %swap3A_458 = arith.constant 0 : index
    %swap3A_459 = arith.constant 2 : index
    %swap3A_460 = arith.constant 0 : index
    %swap3A_461 = arith.constant 0 : index
    %swap3A_462 = vector.load %arg9[%swap3A_458, %swap3A_459, %swap3A_460, %swap3A_461] : memref<2x8x1x1xi32, #tpu.memory_space<vmem>>, vector<1x1x1x1xi32>
    %swap3A_463 = vector.shape_cast %swap3A_462 : vector<1x1x1x1xi32> to vector<1x1xi32>
    %swap3A_464 = vector.shape_cast %broadcast_in_dim3A_457 : vector<1x1xi32> to vector<1x1x1x1xi32>
    tpu.vector_store %arg9[%swap3A_458, %swap3A_459, %swap3A_460, %swap3A_461], %swap3A_464 {strides = array<i32>} : memref<2x8x1x1xi32, #tpu.memory_space<vmem>>, vector<1x1x1x1xi32>,
    %get3A_465 = arith.constant 0 : index
    %get3A_466 = arith.constant 3 : index
    %get3A_467 = arith.constant 0 : index
    %get3A_468 = arith.constant 0 : index
    %get3A_469 = vector.load %arg2[%get3A_465, %get3A_466, %get3A_467, %get3A_468] : memref<2x8x512x256xf32, #tpu.memory_space<vmem>>, vector<1x1x512x256xf32>
    %get3A_470 = vector.shape_cast %get3A_469 : vector<1x1x512x256xf32> to vector<512x256xf32>
    %slice3A_471 = vector.extract_strided_slice %get3A_470 {offsets = [0, 0], sizes = [512, 128], strides = [1, 1]} : vector<512x256xf32> to vector<512x128xf32>
    %slice3A_472 = vector.extract_strided_slice %get3A_470 {offsets = [0, 128], sizes = [512, 128], strides = [1, 1]} : vector<512x256xf32> to vector<512x128xf32>
    %add3A_473 = arith.addf %slice3A_471, %slice3A_472 : vector<512x128xf32>
    %transpose3A_474 = tpu.transpose %add3A_473, [1, 0] : vector<512x128xf32> -> vector<128x512xf32>
    %slice3A_475 = vector.extract_strided_slice %transpose3A_474 {offsets = [0, 0], sizes = [8, 512], strides = [1, 1]} : vector<128x512xf32> to vector<8x512xf32>
    %slice3A_476 = vector.extract_strided_slice %transpose3A_474 {offsets = [8, 0], sizes = [8, 512], strides = [1, 1]} : vector<128x512xf32> to vector<8x512xf32>
    %add3A_477 = arith.addf %slice3A_475, %slice3A_476 : vector<8x512xf32>
    %slice3A_478 = vector.extract_strided_slice %transpose3A_474 {offsets = [16, 0], sizes = [8, 512], strides = [1, 1]} : vector<128x512xf32> to vector<8x512xf32>
    %add3A_479 = arith.addf %add3A_477, %slice3A_478 : vector<8x512xf32>
    %slice3A_480 = vector.extract_strided_slice %transpose3A_474 {offsets = [24, 0], sizes = [8, 512], strides = [1, 1]} : vector<128x512xf32> to vector<8x512xf32>
    %add3A_481 = arith.addf %add3A_479, %slice3A_480 : vector<8x512xf32>
    %slice3A_482 = vector.extract_strided_slice %transpose3A_474 {offsets = [32, 0], sizes = [8, 512], strides = [1, 1]} : vector<128x512xf32> to vector<8x512xf32>
    %add3A_483 = arith.addf %add3A_481, %slice3A_482 : vector<8x512xf32>
    %slice3A_484 = vector.extract_strided_slice %transpose3A_474 {offsets = [40, 0], sizes = [8, 512], strides = [1, 1]} : vector<128x512xf32> to vector<8x512xf32>
    %add3A_485 = arith.addf %add3A_483, %slice3A_484 : vector<8x512xf32>
    %slice3A_486 = vector.extract_strided_slice %transpose3A_474 {offsets = [48, 0], sizes = [8, 512], strides = [1, 1]} : vector<128x512xf32> to vector<8x512xf32>
    %add3A_487 = arith.addf %add3A_485, %slice3A_486 : vector<8x512xf32>
    %slice3A_488 = vector.extract_strided_slice %transpose3A_474 {offsets = [56, 0], sizes = [8, 512], strides = [1, 1]} : vector<128x512xf32> to vector<8x512xf32>
    %add3A_489 = arith.addf %add3A_487, %slice3A_488 : vector<8x512xf32>
    %slice3A_490 = vector.extract_strided_slice %transpose3A_474 {offsets = [64, 0], sizes = [8, 512], strides = [1, 1]} : vector<128x512xf32> to vector<8x512xf32>
    %add3A_491 = arith.addf %add3A_489, %slice3A_490 : vector<8x512xf32>
    %slice3A_492 = vector.extract_strided_slice %transpose3A_474 {offsets = [72, 0], sizes = [8, 512], strides = [1, 1]} : vector<128x512xf32> to vector<8x512xf32>
    %add3A_493 = arith.addf %add3A_491, %slice3A_492 : vector<8x512xf32>
    %slice3A_494 = vector.extract_strided_slice %transpose3A_474 {offsets = [80, 0], sizes = [8, 512], strides = [1, 1]} : vector<128x512xf32> to vector<8x512xf32>
    %add3A_495 = arith.addf %add3A_493, %slice3A_494 : vector<8x512xf32>
    %slice3A_496 = vector.extract_strided_slice %transpose3A_474 {offsets = [88, 0], sizes = [8, 512], strides = [1, 1]} : vector<128x512xf32> to vector<8x512xf32>
    %add3A_497 = arith.addf %add3A_495, %slice3A_496 : vector<8x512xf32>
    %slice3A_498 = vector.extract_strided_slice %transpose3A_474 {offsets = [96, 0], sizes = [8, 512], strides = [1, 1]} : vector<128x512xf32> to vector<8x512xf32>
    %add3A_499 = arith.addf %add3A_497, %slice3A_498 : vector<8x512xf32>
    %slice3A_500 = vector.extract_strided_slice %transpose3A_474 {offsets = [104, 0], sizes = [8, 512], strides = [1, 1]} : vector<128x512xf32> to vector<8x512xf32>
    %add3A_501 = arith.addf %add3A_499, %slice3A_500 : vector<8x512xf32>
    %slice3A_502 = vector.extract_strided_slice %transpose3A_474 {offsets = [112, 0], sizes = [8, 512], strides = [1, 1]} : vector<128x512xf32> to vector<8x512xf32>
    %add3A_503 = arith.addf %add3A_501, %slice3A_502 : vector<8x512xf32>
    %slice3A_504 = vector.extract_strided_slice %transpose3A_474 {offsets = [120, 0], sizes = [8, 512], strides = [1, 1]} : vector<128x512xf32> to vector<8x512xf32>
    %add3A_505 = arith.addf %add3A_503, %slice3A_504 : vector<8x512xf32>
    %slice3A_506 = vector.extract_strided_slice %add3A_505 {offsets = [0, 0], sizes = [4, 512], strides = [1, 1]} : vector<8x512xf32> to vector<4x512xf32>
    %slice3A_507 = vector.extract_strided_slice %add3A_505 {offsets = [4, 0], sizes = [4, 512], strides = [1, 1]} : vector<8x512xf32> to vector<4x512xf32>
    %add3A_508 = arith.addf %slice3A_506, %slice3A_507 : vector<4x512xf32>
    %slice3A_509 = vector.extract_strided_slice %add3A_508 {offsets = [0, 0], sizes = [2, 512], strides = [1, 1]} : vector<4x512xf32> to vector<2x512xf32>
    %slice3A_510 = vector.extract_strided_slice %add3A_508 {offsets = [2, 0], sizes = [2, 512], strides = [1, 1]} : vector<4x512xf32> to vector<2x512xf32>
    %add3A_511 = arith.addf %slice3A_509, %slice3A_510 : vector<2x512xf32>
    %slice3A_512 = vector.extract_strided_slice %add3A_511 {offsets = [0, 0], sizes = [1, 512], strides = [1, 1]} : vector<2x512xf32> to vector<1x512xf32>
    %slice3A_513 = vector.extract_strided_slice %add3A_511 {offsets = [1, 0], sizes = [1, 512], strides = [1, 1]} : vector<2x512xf32> to vector<1x512xf32>
    %add3A_514 = arith.addf %slice3A_512, %slice3A_513 : vector<1x512xf32>
    %jit3A_515 = arith.constant -1.000000e+00 : f32
    %broadcast_in_dim3A_516 = vector.broadcast %jit3A_515 : f32 to vector<1x512xf32>
    %select_n3A_517 = arith.select %eq3A_154, %broadcast_in_dim3A_516, %add3A_514 : vector<1x512xi1>, vector<1x512xf32>
    %jit3A_518 = arith.constant 0.000000e+00 : f32
    %broadcast_in_dim3A_519 = vector.shape_cast %select_n3A_517 : vector<1x512xf32> to vector<1x512xf32>
    %broadcast_in_dim3A_520 = vector.broadcast %broadcast_in_dim3A_519 : vector<1x512xf32> to vector<512x512xf32>
    %broadcast_in_dim3A_521 = vector.broadcast %jit3A_518 : f32 to vector<512x512xf32>
    %select_n3A_522 = arith.select %eq3A, %broadcast_in_dim3A_520, %broadcast_in_dim3A_521 : vector<512x512xi1>, vector<512x512xf32>
    %reduce_sum3A_523 = arith.constant dense<0.000000e+00> : vector<512xf32>
    %reduce_sum3A_524 = vector.multi_reduction <add>, %select_n3A_522, %reduce_sum3A_523 [1] : vector<512x512xf32> to vector<512xf32>
    %broadcast_in_dim3A_525 = vector.shape_cast %reduce_sum3A_524 : vector<512xf32> to vector<512x1xf32>
    %gt3A_526 = vector.broadcast %broadcast_in_dim3A_525 : vector<512x1xf32> to vector<512x512xf32>
    %gt3A_527 = vector.broadcast %select_n3A_517 : vector<1x512xf32> to vector<512x512xf32>
    %gt3A_528 = arith.cmpf ogt, %gt3A_526, %gt3A_527 : vector<512x512xf32>
    %ge3A_529 = vector.broadcast %broadcast_in_dim3A_525 : vector<512x1xf32> to vector<512x512xf32>
    %ge3A_530 = vector.broadcast %select_n3A_517 : vector<1x512xf32> to vector<512x512xf32>
    %ge3A_531 = arith.cmpf oge, %ge3A_529, %ge3A_530 : vector<512x512xf32>
    %and3A_532 = arith.andi %lt3A, %ge3A_531 : vector<512x512xi1>
    %or3A_533 = arith.ori %gt3A_528, %and3A_532 : vector<512x512xi1>
    %convert_element_type3A_534 = arith.extui %or3A_533 : vector<512x512xi1> to vector<512x512xi32>
    %reduce_sum3A_535 = arith.constant dense<0> : vector<512xi32>
    %reduce_sum3A_536 = vector.multi_reduction <add>, %convert_element_type3A_534, %reduce_sum3A_535 [0] : vector<512x512xi32> to vector<512xi32>
    %broadcast_in_dim3A_537 = vector.shape_cast %reduce_sum3A_536 : vector<512xi32> to vector<1x512xi32>
    %swap3A_538 = arith.constant 0 : index
    %swap3A_539 = arith.constant 3 : index
    %swap3A_540 = arith.constant 0 : index
    %swap3A_541 = arith.constant 0 : index
    %swap3A_542 = vector.load %arg6[%swap3A_538, %swap3A_539, %swap3A_540, %swap3A_541] : memref<2x8x1x512xf32, #tpu.memory_space<vmem>>, vector<1x1x1x512xf32>
    %swap3A_543 = vector.shape_cast %swap3A_542 : vector<1x1x1x512xf32> to vector<1x512xf32>
    %swap3A_544 = vector.shape_cast %select_n3A_517 : vector<1x512xf32> to vector<1x1x1x512xf32>
    tpu.vector_store %arg6[%swap3A_538, %swap3A_539, %swap3A_540, %swap3A_541], %swap3A_544 {strides = array<i32>} : memref<2x8x1x512xf32, #tpu.memory_space<vmem>>, vector<1x1x1x512xf32>,
    %swap3A_545 = arith.constant 0 : index
    %swap3A_546 = arith.constant 3 : index
    %swap3A_547 = arith.constant 0 : index
    %swap3A_548 = arith.constant 0 : index
    %swap3A_549 = vector.load %arg7[%swap3A_545, %swap3A_546, %swap3A_547, %swap3A_548] : memref<2x8x1x512xi32, #tpu.memory_space<vmem>>, vector<1x1x1x512xi32>
    %swap3A_550 = vector.shape_cast %swap3A_549 : vector<1x1x1x512xi32> to vector<1x512xi32>
    %swap3A_551 = vector.shape_cast %broadcast_in_dim3A_537 : vector<1x512xi32> to vector<1x1x1x512xi32>
    tpu.vector_store %arg7[%swap3A_545, %swap3A_546, %swap3A_547, %swap3A_548], %swap3A_551 {strides = array<i32>} : memref<2x8x1x512xi32, #tpu.memory_space<vmem>>, vector<1x1x1x512xi32>,
    %gt3A_552 = arith.constant 3 : i32
    %gt3A_553 = arith.cmpi sgt, %get3A_172, %gt3A_552 : i32
    %jit3A_554 = arith.constant 0 : i32
    %select_n3A_555 = arith.select %gt3A_553, %reduce_sum3A_166, %jit3A_554 : i32
    %broadcast_in_dim3A_556 = vector.broadcast %select_n3A_555 : i32 to vector<1x1xi32>
    %swap3A_557 = arith.constant 0 : index
    %swap3A_558 = arith.constant 3 : index
    %swap3A_559 = arith.constant 0 : index
    %swap3A_560 = arith.constant 0 : index
    %swap3A_561 = vector.load %arg9[%swap3A_557, %swap3A_558, %swap3A_559, %swap3A_560] : memref<2x8x1x1xi32, #tpu.memory_space<vmem>>, vector<1x1x1x1xi32>
    %swap3A_562 = vector.shape_cast %swap3A_561 : vector<1x1x1x1xi32> to vector<1x1xi32>
    %swap3A_563 = vector.shape_cast %broadcast_in_dim3A_556 : vector<1x1xi32> to vector<1x1x1x1xi32>
    tpu.vector_store %arg9[%swap3A_557, %swap3A_558, %swap3A_559, %swap3A_560], %swap3A_563 {strides = array<i32>} : memref<2x8x1x1xi32, #tpu.memory_space<vmem>>, vector<1x1x1x1xi32>,
    %get3A_564 = arith.constant 0 : index
    %get3A_565 = arith.constant 4 : index
    %get3A_566 = arith.constant 0 : index
    %get3A_567 = arith.constant 0 : index
    %get3A_568 = vector.load %arg2[%get3A_564, %get3A_565, %get3A_566, %get3A_567] : memref<2x8x512x256xf32, #tpu.memory_space<vmem>>, vector<1x1x512x256xf32>
    %get3A_569 = vector.shape_cast %get3A_568 : vector<1x1x512x256xf32> to vector<512x256xf32>
    %slice3A_570 = vector.extract_strided_slice %get3A_569 {offsets = [0, 0], sizes = [512, 128], strides = [1, 1]} : vector<512x256xf32> to vector<512x128xf32>
    %slice3A_571 = vector.extract_strided_slice %get3A_569 {offsets = [0, 128], sizes = [512, 128], strides = [1, 1]} : vector<512x256xf32> to vector<512x128xf32>
    %add3A_572 = arith.addf %slice3A_570, %slice3A_571 : vector<512x128xf32>
    %transpose3A_573 = tpu.transpose %add3A_572, [1, 0] : vector<512x128xf32> -> vector<128x512xf32>
    %slice3A_574 = vector.extract_strided_slice %transpose3A_573 {offsets = [0, 0], sizes = [8, 512], strides = [1, 1]} : vector<128x512xf32> to vector<8x512xf32>
    %slice3A_575 = vector.extract_strided_slice %transpose3A_573 {offsets = [8, 0], sizes = [8, 512], strides = [1, 1]} : vector<128x512xf32> to vector<8x512xf32>
    %add3A_576 = arith.addf %slice3A_574, %slice3A_575 : vector<8x512xf32>
    %slice3A_577 = vector.extract_strided_slice %transpose3A_573 {offsets = [16, 0], sizes = [8, 512], strides = [1, 1]} : vector<128x512xf32> to vector<8x512xf32>
    %add3A_578 = arith.addf %add3A_576, %slice3A_577 : vector<8x512xf32>
    %slice3A_579 = vector.extract_strided_slice %transpose3A_573 {offsets = [24, 0], sizes = [8, 512], strides = [1, 1]} : vector<128x512xf32> to vector<8x512xf32>
    %add3A_580 = arith.addf %add3A_578, %slice3A_579 : vector<8x512xf32>
    %slice3A_581 = vector.extract_strided_slice %transpose3A_573 {offsets = [32, 0], sizes = [8, 512], strides = [1, 1]} : vector<128x512xf32> to vector<8x512xf32>
    %add3A_582 = arith.addf %add3A_580, %slice3A_581 : vector<8x512xf32>
    %slice3A_583 = vector.extract_strided_slice %transpose3A_573 {offsets = [40, 0], sizes = [8, 512], strides = [1, 1]} : vector<128x512xf32> to vector<8x512xf32>
    %add3A_584 = arith.addf %add3A_582, %slice3A_583 : vector<8x512xf32>
    %slice3A_585 = vector.extract_strided_slice %transpose3A_573 {offsets = [48, 0], sizes = [8, 512], strides = [1, 1]} : vector<128x512xf32> to vector<8x512xf32>
    %add3A_586 = arith.addf %add3A_584, %slice3A_585 : vector<8x512xf32>
    %slice3A_587 = vector.extract_strided_slice %transpose3A_573 {offsets = [56, 0], sizes = [8, 512], strides = [1, 1]} : vector<128x512xf32> to vector<8x512xf32>
    %add3A_588 = arith.addf %add3A_586, %slice3A_587 : vector<8x512xf32>
    %slice3A_589 = vector.extract_strided_slice %transpose3A_573 {offsets = [64, 0], sizes = [8, 512], strides = [1, 1]} : vector<128x512xf32> to vector<8x512xf32>
    %add3A_590 = arith.addf %add3A_588, %slice3A_589 : vector<8x512xf32>
    %slice3A_591 = vector.extract_strided_slice %transpose3A_573 {offsets = [72, 0], sizes = [8, 512], strides = [1, 1]} : vector<128x512xf32> to vector<8x512xf32>
    %add3A_592 = arith.addf %add3A_590, %slice3A_591 : vector<8x512xf32>
    %slice3A_593 = vector.extract_strided_slice %transpose3A_573 {offsets = [80, 0], sizes = [8, 512], strides = [1, 1]} : vector<128x512xf32> to vector<8x512xf32>
    %add3A_594 = arith.addf %add3A_592, %slice3A_593 : vector<8x512xf32>
    %slice3A_595 = vector.extract_strided_slice %transpose3A_573 {offsets = [88, 0], sizes = [8, 512], strides = [1, 1]} : vector<128x512xf32> to vector<8x512xf32>
    %add3A_596 = arith.addf %add3A_594, %slice3A_595 : vector<8x512xf32>
    %slice3A_597 = vector.extract_strided_slice %transpose3A_573 {offsets = [96, 0], sizes = [8, 512], strides = [1, 1]} : vector<128x512xf32> to vector<8x512xf32>
    %add3A_598 = arith.addf %add3A_596, %slice3A_597 : vector<8x512xf32>
    %slice3A_599 = vector.extract_strided_slice %transpose3A_573 {offsets = [104, 0], sizes = [8, 512], strides = [1, 1]} : vector<128x512xf32> to vector<8x512xf32>
    %add3A_600 = arith.addf %add3A_598, %slice3A_599 : vector<8x512xf32>
    %slice3A_601 = vector.extract_strided_slice %transpose3A_573 {offsets = [112, 0], sizes = [8, 512], strides = [1, 1]} : vector<128x512xf32> to vector<8x512xf32>
    %add3A_602 = arith.addf %add3A_600, %slice3A_601 : vector<8x512xf32>
    %slice3A_603 = vector.extract_strided_slice %transpose3A_573 {offsets = [120, 0], sizes = [8, 512], strides = [1, 1]} : vector<128x512xf32> to vector<8x512xf32>
    %add3A_604 = arith.addf %add3A_602, %slice3A_603 : vector<8x512xf32>
    %slice3A_605 = vector.extract_strided_slice %add3A_604 {offsets = [0, 0], sizes = [4, 512], strides = [1, 1]} : vector<8x512xf32> to vector<4x512xf32>
    %slice3A_606 = vector.extract_strided_slice %add3A_604 {offsets = [4, 0], sizes = [4, 512], strides = [1, 1]} : vector<8x512xf32> to vector<4x512xf32>
    %add3A_607 = arith.addf %slice3A_605, %slice3A_606 : vector<4x512xf32>
    %slice3A_608 = vector.extract_strided_slice %add3A_607 {offsets = [0, 0], sizes = [2, 512], strides = [1, 1]} : vector<4x512xf32> to vector<2x512xf32>
    %slice3A_609 = vector.extract_strided_slice %add3A_607 {offsets = [2, 0], sizes = [2, 512], strides = [1, 1]} : vector<4x512xf32> to vector<2x512xf32>
    %add3A_610 = arith.addf %slice3A_608, %slice3A_609 : vector<2x512xf32>
    %slice3A_611 = vector.extract_strided_slice %add3A_610 {offsets = [0, 0], sizes = [1, 512], strides = [1, 1]} : vector<2x512xf32> to vector<1x512xf32>
    %slice3A_612 = vector.extract_strided_slice %add3A_610 {offsets = [1, 0], sizes = [1, 512], strides = [1, 1]} : vector<2x512xf32> to vector<1x512xf32>
    %add3A_613 = arith.addf %slice3A_611, %slice3A_612 : vector<1x512xf32>
    %jit3A_614 = arith.constant -1.000000e+00 : f32
    %broadcast_in_dim3A_615 = vector.broadcast %jit3A_614 : f32 to vector<1x512xf32>
    %select_n3A_616 = arith.select %eq3A_154, %broadcast_in_dim3A_615, %add3A_613 : vector<1x512xi1>, vector<1x512xf32>
    %jit3A_617 = arith.constant 0.000000e+00 : f32
    %broadcast_in_dim3A_618 = vector.shape_cast %select_n3A_616 : vector<1x512xf32> to vector<1x512xf32>
    %broadcast_in_dim3A_619 = vector.broadcast %broadcast_in_dim3A_618 : vector<1x512xf32> to vector<512x512xf32>
    %broadcast_in_dim3A_620 = vector.broadcast %jit3A_617 : f32 to vector<512x512xf32>
    %select_n3A_621 = arith.select %eq3A, %broadcast_in_dim3A_619, %broadcast_in_dim3A_620 : vector<512x512xi1>, vector<512x512xf32>
    %reduce_sum3A_622 = arith.constant dense<0.000000e+00> : vector<512xf32>
    %reduce_sum3A_623 = vector.multi_reduction <add>, %select_n3A_621, %reduce_sum3A_622 [1] : vector<512x512xf32> to vector<512xf32>
    %broadcast_in_dim3A_624 = vector.shape_cast %reduce_sum3A_623 : vector<512xf32> to vector<512x1xf32>
    %gt3A_625 = vector.broadcast %broadcast_in_dim3A_624 : vector<512x1xf32> to vector<512x512xf32>
    %gt3A_626 = vector.broadcast %select_n3A_616 : vector<1x512xf32> to vector<512x512xf32>
    %gt3A_627 = arith.cmpf ogt, %gt3A_625, %gt3A_626 : vector<512x512xf32>
    %ge3A_628 = vector.broadcast %broadcast_in_dim3A_624 : vector<512x1xf32> to vector<512x512xf32>
    %ge3A_629 = vector.broadcast %select_n3A_616 : vector<1x512xf32> to vector<512x512xf32>
    %ge3A_630 = arith.cmpf oge, %ge3A_628, %ge3A_629 : vector<512x512xf32>
    %and3A_631 = arith.andi %lt3A, %ge3A_630 : vector<512x512xi1>
    %or3A_632 = arith.ori %gt3A_627, %and3A_631 : vector<512x512xi1>
    %convert_element_type3A_633 = arith.extui %or3A_632 : vector<512x512xi1> to vector<512x512xi32>
    %reduce_sum3A_634 = arith.constant dense<0> : vector<512xi32>
    %reduce_sum3A_635 = vector.multi_reduction <add>, %convert_element_type3A_633, %reduce_sum3A_634 [0] : vector<512x512xi32> to vector<512xi32>
    %broadcast_in_dim3A_636 = vector.shape_cast %reduce_sum3A_635 : vector<512xi32> to vector<1x512xi32>
    %swap3A_637 = arith.constant 0 : index
    %swap3A_638 = arith.constant 4 : index
    %swap3A_639 = arith.constant 0 : index
    %swap3A_640 = arith.constant 0 : index
    %swap3A_641 = vector.load %arg6[%swap3A_637, %swap3A_638, %swap3A_639, %swap3A_640] : memref<2x8x1x512xf32, #tpu.memory_space<vmem>>, vector<1x1x1x512xf32>
    %swap3A_642 = vector.shape_cast %swap3A_641 : vector<1x1x1x512xf32> to vector<1x512xf32>
    %swap3A_643 = vector.shape_cast %select_n3A_616 : vector<1x512xf32> to vector<1x1x1x512xf32>
    tpu.vector_store %arg6[%swap3A_637, %swap3A_638, %swap3A_639, %swap3A_640], %swap3A_643 {strides = array<i32>} : memref<2x8x1x512xf32, #tpu.memory_space<vmem>>, vector<1x1x1x512xf32>,
    %swap3A_644 = arith.constant 0 : index
    %swap3A_645 = arith.constant 4 : index
    %swap3A_646 = arith.constant 0 : index
    %swap3A_647 = arith.constant 0 : index
    %swap3A_648 = vector.load %arg7[%swap3A_644, %swap3A_645, %swap3A_646, %swap3A_647] : memref<2x8x1x512xi32, #tpu.memory_space<vmem>>, vector<1x1x1x512xi32>
    %swap3A_649 = vector.shape_cast %swap3A_648 : vector<1x1x1x512xi32> to vector<1x512xi32>
    %swap3A_650 = vector.shape_cast %broadcast_in_dim3A_636 : vector<1x512xi32> to vector<1x1x1x512xi32>
    tpu.vector_store %arg7[%swap3A_644, %swap3A_645, %swap3A_646, %swap3A_647], %swap3A_650 {strides = array<i32>} : memref<2x8x1x512xi32, #tpu.memory_space<vmem>>, vector<1x1x1x512xi32>,
    %gt3A_651 = arith.constant 4 : i32
    %gt3A_652 = arith.cmpi sgt, %get3A_172, %gt3A_651 : i32
    %jit3A_653 = arith.constant 0 : i32
    %select_n3A_654 = arith.select %gt3A_652, %reduce_sum3A_166, %jit3A_653 : i32
    %broadcast_in_dim3A_655 = vector.broadcast %select_n3A_654 : i32 to vector<1x1xi32>
    %swap3A_656 = arith.constant 0 : index
    %swap3A_657 = arith.constant 4 : index
    %swap3A_658 = arith.constant 0 : index
    %swap3A_659 = arith.constant 0 : index
    %swap3A_660 = vector.load %arg9[%swap3A_656, %swap3A_657, %swap3A_658, %swap3A_659] : memref<2x8x1x1xi32, #tpu.memory_space<vmem>>, vector<1x1x1x1xi32>
    %swap3A_661 = vector.shape_cast %swap3A_660 : vector<1x1x1x1xi32> to vector<1x1xi32>
    %swap3A_662 = vector.shape_cast %broadcast_in_dim3A_655 : vector<1x1xi32> to vector<1x1x1x1xi32>
    tpu.vector_store %arg9[%swap3A_656, %swap3A_657, %swap3A_658, %swap3A_659], %swap3A_662 {strides = array<i32>} : memref<2x8x1x1xi32, #tpu.memory_space<vmem>>, vector<1x1x1x1xi32>,
    %get3A_663 = arith.constant 0 : index
    %get3A_664 = arith.constant 5 : index
    %get3A_665 = arith.constant 0 : index
    %get3A_666 = arith.constant 0 : index
    %get3A_667 = vector.load %arg2[%get3A_663, %get3A_664, %get3A_665, %get3A_666] : memref<2x8x512x256xf32, #tpu.memory_space<vmem>>, vector<1x1x512x256xf32>
    %get3A_668 = vector.shape_cast %get3A_667 : vector<1x1x512x256xf32> to vector<512x256xf32>
    %slice3A_669 = vector.extract_strided_slice %get3A_668 {offsets = [0, 0], sizes = [512, 128], strides = [1, 1]} : vector<512x256xf32> to vector<512x128xf32>
    %slice3A_670 = vector.extract_strided_slice %get3A_668 {offsets = [0, 128], sizes = [512, 128], strides = [1, 1]} : vector<512x256xf32> to vector<512x128xf32>
    %add3A_671 = arith.addf %slice3A_669, %slice3A_670 : vector<512x128xf32>
    %transpose3A_672 = tpu.transpose %add3A_671, [1, 0] : vector<512x128xf32> -> vector<128x512xf32>
    %slice3A_673 = vector.extract_strided_slice %transpose3A_672 {offsets = [0, 0], sizes = [8, 512], strides = [1, 1]} : vector<128x512xf32> to vector<8x512xf32>
    %slice3A_674 = vector.extract_strided_slice %transpose3A_672 {offsets = [8, 0], sizes = [8, 512], strides = [1, 1]} : vector<128x512xf32> to vector<8x512xf32>
    %add3A_675 = arith.addf %slice3A_673, %slice3A_674 : vector<8x512xf32>
    %slice3A_676 = vector.extract_strided_slice %transpose3A_672 {offsets = [16, 0], sizes = [8, 512], strides = [1, 1]} : vector<128x512xf32> to vector<8x512xf32>
    %add3A_677 = arith.addf %add3A_675, %slice3A_676 : vector<8x512xf32>
    %slice3A_678 = vector.extract_strided_slice %transpose3A_672 {offsets = [24, 0], sizes = [8, 512], strides = [1, 1]} : vector<128x512xf32> to vector<8x512xf32>
    %add3A_679 = arith.addf %add3A_677, %slice3A_678 : vector<8x512xf32>
    %slice3A_680 = vector.extract_strided_slice %transpose3A_672 {offsets = [32, 0], sizes = [8, 512], strides = [1, 1]} : vector<128x512xf32> to vector<8x512xf32>
    %add3A_681 = arith.addf %add3A_679, %slice3A_680 : vector<8x512xf32>
    %slice3A_682 = vector.extract_strided_slice %transpose3A_672 {offsets = [40, 0], sizes = [8, 512], strides = [1, 1]} : vector<128x512xf32> to vector<8x512xf32>
    %add3A_683 = arith.addf %add3A_681, %slice3A_682 : vector<8x512xf32>
    %slice3A_684 = vector.extract_strided_slice %transpose3A_672 {offsets = [48, 0], sizes = [8, 512], strides = [1, 1]} : vector<128x512xf32> to vector<8x512xf32>
    %add3A_685 = arith.addf %add3A_683, %slice3A_684 : vector<8x512xf32>
    %slice3A_686 = vector.extract_strided_slice %transpose3A_672 {offsets = [56, 0], sizes = [8, 512], strides = [1, 1]} : vector<128x512xf32> to vector<8x512xf32>
    %add3A_687 = arith.addf %add3A_685, %slice3A_686 : vector<8x512xf32>
    %slice3A_688 = vector.extract_strided_slice %transpose3A_672 {offsets = [64, 0], sizes = [8, 512], strides = [1, 1]} : vector<128x512xf32> to vector<8x512xf32>
    %add3A_689 = arith.addf %add3A_687, %slice3A_688 : vector<8x512xf32>
    %slice3A_690 = vector.extract_strided_slice %transpose3A_672 {offsets = [72, 0], sizes = [8, 512], strides = [1, 1]} : vector<128x512xf32> to vector<8x512xf32>
    %add3A_691 = arith.addf %add3A_689, %slice3A_690 : vector<8x512xf32>
    %slice3A_692 = vector.extract_strided_slice %transpose3A_672 {offsets = [80, 0], sizes = [8, 512], strides = [1, 1]} : vector<128x512xf32> to vector<8x512xf32>
    %add3A_693 = arith.addf %add3A_691, %slice3A_692 : vector<8x512xf32>
    %slice3A_694 = vector.extract_strided_slice %transpose3A_672 {offsets = [88, 0], sizes = [8, 512], strides = [1, 1]} : vector<128x512xf32> to vector<8x512xf32>
    %add3A_695 = arith.addf %add3A_693, %slice3A_694 : vector<8x512xf32>
    %slice3A_696 = vector.extract_strided_slice %transpose3A_672 {offsets = [96, 0], sizes = [8, 512], strides = [1, 1]} : vector<128x512xf32> to vector<8x512xf32>
    %add3A_697 = arith.addf %add3A_695, %slice3A_696 : vector<8x512xf32>
    %slice3A_698 = vector.extract_strided_slice %transpose3A_672 {offsets = [104, 0], sizes = [8, 512], strides = [1, 1]} : vector<128x512xf32> to vector<8x512xf32>
    %add3A_699 = arith.addf %add3A_697, %slice3A_698 : vector<8x512xf32>
    %slice3A_700 = vector.extract_strided_slice %transpose3A_672 {offsets = [112, 0], sizes = [8, 512], strides = [1, 1]} : vector<128x512xf32> to vector<8x512xf32>
    %add3A_701 = arith.addf %add3A_699, %slice3A_700 : vector<8x512xf32>
    %slice3A_702 = vector.extract_strided_slice %transpose3A_672 {offsets = [120, 0], sizes = [8, 512], strides = [1, 1]} : vector<128x512xf32> to vector<8x512xf32>
    %add3A_703 = arith.addf %add3A_701, %slice3A_702 : vector<8x512xf32>
    %slice3A_704 = vector.extract_strided_slice %add3A_703 {offsets = [0, 0], sizes = [4, 512], strides = [1, 1]} : vector<8x512xf32> to vector<4x512xf32>
    %slice3A_705 = vector.extract_strided_slice %add3A_703 {offsets = [4, 0], sizes = [4, 512], strides = [1, 1]} : vector<8x512xf32> to vector<4x512xf32>
    %add3A_706 = arith.addf %slice3A_704, %slice3A_705 : vector<4x512xf32>
    %slice3A_707 = vector.extract_strided_slice %add3A_706 {offsets = [0, 0], sizes = [2, 512], strides = [1, 1]} : vector<4x512xf32> to vector<2x512xf32>
    %slice3A_708 = vector.extract_strided_slice %add3A_706 {offsets = [2, 0], sizes = [2, 512], strides = [1, 1]} : vector<4x512xf32> to vector<2x512xf32>
    %add3A_709 = arith.addf %slice3A_707, %slice3A_708 : vector<2x512xf32>
    %slice3A_710 = vector.extract_strided_slice %add3A_709 {offsets = [0, 0], sizes = [1, 512], strides = [1, 1]} : vector<2x512xf32> to vector<1x512xf32>
    %slice3A_711 = vector.extract_strided_slice %add3A_709 {offsets = [1, 0], sizes = [1, 512], strides = [1, 1]} : vector<2x512xf32> to vector<1x512xf32>
    %add3A_712 = arith.addf %slice3A_710, %slice3A_711 : vector<1x512xf32>
    %jit3A_713 = arith.constant -1.000000e+00 : f32
    %broadcast_in_dim3A_714 = vector.broadcast %jit3A_713 : f32 to vector<1x512xf32>
    %select_n3A_715 = arith.select %eq3A_154, %broadcast_in_dim3A_714, %add3A_712 : vector<1x512xi1>, vector<1x512xf32>
    %jit3A_716 = arith.constant 0.000000e+00 : f32
    %broadcast_in_dim3A_717 = vector.shape_cast %select_n3A_715 : vector<1x512xf32> to vector<1x512xf32>
    %broadcast_in_dim3A_718 = vector.broadcast %broadcast_in_dim3A_717 : vector<1x512xf32> to vector<512x512xf32>
    %broadcast_in_dim3A_719 = vector.broadcast %jit3A_716 : f32 to vector<512x512xf32>
    %select_n3A_720 = arith.select %eq3A, %broadcast_in_dim3A_718, %broadcast_in_dim3A_719 : vector<512x512xi1>, vector<512x512xf32>
    %reduce_sum3A_721 = arith.constant dense<0.000000e+00> : vector<512xf32>
    %reduce_sum3A_722 = vector.multi_reduction <add>, %select_n3A_720, %reduce_sum3A_721 [1] : vector<512x512xf32> to vector<512xf32>
    %broadcast_in_dim3A_723 = vector.shape_cast %reduce_sum3A_722 : vector<512xf32> to vector<512x1xf32>
    %gt3A_724 = vector.broadcast %broadcast_in_dim3A_723 : vector<512x1xf32> to vector<512x512xf32>
    %gt3A_725 = vector.broadcast %select_n3A_715 : vector<1x512xf32> to vector<512x512xf32>
    %gt3A_726 = arith.cmpf ogt, %gt3A_724, %gt3A_725 : vector<512x512xf32>
    %ge3A_727 = vector.broadcast %broadcast_in_dim3A_723 : vector<512x1xf32> to vector<512x512xf32>
    %ge3A_728 = vector.broadcast %select_n3A_715 : vector<1x512xf32> to vector<512x512xf32>
    %ge3A_729 = arith.cmpf oge, %ge3A_727, %ge3A_728 : vector<512x512xf32>
    %and3A_730 = arith.andi %lt3A, %ge3A_729 : vector<512x512xi1>
    %or3A_731 = arith.ori %gt3A_726, %and3A_730 : vector<512x512xi1>
    %convert_element_type3A_732 = arith.extui %or3A_731 : vector<512x512xi1> to vector<512x512xi32>
    %reduce_sum3A_733 = arith.constant dense<0> : vector<512xi32>
    %reduce_sum3A_734 = vector.multi_reduction <add>, %convert_element_type3A_732, %reduce_sum3A_733 [0] : vector<512x512xi32> to vector<512xi32>
    %broadcast_in_dim3A_735 = vector.shape_cast %reduce_sum3A_734 : vector<512xi32> to vector<1x512xi32>
    %swap3A_736 = arith.constant 0 : index
    %swap3A_737 = arith.constant 5 : index
    %swap3A_738 = arith.constant 0 : index
    %swap3A_739 = arith.constant 0 : index
    %swap3A_740 = vector.load %arg6[%swap3A_736, %swap3A_737, %swap3A_738, %swap3A_739] : memref<2x8x1x512xf32, #tpu.memory_space<vmem>>, vector<1x1x1x512xf32>
    %swap3A_741 = vector.shape_cast %swap3A_740 : vector<1x1x1x512xf32> to vector<1x512xf32>
    %swap3A_742 = vector.shape_cast %select_n3A_715 : vector<1x512xf32> to vector<1x1x1x512xf32>
    tpu.vector_store %arg6[%swap3A_736, %swap3A_737, %swap3A_738, %swap3A_739], %swap3A_742 {strides = array<i32>} : memref<2x8x1x512xf32, #tpu.memory_space<vmem>>, vector<1x1x1x512xf32>,
    %swap3A_743 = arith.constant 0 : index
    %swap3A_744 = arith.constant 5 : index
    %swap3A_745 = arith.constant 0 : index
    %swap3A_746 = arith.constant 0 : index
    %swap3A_747 = vector.load %arg7[%swap3A_743, %swap3A_744, %swap3A_745, %swap3A_746] : memref<2x8x1x512xi32, #tpu.memory_space<vmem>>, vector<1x1x1x512xi32>
    %swap3A_748 = vector.shape_cast %swap3A_747 : vector<1x1x1x512xi32> to vector<1x512xi32>
    %swap3A_749 = vector.shape_cast %broadcast_in_dim3A_735 : vector<1x512xi32> to vector<1x1x1x512xi32>
    tpu.vector_store %arg7[%swap3A_743, %swap3A_744, %swap3A_745, %swap3A_746], %swap3A_749 {strides = array<i32>} : memref<2x8x1x512xi32, #tpu.memory_space<vmem>>, vector<1x1x1x512xi32>,
    %gt3A_750 = arith.constant 5 : i32
    %gt3A_751 = arith.cmpi sgt, %get3A_172, %gt3A_750 : i32
    %jit3A_752 = arith.constant 0 : i32
    %select_n3A_753 = arith.select %gt3A_751, %reduce_sum3A_166, %jit3A_752 : i32
    %broadcast_in_dim3A_754 = vector.broadcast %select_n3A_753 : i32 to vector<1x1xi32>
    %swap3A_755 = arith.constant 0 : index
    %swap3A_756 = arith.constant 5 : index
    %swap3A_757 = arith.constant 0 : index
    %swap3A_758 = arith.constant 0 : index
    %swap3A_759 = vector.load %arg9[%swap3A_755, %swap3A_756, %swap3A_757, %swap3A_758] : memref<2x8x1x1xi32, #tpu.memory_space<vmem>>, vector<1x1x1x1xi32>
    %swap3A_760 = vector.shape_cast %swap3A_759 : vector<1x1x1x1xi32> to vector<1x1xi32>
    %swap3A_761 = vector.shape_cast %broadcast_in_dim3A_754 : vector<1x1xi32> to vector<1x1x1x1xi32>
    tpu.vector_store %arg9[%swap3A_755, %swap3A_756, %swap3A_757, %swap3A_758], %swap3A_761 {strides = array<i32>} : memref<2x8x1x1xi32, #tpu.memory_space<vmem>>, vector<1x1x1x1xi32>,
    %get3A_762 = arith.constant 0 : index
    %get3A_763 = arith.constant 6 : index
    %get3A_764 = arith.constant 0 : index
    %get3A_765 = arith.constant 0 : index
    %get3A_766 = vector.load %arg2[%get3A_762, %get3A_763, %get3A_764, %get3A_765] : memref<2x8x512x256xf32, #tpu.memory_space<vmem>>, vector<1x1x512x256xf32>
    %get3A_767 = vector.shape_cast %get3A_766 : vector<1x1x512x256xf32> to vector<512x256xf32>
    %slice3A_768 = vector.extract_strided_slice %get3A_767 {offsets = [0, 0], sizes = [512, 128], strides = [1, 1]} : vector<512x256xf32> to vector<512x128xf32>
    %slice3A_769 = vector.extract_strided_slice %get3A_767 {offsets = [0, 128], sizes = [512, 128], strides = [1, 1]} : vector<512x256xf32> to vector<512x128xf32>
    %add3A_770 = arith.addf %slice3A_768, %slice3A_769 : vector<512x128xf32>
    %transpose3A_771 = tpu.transpose %add3A_770, [1, 0] : vector<512x128xf32> -> vector<128x512xf32>
    %slice3A_772 = vector.extract_strided_slice %transpose3A_771 {offsets = [0, 0], sizes = [8, 512], strides = [1, 1]} : vector<128x512xf32> to vector<8x512xf32>
    %slice3A_773 = vector.extract_strided_slice %transpose3A_771 {offsets = [8, 0], sizes = [8, 512], strides = [1, 1]} : vector<128x512xf32> to vector<8x512xf32>
    %add3A_774 = arith.addf %slice3A_772, %slice3A_773 : vector<8x512xf32>
    %slice3A_775 = vector.extract_strided_slice %transpose3A_771 {offsets = [16, 0], sizes = [8, 512], strides = [1, 1]} : vector<128x512xf32> to vector<8x512xf32>
    %add3A_776 = arith.addf %add3A_774, %slice3A_775 : vector<8x512xf32>
    %slice3A_777 = vector.extract_strided_slice %transpose3A_771 {offsets = [24, 0], sizes = [8, 512], strides = [1, 1]} : vector<128x512xf32> to vector<8x512xf32>
    %add3A_778 = arith.addf %add3A_776, %slice3A_777 : vector<8x512xf32>
    %slice3A_779 = vector.extract_strided_slice %transpose3A_771 {offsets = [32, 0], sizes = [8, 512], strides = [1, 1]} : vector<128x512xf32> to vector<8x512xf32>
    %add3A_780 = arith.addf %add3A_778, %slice3A_779 : vector<8x512xf32>
    %slice3A_781 = vector.extract_strided_slice %transpose3A_771 {offsets = [40, 0], sizes = [8, 512], strides = [1, 1]} : vector<128x512xf32> to vector<8x512xf32>
    %add3A_782 = arith.addf %add3A_780, %slice3A_781 : vector<8x512xf32>
    %slice3A_783 = vector.extract_strided_slice %transpose3A_771 {offsets = [48, 0], sizes = [8, 512], strides = [1, 1]} : vector<128x512xf32> to vector<8x512xf32>
    %add3A_784 = arith.addf %add3A_782, %slice3A_783 : vector<8x512xf32>
    %slice3A_785 = vector.extract_strided_slice %transpose3A_771 {offsets = [56, 0], sizes = [8, 512], strides = [1, 1]} : vector<128x512xf32> to vector<8x512xf32>
    %add3A_786 = arith.addf %add3A_784, %slice3A_785 : vector<8x512xf32>
    %slice3A_787 = vector.extract_strided_slice %transpose3A_771 {offsets = [64, 0], sizes = [8, 512], strides = [1, 1]} : vector<128x512xf32> to vector<8x512xf32>
    %add3A_788 = arith.addf %add3A_786, %slice3A_787 : vector<8x512xf32>
    %slice3A_789 = vector.extract_strided_slice %transpose3A_771 {offsets = [72, 0], sizes = [8, 512], strides = [1, 1]} : vector<128x512xf32> to vector<8x512xf32>
    %add3A_790 = arith.addf %add3A_788, %slice3A_789 : vector<8x512xf32>
    %slice3A_791 = vector.extract_strided_slice %transpose3A_771 {offsets = [80, 0], sizes = [8, 512], strides = [1, 1]} : vector<128x512xf32> to vector<8x512xf32>
    %add3A_792 = arith.addf %add3A_790, %slice3A_791 : vector<8x512xf32>
    %slice3A_793 = vector.extract_strided_slice %transpose3A_771 {offsets = [88, 0], sizes = [8, 512], strides = [1, 1]} : vector<128x512xf32> to vector<8x512xf32>
    %add3A_794 = arith.addf %add3A_792, %slice3A_793 : vector<8x512xf32>
    %slice3A_795 = vector.extract_strided_slice %transpose3A_771 {offsets = [96, 0], sizes = [8, 512], strides = [1, 1]} : vector<128x512xf32> to vector<8x512xf32>
    %add3A_796 = arith.addf %add3A_794, %slice3A_795 : vector<8x512xf32>
    %slice3A_797 = vector.extract_strided_slice %transpose3A_771 {offsets = [104, 0], sizes = [8, 512], strides = [1, 1]} : vector<128x512xf32> to vector<8x512xf32>
    %add3A_798 = arith.addf %add3A_796, %slice3A_797 : vector<8x512xf32>
    %slice3A_799 = vector.extract_strided_slice %transpose3A_771 {offsets = [112, 0], sizes = [8, 512], strides = [1, 1]} : vector<128x512xf32> to vector<8x512xf32>
    %add3A_800 = arith.addf %add3A_798, %slice3A_799 : vector<8x512xf32>
    %slice3A_801 = vector.extract_strided_slice %transpose3A_771 {offsets = [120, 0], sizes = [8, 512], strides = [1, 1]} : vector<128x512xf32> to vector<8x512xf32>
    %add3A_802 = arith.addf %add3A_800, %slice3A_801 : vector<8x512xf32>
    %slice3A_803 = vector.extract_strided_slice %add3A_802 {offsets = [0, 0], sizes = [4, 512], strides = [1, 1]} : vector<8x512xf32> to vector<4x512xf32>
    %slice3A_804 = vector.extract_strided_slice %add3A_802 {offsets = [4, 0], sizes = [4, 512], strides = [1, 1]} : vector<8x512xf32> to vector<4x512xf32>
    %add3A_805 = arith.addf %slice3A_803, %slice3A_804 : vector<4x512xf32>
    %slice3A_806 = vector.extract_strided_slice %add3A_805 {offsets = [0, 0], sizes = [2, 512], strides = [1, 1]} : vector<4x512xf32> to vector<2x512xf32>
    %slice3A_807 = vector.extract_strided_slice %add3A_805 {offsets = [2, 0], sizes = [2, 512], strides = [1, 1]} : vector<4x512xf32> to vector<2x512xf32>
    %add3A_808 = arith.addf %slice3A_806, %slice3A_807 : vector<2x512xf32>
    %slice3A_809 = vector.extract_strided_slice %add3A_808 {offsets = [0, 0], sizes = [1, 512], strides = [1, 1]} : vector<2x512xf32> to vector<1x512xf32>
    %slice3A_810 = vector.extract_strided_slice %add3A_808 {offsets = [1, 0], sizes = [1, 512], strides = [1, 1]} : vector<2x512xf32> to vector<1x512xf32>
    %add3A_811 = arith.addf %slice3A_809, %slice3A_810 : vector<1x512xf32>
    %jit3A_812 = arith.constant -1.000000e+00 : f32
    %broadcast_in_dim3A_813 = vector.broadcast %jit3A_812 : f32 to vector<1x512xf32>
    %select_n3A_814 = arith.select %eq3A_154, %broadcast_in_dim3A_813, %add3A_811 : vector<1x512xi1>, vector<1x512xf32>
    %jit3A_815 = arith.constant 0.000000e+00 : f32
    %broadcast_in_dim3A_816 = vector.shape_cast %select_n3A_814 : vector<1x512xf32> to vector<1x512xf32>
    %broadcast_in_dim3A_817 = vector.broadcast %broadcast_in_dim3A_816 : vector<1x512xf32> to vector<512x512xf32>
    %broadcast_in_dim3A_818 = vector.broadcast %jit3A_815 : f32 to vector<512x512xf32>
    %select_n3A_819 = arith.select %eq3A, %broadcast_in_dim3A_817, %broadcast_in_dim3A_818 : vector<512x512xi1>, vector<512x512xf32>
    %reduce_sum3A_820 = arith.constant dense<0.000000e+00> : vector<512xf32>
    %reduce_sum3A_821 = vector.multi_reduction <add>, %select_n3A_819, %reduce_sum3A_820 [1] : vector<512x512xf32> to vector<512xf32>
    %broadcast_in_dim3A_822 = vector.shape_cast %reduce_sum3A_821 : vector<512xf32> to vector<512x1xf32>
    %gt3A_823 = vector.broadcast %broadcast_in_dim3A_822 : vector<512x1xf32> to vector<512x512xf32>
    %gt3A_824 = vector.broadcast %select_n3A_814 : vector<1x512xf32> to vector<512x512xf32>
    %gt3A_825 = arith.cmpf ogt, %gt3A_823, %gt3A_824 : vector<512x512xf32>
    %ge3A_826 = vector.broadcast %broadcast_in_dim3A_822 : vector<512x1xf32> to vector<512x512xf32>
    %ge3A_827 = vector.broadcast %select_n3A_814 : vector<1x512xf32> to vector<512x512xf32>
    %ge3A_828 = arith.cmpf oge, %ge3A_826, %ge3A_827 : vector<512x512xf32>
    %and3A_829 = arith.andi %lt3A, %ge3A_828 : vector<512x512xi1>
    %or3A_830 = arith.ori %gt3A_825, %and3A_829 : vector<512x512xi1>
    %convert_element_type3A_831 = arith.extui %or3A_830 : vector<512x512xi1> to vector<512x512xi32>
    %reduce_sum3A_832 = arith.constant dense<0> : vector<512xi32>
    %reduce_sum3A_833 = vector.multi_reduction <add>, %convert_element_type3A_831, %reduce_sum3A_832 [0] : vector<512x512xi32> to vector<512xi32>
    %broadcast_in_dim3A_834 = vector.shape_cast %reduce_sum3A_833 : vector<512xi32> to vector<1x512xi32>
    %swap3A_835 = arith.constant 0 : index
    %swap3A_836 = arith.constant 6 : index
    %swap3A_837 = arith.constant 0 : index
    %swap3A_838 = arith.constant 0 : index
    %swap3A_839 = vector.load %arg6[%swap3A_835, %swap3A_836, %swap3A_837, %swap3A_838] : memref<2x8x1x512xf32, #tpu.memory_space<vmem>>, vector<1x1x1x512xf32>
    %swap3A_840 = vector.shape_cast %swap3A_839 : vector<1x1x1x512xf32> to vector<1x512xf32>
    %swap3A_841 = vector.shape_cast %select_n3A_814 : vector<1x512xf32> to vector<1x1x1x512xf32>
    tpu.vector_store %arg6[%swap3A_835, %swap3A_836, %swap3A_837, %swap3A_838], %swap3A_841 {strides = array<i32>} : memref<2x8x1x512xf32, #tpu.memory_space<vmem>>, vector<1x1x1x512xf32>,
    %swap3A_842 = arith.constant 0 : index
    %swap3A_843 = arith.constant 6 : index
    %swap3A_844 = arith.constant 0 : index
    %swap3A_845 = arith.constant 0 : index
    %swap3A_846 = vector.load %arg7[%swap3A_842, %swap3A_843, %swap3A_844, %swap3A_845] : memref<2x8x1x512xi32, #tpu.memory_space<vmem>>, vector<1x1x1x512xi32>
    %swap3A_847 = vector.shape_cast %swap3A_846 : vector<1x1x1x512xi32> to vector<1x512xi32>
    %swap3A_848 = vector.shape_cast %broadcast_in_dim3A_834 : vector<1x512xi32> to vector<1x1x1x512xi32>
    tpu.vector_store %arg7[%swap3A_842, %swap3A_843, %swap3A_844, %swap3A_845], %swap3A_848 {strides = array<i32>} : memref<2x8x1x512xi32, #tpu.memory_space<vmem>>, vector<1x1x1x512xi32>,
    %gt3A_849 = arith.constant 6 : i32
    %gt3A_850 = arith.cmpi sgt, %get3A_172, %gt3A_849 : i32
    %jit3A_851 = arith.constant 0 : i32
    %select_n3A_852 = arith.select %gt3A_850, %reduce_sum3A_166, %jit3A_851 : i32
    %broadcast_in_dim3A_853 = vector.broadcast %select_n3A_852 : i32 to vector<1x1xi32>
    %swap3A_854 = arith.constant 0 : index
    %swap3A_855 = arith.constant 6 : index
    %swap3A_856 = arith.constant 0 : index
    %swap3A_857 = arith.constant 0 : index
    %swap3A_858 = vector.load %arg9[%swap3A_854, %swap3A_855, %swap3A_856, %swap3A_857] : memref<2x8x1x1xi32, #tpu.memory_space<vmem>>, vector<1x1x1x1xi32>
    %swap3A_859 = vector.shape_cast %swap3A_858 : vector<1x1x1x1xi32> to vector<1x1xi32>
    %swap3A_860 = vector.shape_cast %broadcast_in_dim3A_853 : vector<1x1xi32> to vector<1x1x1x1xi32>
    tpu.vector_store %arg9[%swap3A_854, %swap3A_855, %swap3A_856, %swap3A_857], %swap3A_860 {strides = array<i32>} : memref<2x8x1x1xi32, #tpu.memory_space<vmem>>, vector<1x1x1x1xi32>,
    %get3A_861 = arith.constant 0 : index
    %get3A_862 = arith.constant 7 : index
    %get3A_863 = arith.constant 0 : index
    %get3A_864 = arith.constant 0 : index
    %get3A_865 = vector.load %arg2[%get3A_861, %get3A_862, %get3A_863, %get3A_864] : memref<2x8x512x256xf32, #tpu.memory_space<vmem>>, vector<1x1x512x256xf32>
    %get3A_866 = vector.shape_cast %get3A_865 : vector<1x1x512x256xf32> to vector<512x256xf32>
    %slice3A_867 = vector.extract_strided_slice %get3A_866 {offsets = [0, 0], sizes = [512, 128], strides = [1, 1]} : vector<512x256xf32> to vector<512x128xf32>
    %slice3A_868 = vector.extract_strided_slice %get3A_866 {offsets = [0, 128], sizes = [512, 128], strides = [1, 1]} : vector<512x256xf32> to vector<512x128xf32>
    %add3A_869 = arith.addf %slice3A_867, %slice3A_868 : vector<512x128xf32>
    %transpose3A_870 = tpu.transpose %add3A_869, [1, 0] : vector<512x128xf32> -> vector<128x512xf32>
    %slice3A_871 = vector.extract_strided_slice %transpose3A_870 {offsets = [0, 0], sizes = [8, 512], strides = [1, 1]} : vector<128x512xf32> to vector<8x512xf32>
    %slice3A_872 = vector.extract_strided_slice %transpose3A_870 {offsets = [8, 0], sizes = [8, 512], strides = [1, 1]} : vector<128x512xf32> to vector<8x512xf32>
    %add3A_873 = arith.addf %slice3A_871, %slice3A_872 : vector<8x512xf32>
    %slice3A_874 = vector.extract_strided_slice %transpose3A_870 {offsets = [16, 0], sizes = [8, 512], strides = [1, 1]} : vector<128x512xf32> to vector<8x512xf32>
    %add3A_875 = arith.addf %add3A_873, %slice3A_874 : vector<8x512xf32>
    %slice3A_876 = vector.extract_strided_slice %transpose3A_870 {offsets = [24, 0], sizes = [8, 512], strides = [1, 1]} : vector<128x512xf32> to vector<8x512xf32>
    %add3A_877 = arith.addf %add3A_875, %slice3A_876 : vector<8x512xf32>
    %slice3A_878 = vector.extract_strided_slice %transpose3A_870 {offsets = [32, 0], sizes = [8, 512], strides = [1, 1]} : vector<128x512xf32> to vector<8x512xf32>
    %add3A_879 = arith.addf %add3A_877, %slice3A_878 : vector<8x512xf32>
    %slice3A_880 = vector.extract_strided_slice %transpose3A_870 {offsets = [40, 0], sizes = [8, 512], strides = [1, 1]} : vector<128x512xf32> to vector<8x512xf32>
    %add3A_881 = arith.addf %add3A_879, %slice3A_880 : vector<8x512xf32>
    %slice3A_882 = vector.extract_strided_slice %transpose3A_870 {offsets = [48, 0], sizes = [8, 512], strides = [1, 1]} : vector<128x512xf32> to vector<8x512xf32>
    %add3A_883 = arith.addf %add3A_881, %slice3A_882 : vector<8x512xf32>
    %slice3A_884 = vector.extract_strided_slice %transpose3A_870 {offsets = [56, 0], sizes = [8, 512], strides = [1, 1]} : vector<128x512xf32> to vector<8x512xf32>
    %add3A_885 = arith.addf %add3A_883, %slice3A_884 : vector<8x512xf32>
    %slice3A_886 = vector.extract_strided_slice %transpose3A_870 {offsets = [64, 0], sizes = [8, 512], strides = [1, 1]} : vector<128x512xf32> to vector<8x512xf32>
    %add3A_887 = arith.addf %add3A_885, %slice3A_886 : vector<8x512xf32>
    %slice3A_888 = vector.extract_strided_slice %transpose3A_870 {offsets = [72, 0], sizes = [8, 512], strides = [1, 1]} : vector<128x512xf32> to vector<8x512xf32>
    %add3A_889 = arith.addf %add3A_887, %slice3A_888 : vector<8x512xf32>
    %slice3A_890 = vector.extract_strided_slice %transpose3A_870 {offsets = [80, 0], sizes = [8, 512], strides = [1, 1]} : vector<128x512xf32> to vector<8x512xf32>
    %add3A_891 = arith.addf %add3A_889, %slice3A_890 : vector<8x512xf32>
    %slice3A_892 = vector.extract_strided_slice %transpose3A_870 {offsets = [88, 0], sizes = [8, 512], strides = [1, 1]} : vector<128x512xf32> to vector<8x512xf32>
    %add3A_893 = arith.addf %add3A_891, %slice3A_892 : vector<8x512xf32>
    %slice3A_894 = vector.extract_strided_slice %transpose3A_870 {offsets = [96, 0], sizes = [8, 512], strides = [1, 1]} : vector<128x512xf32> to vector<8x512xf32>
    %add3A_895 = arith.addf %add3A_893, %slice3A_894 : vector<8x512xf32>
    %slice3A_896 = vector.extract_strided_slice %transpose3A_870 {offsets = [104, 0], sizes = [8, 512], strides = [1, 1]} : vector<128x512xf32> to vector<8x512xf32>
    %add3A_897 = arith.addf %add3A_895, %slice3A_896 : vector<8x512xf32>
    %slice3A_898 = vector.extract_strided_slice %transpose3A_870 {offsets = [112, 0], sizes = [8, 512], strides = [1, 1]} : vector<128x512xf32> to vector<8x512xf32>
    %add3A_899 = arith.addf %add3A_897, %slice3A_898 : vector<8x512xf32>
    %slice3A_900 = vector.extract_strided_slice %transpose3A_870 {offsets = [120, 0], sizes = [8, 512], strides = [1, 1]} : vector<128x512xf32> to vector<8x512xf32>
    %add3A_901 = arith.addf %add3A_899, %slice3A_900 : vector<8x512xf32>
    %slice3A_902 = vector.extract_strided_slice %add3A_901 {offsets = [0, 0], sizes = [4, 512], strides = [1, 1]} : vector<8x512xf32> to vector<4x512xf32>
    %slice3A_903 = vector.extract_strided_slice %add3A_901 {offsets = [4, 0], sizes = [4, 512], strides = [1, 1]} : vector<8x512xf32> to vector<4x512xf32>
    %add3A_904 = arith.addf %slice3A_902, %slice3A_903 : vector<4x512xf32>
    %slice3A_905 = vector.extract_strided_slice %add3A_904 {offsets = [0, 0], sizes = [2, 512], strides = [1, 1]} : vector<4x512xf32> to vector<2x512xf32>
    %slice3A_906 = vector.extract_strided_slice %add3A_904 {offsets = [2, 0], sizes = [2, 512], strides = [1, 1]} : vector<4x512xf32> to vector<2x512xf32>
    %add3A_907 = arith.addf %slice3A_905, %slice3A_906 : vector<2x512xf32>
    %slice3A_908 = vector.extract_strided_slice %add3A_907 {offsets = [0, 0], sizes = [1, 512], strides = [1, 1]} : vector<2x512xf32> to vector<1x512xf32>
    %slice3A_909 = vector.extract_strided_slice %add3A_907 {offsets = [1, 0], sizes = [1, 512], strides = [1, 1]} : vector<2x512xf32> to vector<1x512xf32>
    %add3A_910 = arith.addf %slice3A_908, %slice3A_909 : vector<1x512xf32>
    %jit3A_911 = arith.constant -1.000000e+00 : f32
    %broadcast_in_dim3A_912 = vector.broadcast %jit3A_911 : f32 to vector<1x512xf32>
    %select_n3A_913 = arith.select %eq3A_154, %broadcast_in_dim3A_912, %add3A_910 : vector<1x512xi1>, vector<1x512xf32>
    %jit3A_914 = arith.constant 0.000000e+00 : f32
    %broadcast_in_dim3A_915 = vector.shape_cast %select_n3A_913 : vector<1x512xf32> to vector<1x512xf32>
    %broadcast_in_dim3A_916 = vector.broadcast %broadcast_in_dim3A_915 : vector<1x512xf32> to vector<512x512xf32>
    %broadcast_in_dim3A_917 = vector.broadcast %jit3A_914 : f32 to vector<512x512xf32>
    %select_n3A_918 = arith.select %eq3A, %broadcast_in_dim3A_916, %broadcast_in_dim3A_917 : vector<512x512xi1>, vector<512x512xf32>
    %reduce_sum3A_919 = arith.constant dense<0.000000e+00> : vector<512xf32>
    %reduce_sum3A_920 = vector.multi_reduction <add>, %select_n3A_918, %reduce_sum3A_919 [1] : vector<512x512xf32> to vector<512xf32>
    %broadcast_in_dim3A_921 = vector.shape_cast %reduce_sum3A_920 : vector<512xf32> to vector<512x1xf32>
    %gt3A_922 = vector.broadcast %broadcast_in_dim3A_921 : vector<512x1xf32> to vector<512x512xf32>
    %gt3A_923 = vector.broadcast %select_n3A_913 : vector<1x512xf32> to vector<512x512xf32>
    %gt3A_924 = arith.cmpf ogt, %gt3A_922, %gt3A_923 : vector<512x512xf32>
    %ge3A_925 = vector.broadcast %broadcast_in_dim3A_921 : vector<512x1xf32> to vector<512x512xf32>
    %ge3A_926 = vector.broadcast %select_n3A_913 : vector<1x512xf32> to vector<512x512xf32>
    %ge3A_927 = arith.cmpf oge, %ge3A_925, %ge3A_926 : vector<512x512xf32>
    %and3A_928 = arith.andi %lt3A, %ge3A_927 : vector<512x512xi1>
    %or3A_929 = arith.ori %gt3A_924, %and3A_928 : vector<512x512xi1>
    %convert_element_type3A_930 = arith.extui %or3A_929 : vector<512x512xi1> to vector<512x512xi32>
    %reduce_sum3A_931 = arith.constant dense<0> : vector<512xi32>
    %reduce_sum3A_932 = vector.multi_reduction <add>, %convert_element_type3A_930, %reduce_sum3A_931 [0] : vector<512x512xi32> to vector<512xi32>
    %broadcast_in_dim3A_933 = vector.shape_cast %reduce_sum3A_932 : vector<512xi32> to vector<1x512xi32>
    %swap3A_934 = arith.constant 0 : index
    %swap3A_935 = arith.constant 7 : index
    %swap3A_936 = arith.constant 0 : index
    %swap3A_937 = arith.constant 0 : index
    %swap3A_938 = vector.load %arg6[%swap3A_934, %swap3A_935, %swap3A_936, %swap3A_937] : memref<2x8x1x512xf32, #tpu.memory_space<vmem>>, vector<1x1x1x512xf32>
    %swap3A_939 = vector.shape_cast %swap3A_938 : vector<1x1x1x512xf32> to vector<1x512xf32>
    %swap3A_940 = vector.shape_cast %select_n3A_913 : vector<1x512xf32> to vector<1x1x1x512xf32>
    tpu.vector_store %arg6[%swap3A_934, %swap3A_935, %swap3A_936, %swap3A_937], %swap3A_940 {strides = array<i32>} : memref<2x8x1x512xf32, #tpu.memory_space<vmem>>, vector<1x1x1x512xf32>,
    %swap3A_941 = arith.constant 0 : index
    %swap3A_942 = arith.constant 7 : index
    %swap3A_943 = arith.constant 0 : index
    %swap3A_944 = arith.constant 0 : index
    %swap3A_945 = vector.load %arg7[%swap3A_941, %swap3A_942, %swap3A_943, %swap3A_944] : memref<2x8x1x512xi32, #tpu.memory_space<vmem>>, vector<1x1x1x512xi32>
    %swap3A_946 = vector.shape_cast %swap3A_945 : vector<1x1x1x512xi32> to vector<1x512xi32>
    %swap3A_947 = vector.shape_cast %broadcast_in_dim3A_933 : vector<1x512xi32> to vector<1x1x1x512xi32>
    tpu.vector_store %arg7[%swap3A_941, %swap3A_942, %swap3A_943, %swap3A_944], %swap3A_947 {strides = array<i32>} : memref<2x8x1x512xi32, #tpu.memory_space<vmem>>, vector<1x1x1x512xi32>,
    %gt3A_948 = arith.constant 7 : i32
    %gt3A_949 = arith.cmpi sgt, %get3A_172, %gt3A_948 : i32
    %jit3A_950 = arith.constant 0 : i32
    %select_n3A_951 = arith.select %gt3A_949, %reduce_sum3A_166, %jit3A_950 : i32
    %broadcast_in_dim3A_952 = vector.broadcast %select_n3A_951 : i32 to vector<1x1xi32>
    %swap3A_953 = arith.constant 0 : index
    %swap3A_954 = arith.constant 7 : index
    %swap3A_955 = arith.constant 0 : index
    %swap3A_956 = arith.constant 0 : index
    %swap3A_957 = vector.load %arg9[%swap3A_953, %swap3A_954, %swap3A_955, %swap3A_956] : memref<2x8x1x1xi32, #tpu.memory_space<vmem>>, vector<1x1x1x1xi32>
    %swap3A_958 = vector.shape_cast %swap3A_957 : vector<1x1x1x1xi32> to vector<1x1xi32>
    %swap3A_959 = vector.shape_cast %broadcast_in_dim3A_952 : vector<1x1xi32> to vector<1x1x1x1xi32>
    tpu.vector_store %arg9[%swap3A_953, %swap3A_954, %swap3A_955, %swap3A_956], %swap3A_959 {strides = array<i32>} : memref<2x8x1x1xi32, #tpu.memory_space<vmem>>, vector<1x1x1x1xi32>,
    %get3A_960 = arith.constant 1 : index
    %get3A_961 = arith.constant 0 : index
    %get3A_962 = arith.constant 0 : index
    %get3A_963 = vector.load %arg3[%get3A_960, %get3A_961, %get3A_962] : memref<2x512x16xi32, #tpu.memory_space<vmem>>, vector<1x512x16xi32>
    %get3A_964 = vector.shape_cast %get3A_963 : vector<1x512x16xi32> to vector<512x16xi32>
    %get3A_965 = arith.constant 1 : index
    %get3A_966 = arith.constant 0 : index
    %get3A_967 = arith.constant 0 : index
    %get3A_968 = vector.load %arg4[%get3A_965, %get3A_966, %get3A_967] : memref<2x16x512xi32, #tpu.memory_space<vmem>>, vector<1x16x512xi32>
    %get3A_969 = vector.shape_cast %get3A_968 : vector<1x16x512xi32> to vector<16x512xi32>
    %slice3A_970 = vector.extract_strided_slice %get3A_964 {offsets = [0, 0], sizes = [512, 1], strides = [1, 1]} : vector<512x16xi32> to vector<512x1xi32>
    %mul3A_971 = arith.constant 32768 : i32
    %mul3A_972 = vector.broadcast %mul3A_971 : i32 to vector<512x1xi32>
    %mul3A_973 = arith.muli %slice3A_970, %mul3A_972 : vector<512x1xi32>
    %slice3A_974 = vector.extract_strided_slice %get3A_964 {offsets = [0, 1], sizes = [512, 1], strides = [1, 1]} : vector<512x16xi32> to vector<512x1xi32>
    %add3A_975 = arith.addi %mul3A_973, %slice3A_974 : vector<512x1xi32>
    %slice3A_976 = vector.extract_strided_slice %get3A_969 {offsets = [0, 0], sizes = [1, 512], strides = [1, 1]} : vector<16x512xi32> to vector<1x512xi32>
    %mul3A_977 = arith.constant 32768 : i32
    %mul3A_978 = vector.broadcast %mul3A_977 : i32 to vector<1x512xi32>
    %mul3A_979 = arith.muli %slice3A_976, %mul3A_978 : vector<1x512xi32>
    %slice3A_980 = vector.extract_strided_slice %get3A_969 {offsets = [1, 0], sizes = [1, 512], strides = [1, 1]} : vector<16x512xi32> to vector<1x512xi32>
    %add3A_981 = arith.addi %mul3A_979, %slice3A_980 : vector<1x512xi32>
    %eq3A_982 = vector.broadcast %add3A_975 : vector<512x1xi32> to vector<512x512xi32>
    %eq3A_983 = vector.broadcast %add3A_981 : vector<1x512xi32> to vector<512x512xi32>
    %eq3A_984 = arith.cmpi eq, %eq3A_982, %eq3A_983 : vector<512x512xi32>
    %slice3A_985 = vector.extract_strided_slice %get3A_964 {offsets = [0, 2], sizes = [512, 1], strides = [1, 1]} : vector<512x16xi32> to vector<512x1xi32>
    %mul3A_986 = arith.constant 32768 : i32
    %mul3A_987 = vector.broadcast %mul3A_986 : i32 to vector<512x1xi32>
    %mul3A_988 = arith.muli %slice3A_985, %mul3A_987 : vector<512x1xi32>
    %slice3A_989 = vector.extract_strided_slice %get3A_964 {offsets = [0, 3], sizes = [512, 1], strides = [1, 1]} : vector<512x16xi32> to vector<512x1xi32>
    %add3A_990 = arith.addi %mul3A_988, %slice3A_989 : vector<512x1xi32>
    %slice3A_991 = vector.extract_strided_slice %get3A_969 {offsets = [2, 0], sizes = [1, 512], strides = [1, 1]} : vector<16x512xi32> to vector<1x512xi32>
    %mul3A_992 = arith.constant 32768 : i32
    %mul3A_993 = vector.broadcast %mul3A_992 : i32 to vector<1x512xi32>
    %mul3A_994 = arith.muli %slice3A_991, %mul3A_993 : vector<1x512xi32>
    %slice3A_995 = vector.extract_strided_slice %get3A_969 {offsets = [3, 0], sizes = [1, 512], strides = [1, 1]} : vector<16x512xi32> to vector<1x512xi32>
    %add3A_996 = arith.addi %mul3A_994, %slice3A_995 : vector<1x512xi32>
    %eq3A_997 = vector.broadcast %add3A_990 : vector<512x1xi32> to vector<512x512xi32>
    %eq3A_998 = vector.broadcast %add3A_996 : vector<1x512xi32> to vector<512x512xi32>
    %eq3A_999 = arith.cmpi eq, %eq3A_997, %eq3A_998 : vector<512x512xi32>
    %and3A_1000 = arith.andi %eq3A_984, %eq3A_999 : vector<512x512xi1>
    %slice3A_1001 = vector.extract_strided_slice %get3A_964 {offsets = [0, 4], sizes = [512, 1], strides = [1, 1]} : vector<512x16xi32> to vector<512x1xi32>
    %mul3A_1002 = arith.constant 32768 : i32
    %mul3A_1003 = vector.broadcast %mul3A_1002 : i32 to vector<512x1xi32>
    %mul3A_1004 = arith.muli %slice3A_1001, %mul3A_1003 : vector<512x1xi32>
    %slice3A_1005 = vector.extract_strided_slice %get3A_964 {offsets = [0, 5], sizes = [512, 1], strides = [1, 1]} : vector<512x16xi32> to vector<512x1xi32>
    %add3A_1006 = arith.addi %mul3A_1004, %slice3A_1005 : vector<512x1xi32>
    %slice3A_1007 = vector.extract_strided_slice %get3A_969 {offsets = [4, 0], sizes = [1, 512], strides = [1, 1]} : vector<16x512xi32> to vector<1x512xi32>
    %mul3A_1008 = arith.constant 32768 : i32
    %mul3A_1009 = vector.broadcast %mul3A_1008 : i32 to vector<1x512xi32>
    %mul3A_1010 = arith.muli %slice3A_1007, %mul3A_1009 : vector<1x512xi32>
    %slice3A_1011 = vector.extract_strided_slice %get3A_969 {offsets = [5, 0], sizes = [1, 512], strides = [1, 1]} : vector<16x512xi32> to vector<1x512xi32>
    %add3A_1012 = arith.addi %mul3A_1010, %slice3A_1011 : vector<1x512xi32>
    %eq3A_1013 = vector.broadcast %add3A_1006 : vector<512x1xi32> to vector<512x512xi32>
    %eq3A_1014 = vector.broadcast %add3A_1012 : vector<1x512xi32> to vector<512x512xi32>
    %eq3A_1015 = arith.cmpi eq, %eq3A_1013, %eq3A_1014 : vector<512x512xi32>
    %and3A_1016 = arith.andi %and3A_1000, %eq3A_1015 : vector<512x512xi1>
    %slice3A_1017 = vector.extract_strided_slice %get3A_964 {offsets = [0, 6], sizes = [512, 1], strides = [1, 1]} : vector<512x16xi32> to vector<512x1xi32>
    %mul3A_1018 = arith.constant 32768 : i32
    %mul3A_1019 = vector.broadcast %mul3A_1018 : i32 to vector<512x1xi32>
    %mul3A_1020 = arith.muli %slice3A_1017, %mul3A_1019 : vector<512x1xi32>
    %slice3A_1021 = vector.extract_strided_slice %get3A_964 {offsets = [0, 7], sizes = [512, 1], strides = [1, 1]} : vector<512x16xi32> to vector<512x1xi32>
    %add3A_1022 = arith.addi %mul3A_1020, %slice3A_1021 : vector<512x1xi32>
    %slice3A_1023 = vector.extract_strided_slice %get3A_969 {offsets = [6, 0], sizes = [1, 512], strides = [1, 1]} : vector<16x512xi32> to vector<1x512xi32>
    %mul3A_1024 = arith.constant 32768 : i32
    %mul3A_1025 = vector.broadcast %mul3A_1024 : i32 to vector<1x512xi32>
    %mul3A_1026 = arith.muli %slice3A_1023, %mul3A_1025 : vector<1x512xi32>
    %slice3A_1027 = vector.extract_strided_slice %get3A_969 {offsets = [7, 0], sizes = [1, 512], strides = [1, 1]} : vector<16x512xi32> to vector<1x512xi32>
    %add3A_1028 = arith.addi %mul3A_1026, %slice3A_1027 : vector<1x512xi32>
    %eq3A_1029 = vector.broadcast %add3A_1022 : vector<512x1xi32> to vector<512x512xi32>
    %eq3A_1030 = vector.broadcast %add3A_1028 : vector<1x512xi32> to vector<512x512xi32>
    %eq3A_1031 = arith.cmpi eq, %eq3A_1029, %eq3A_1030 : vector<512x512xi32>
    %and3A_1032 = arith.andi %and3A_1016, %eq3A_1031 : vector<512x512xi1>
    %slice3A_1033 = vector.extract_strided_slice %get3A_964 {offsets = [0, 8], sizes = [512, 1], strides = [1, 1]} : vector<512x16xi32> to vector<512x1xi32>
    %mul3A_1034 = arith.constant 32768 : i32
    %mul3A_1035 = vector.broadcast %mul3A_1034 : i32 to vector<512x1xi32>
    %mul3A_1036 = arith.muli %slice3A_1033, %mul3A_1035 : vector<512x1xi32>
    %slice3A_1037 = vector.extract_strided_slice %get3A_964 {offsets = [0, 9], sizes = [512, 1], strides = [1, 1]} : vector<512x16xi32> to vector<512x1xi32>
    %add3A_1038 = arith.addi %mul3A_1036, %slice3A_1037 : vector<512x1xi32>
    %slice3A_1039 = vector.extract_strided_slice %get3A_969 {offsets = [8, 0], sizes = [1, 512], strides = [1, 1]} : vector<16x512xi32> to vector<1x512xi32>
    %mul3A_1040 = arith.constant 32768 : i32
    %mul3A_1041 = vector.broadcast %mul3A_1040 : i32 to vector<1x512xi32>
    %mul3A_1042 = arith.muli %slice3A_1039, %mul3A_1041 : vector<1x512xi32>
    %slice3A_1043 = vector.extract_strided_slice %get3A_969 {offsets = [9, 0], sizes = [1, 512], strides = [1, 1]} : vector<16x512xi32> to vector<1x512xi32>
    %add3A_1044 = arith.addi %mul3A_1042, %slice3A_1043 : vector<1x512xi32>
    %eq3A_1045 = vector.broadcast %add3A_1038 : vector<512x1xi32> to vector<512x512xi32>
    %eq3A_1046 = vector.broadcast %add3A_1044 : vector<1x512xi32> to vector<512x512xi32>
    %eq3A_1047 = arith.cmpi eq, %eq3A_1045, %eq3A_1046 : vector<512x512xi32>
    %and3A_1048 = arith.andi %and3A_1032, %eq3A_1047 : vector<512x512xi1>
    %slice3A_1049 = vector.extract_strided_slice %get3A_964 {offsets = [0, 10], sizes = [512, 1], strides = [1, 1]} : vector<512x16xi32> to vector<512x1xi32>
    %mul3A_1050 = arith.constant 32768 : i32
    %mul3A_1051 = vector.broadcast %mul3A_1050 : i32 to vector<512x1xi32>
    %mul3A_1052 = arith.muli %slice3A_1049, %mul3A_1051 : vector<512x1xi32>
    %slice3A_1053 = vector.extract_strided_slice %get3A_964 {offsets = [0, 11], sizes = [512, 1], strides = [1, 1]} : vector<512x16xi32> to vector<512x1xi32>
    %add3A_1054 = arith.addi %mul3A_1052, %slice3A_1053 : vector<512x1xi32>
    %slice3A_1055 = vector.extract_strided_slice %get3A_969 {offsets = [10, 0], sizes = [1, 512], strides = [1, 1]} : vector<16x512xi32> to vector<1x512xi32>
    %mul3A_1056 = arith.constant 32768 : i32
    %mul3A_1057 = vector.broadcast %mul3A_1056 : i32 to vector<1x512xi32>
    %mul3A_1058 = arith.muli %slice3A_1055, %mul3A_1057 : vector<1x512xi32>
    %slice3A_1059 = vector.extract_strided_slice %get3A_969 {offsets = [11, 0], sizes = [1, 512], strides = [1, 1]} : vector<16x512xi32> to vector<1x512xi32>
    %add3A_1060 = arith.addi %mul3A_1058, %slice3A_1059 : vector<1x512xi32>
    %eq3A_1061 = vector.broadcast %add3A_1054 : vector<512x1xi32> to vector<512x512xi32>
    %eq3A_1062 = vector.broadcast %add3A_1060 : vector<1x512xi32> to vector<512x512xi32>
    %eq3A_1063 = arith.cmpi eq, %eq3A_1061, %eq3A_1062 : vector<512x512xi32>
    %and3A_1064 = arith.andi %and3A_1048, %eq3A_1063 : vector<512x512xi1>
    %slice3A_1065 = vector.extract_strided_slice %get3A_964 {offsets = [0, 12], sizes = [512, 1], strides = [1, 1]} : vector<512x16xi32> to vector<512x1xi32>
    %mul3A_1066 = arith.constant 32768 : i32
    %mul3A_1067 = vector.broadcast %mul3A_1066 : i32 to vector<512x1xi32>
    %mul3A_1068 = arith.muli %slice3A_1065, %mul3A_1067 : vector<512x1xi32>
    %slice3A_1069 = vector.extract_strided_slice %get3A_964 {offsets = [0, 13], sizes = [512, 1], strides = [1, 1]} : vector<512x16xi32> to vector<512x1xi32>
    %add3A_1070 = arith.addi %mul3A_1068, %slice3A_1069 : vector<512x1xi32>
    %slice3A_1071 = vector.extract_strided_slice %get3A_969 {offsets = [12, 0], sizes = [1, 512], strides = [1, 1]} : vector<16x512xi32> to vector<1x512xi32>
    %mul3A_1072 = arith.constant 32768 : i32
    %mul3A_1073 = vector.broadcast %mul3A_1072 : i32 to vector<1x512xi32>
    %mul3A_1074 = arith.muli %slice3A_1071, %mul3A_1073 : vector<1x512xi32>
    %slice3A_1075 = vector.extract_strided_slice %get3A_969 {offsets = [13, 0], sizes = [1, 512], strides = [1, 1]} : vector<16x512xi32> to vector<1x512xi32>
    %add3A_1076 = arith.addi %mul3A_1074, %slice3A_1075 : vector<1x512xi32>
    %eq3A_1077 = vector.broadcast %add3A_1070 : vector<512x1xi32> to vector<512x512xi32>
    %eq3A_1078 = vector.broadcast %add3A_1076 : vector<1x512xi32> to vector<512x512xi32>
    %eq3A_1079 = arith.cmpi eq, %eq3A_1077, %eq3A_1078 : vector<512x512xi32>
    %and3A_1080 = arith.andi %and3A_1064, %eq3A_1079 : vector<512x512xi1>
    %slice3A_1081 = vector.extract_strided_slice %get3A_964 {offsets = [0, 14], sizes = [512, 1], strides = [1, 1]} : vector<512x16xi32> to vector<512x1xi32>
    %mul3A_1082 = arith.constant 32768 : i32
    %mul3A_1083 = vector.broadcast %mul3A_1082 : i32 to vector<512x1xi32>
    %mul3A_1084 = arith.muli %slice3A_1081, %mul3A_1083 : vector<512x1xi32>
    %slice3A_1085 = vector.extract_strided_slice %get3A_964 {offsets = [0, 15], sizes = [512, 1], strides = [1, 1]} : vector<512x16xi32> to vector<512x1xi32>
    %add3A_1086 = arith.addi %mul3A_1084, %slice3A_1085 : vector<512x1xi32>
    %slice3A_1087 = vector.extract_strided_slice %get3A_969 {offsets = [14, 0], sizes = [1, 512], strides = [1, 1]} : vector<16x512xi32> to vector<1x512xi32>
    %mul3A_1088 = arith.constant 32768 : i32
    %mul3A_1089 = vector.broadcast %mul3A_1088 : i32 to vector<1x512xi32>
    %mul3A_1090 = arith.muli %slice3A_1087, %mul3A_1089 : vector<1x512xi32>
    %slice3A_1091 = vector.extract_strided_slice %get3A_969 {offsets = [15, 0], sizes = [1, 512], strides = [1, 1]} : vector<16x512xi32> to vector<1x512xi32>
    %add3A_1092 = arith.addi %mul3A_1090, %slice3A_1091 : vector<1x512xi32>
    %eq3A_1093 = vector.broadcast %add3A_1086 : vector<512x1xi32> to vector<512x512xi32>
    %eq3A_1094 = vector.broadcast %add3A_1092 : vector<1x512xi32> to vector<512x512xi32>
    %eq3A_1095 = arith.cmpi eq, %eq3A_1093, %eq3A_1094 : vector<512x512xi32>
    %and3A_1096 = arith.andi %and3A_1080, %eq3A_1095 : vector<512x512xi1>
    %jit3A_1097 = arith.constant 512 : i32
    %broadcast_in_dim3A_1098 = vector.broadcast %jit3A_1097 : i32 to vector<512x512xi32>
    %select_n3A_1099 = arith.select %and3A_1096, %iota3A, %broadcast_in_dim3A_1098 : vector<512x512xi1>, vector<512x512xi32>
    %reduce_min3A_1100 = arith.constant dense<2147483647> : vector<512xi32>
    %reduce_min3A_1101 = vector.multi_reduction <minsi>, %select_n3A_1099, %reduce_min3A_1100 [0] : vector<512x512xi32> to vector<512xi32>
    %broadcast_in_dim3A_1102 = vector.shape_cast %reduce_min3A_1101 : vector<512xi32> to vector<1x512xi32>
    %swap3A_1103 = arith.constant 1 : index
    %swap3A_1104 = arith.constant 0 : index
    %swap3A_1105 = arith.constant 0 : index
    %swap3A_1106 = vector.load %arg8[%swap3A_1103, %swap3A_1104, %swap3A_1105] : memref<2x1x512xi32, #tpu.memory_space<vmem>>, vector<1x1x512xi32>
    %swap3A_1107 = vector.shape_cast %swap3A_1106 : vector<1x1x512xi32> to vector<1x512xi32>
    %swap3A_1108 = vector.shape_cast %broadcast_in_dim3A_1102 : vector<1x512xi32> to vector<1x1x512xi32>
    tpu.vector_store %arg8[%swap3A_1103, %swap3A_1104, %swap3A_1105], %swap3A_1108 {strides = array<i32>} : memref<2x1x512xi32, #tpu.memory_space<vmem>>, vector<1x1x512xi32>,
    %get3A_1109 = arith.constant 1 : index
    %get3A_1110 = arith.constant 0 : index
    %get3A_1111 = arith.constant 0 : index
    %get3A_1112 = vector.load %arg5[%get3A_1109, %get3A_1110, %get3A_1111] : memref<2x512x1xi32, #tpu.memory_space<vmem>>, vector<1x512x1xi32>
    %get3A_1113 = vector.shape_cast %get3A_1112 : vector<1x512x1xi32> to vector<512x1xi32>
    %jit3A_1114 = arith.constant 0 : i32
    %broadcast_in_dim3A_1115 = vector.shape_cast %get3A_1113 : vector<512x1xi32> to vector<512x1xi32>
    %broadcast_in_dim3A_1116 = vector.broadcast %broadcast_in_dim3A_1115 : vector<512x1xi32> to vector<512x512xi32>
    %broadcast_in_dim3A_1117 = vector.broadcast %jit3A_1114 : i32 to vector<512x512xi32>
    %select_n3A_1118 = arith.select %eq3A, %broadcast_in_dim3A_1116, %broadcast_in_dim3A_1117 : vector<512x512xi1>, vector<512x512xi32>
    %reduce_sum3A_1119 = arith.constant dense<0> : vector<512xi32>
    %reduce_sum3A_1120 = vector.multi_reduction <add>, %select_n3A_1118, %reduce_sum3A_1119 [0] : vector<512x512xi32> to vector<512xi32>
    %broadcast_in_dim3A_1121 = vector.shape_cast %reduce_sum3A_1120 : vector<512xi32> to vector<1x512xi32>
    %eq3A_1122 = arith.constant 0 : i32
    %eq3A_1123 = vector.broadcast %eq3A_1122 : i32 to vector<1x512xi32>
    %eq3A_1124 = arith.cmpi eq, %broadcast_in_dim3A_1121, %eq3A_1123 : vector<1x512xi32>
    %ne3A_1125 = arith.constant 0 : i32
    %ne3A_1126 = vector.broadcast %ne3A_1125 : i32 to vector<512x1xi32>
    %ne3A_1127 = arith.cmpi ne, %get3A_1113, %ne3A_1126 : vector<512x1xi32>
    %jit3A_1128 = arith.constant 1 : i32
    %jit3A_1129 = arith.constant 0 : i32
    %broadcast_in_dim3A_1130 = vector.broadcast %jit3A_1128 : i32 to vector<512x1xi32>
    %broadcast_in_dim3A_1131 = vector.broadcast %jit3A_1129 : i32 to vector<512x1xi32>
    %select_n3A_1132 = arith.select %ne3A_1127, %broadcast_in_dim3A_1130, %broadcast_in_dim3A_1131 : vector<512x1xi1>, vector<512x1xi32>
    %reduce_sum3A_1133 = vector.shape_cast %select_n3A_1132 : vector<512x1xi32> to vector<1x512x1xi32>
    %reduce_sum3A_1134 = arith.constant dense<0> : vector<1xi32>
    %reduce_sum3A_1135 = vector.multi_reduction <add>, %reduce_sum3A_1133, %reduce_sum3A_1134 [1, 2] : vector<1x512x1xi32> to vector<1xi32>
    %reduce_sum3A_1136 = vector.shape_cast %reduce_sum3A_1135 : vector<1xi32> to vector<1x1x1xi32>
    %reduce_sum3A_1137 = vector.extract %reduce_sum3A_1136[0, 0, 0] : i32 from vector<1x1x1xi32>
    %mul3A_1138 = arith.constant 2 : i32
    %mul3A_1139 = arith.muli %arg0, %mul3A_1138 : i32
    %add3A_1140 = arith.constant 1 : i32
    %add3A_1141 = arith.addi %mul3A_1139, %add3A_1140 : i32
    %get3A_1142 = arith.index_cast %add3A_1141 : i32 to index
    %get3A_1143 = memref.load %arg1[%get3A_1142] : memref<8xi32, #tpu.memory_space<smem>>
    %get3A_1144 = arith.constant 1 : index
    %get3A_1145 = arith.constant 0 : index
    %get3A_1146 = arith.constant 0 : index
    %get3A_1147 = arith.constant 0 : index
    %get3A_1148 = vector.load %arg2[%get3A_1144, %get3A_1145, %get3A_1146, %get3A_1147] : memref<2x8x512x256xf32, #tpu.memory_space<vmem>>, vector<1x1x512x256xf32>
    %get3A_1149 = vector.shape_cast %get3A_1148 : vector<1x1x512x256xf32> to vector<512x256xf32>
    %slice3A_1150 = vector.extract_strided_slice %get3A_1149 {offsets = [0, 0], sizes = [512, 128], strides = [1, 1]} : vector<512x256xf32> to vector<512x128xf32>
    %slice3A_1151 = vector.extract_strided_slice %get3A_1149 {offsets = [0, 128], sizes = [512, 128], strides = [1, 1]} : vector<512x256xf32> to vector<512x128xf32>
    %add3A_1152 = arith.addf %slice3A_1150, %slice3A_1151 : vector<512x128xf32>
    %transpose3A_1153 = tpu.transpose %add3A_1152, [1, 0] : vector<512x128xf32> -> vector<128x512xf32>
    %slice3A_1154 = vector.extract_strided_slice %transpose3A_1153 {offsets = [0, 0], sizes = [8, 512], strides = [1, 1]} : vector<128x512xf32> to vector<8x512xf32>
    %slice3A_1155 = vector.extract_strided_slice %transpose3A_1153 {offsets = [8, 0], sizes = [8, 512], strides = [1, 1]} : vector<128x512xf32> to vector<8x512xf32>
    %add3A_1156 = arith.addf %slice3A_1154, %slice3A_1155 : vector<8x512xf32>
    %slice3A_1157 = vector.extract_strided_slice %transpose3A_1153 {offsets = [16, 0], sizes = [8, 512], strides = [1, 1]} : vector<128x512xf32> to vector<8x512xf32>
    %add3A_1158 = arith.addf %add3A_1156, %slice3A_1157 : vector<8x512xf32>
    %slice3A_1159 = vector.extract_strided_slice %transpose3A_1153 {offsets = [24, 0], sizes = [8, 512], strides = [1, 1]} : vector<128x512xf32> to vector<8x512xf32>
    %add3A_1160 = arith.addf %add3A_1158, %slice3A_1159 : vector<8x512xf32>
    %slice3A_1161 = vector.extract_strided_slice %transpose3A_1153 {offsets = [32, 0], sizes = [8, 512], strides = [1, 1]} : vector<128x512xf32> to vector<8x512xf32>
    %add3A_1162 = arith.addf %add3A_1160, %slice3A_1161 : vector<8x512xf32>
    %slice3A_1163 = vector.extract_strided_slice %transpose3A_1153 {offsets = [40, 0], sizes = [8, 512], strides = [1, 1]} : vector<128x512xf32> to vector<8x512xf32>
    %add3A_1164 = arith.addf %add3A_1162, %slice3A_1163 : vector<8x512xf32>
    %slice3A_1165 = vector.extract_strided_slice %transpose3A_1153 {offsets = [48, 0], sizes = [8, 512], strides = [1, 1]} : vector<128x512xf32> to vector<8x512xf32>
    %add3A_1166 = arith.addf %add3A_1164, %slice3A_1165 : vector<8x512xf32>
    %slice3A_1167 = vector.extract_strided_slice %transpose3A_1153 {offsets = [56, 0], sizes = [8, 512], strides = [1, 1]} : vector<128x512xf32> to vector<8x512xf32>
    %add3A_1168 = arith.addf %add3A_1166, %slice3A_1167 : vector<8x512xf32>
    %slice3A_1169 = vector.extract_strided_slice %transpose3A_1153 {offsets = [64, 0], sizes = [8, 512], strides = [1, 1]} : vector<128x512xf32> to vector<8x512xf32>
    %add3A_1170 = arith.addf %add3A_1168, %slice3A_1169 : vector<8x512xf32>
    %slice3A_1171 = vector.extract_strided_slice %transpose3A_1153 {offsets = [72, 0], sizes = [8, 512], strides = [1, 1]} : vector<128x512xf32> to vector<8x512xf32>
    %add3A_1172 = arith.addf %add3A_1170, %slice3A_1171 : vector<8x512xf32>
    %slice3A_1173 = vector.extract_strided_slice %transpose3A_1153 {offsets = [80, 0], sizes = [8, 512], strides = [1, 1]} : vector<128x512xf32> to vector<8x512xf32>
    %add3A_1174 = arith.addf %add3A_1172, %slice3A_1173 : vector<8x512xf32>
    %slice3A_1175 = vector.extract_strided_slice %transpose3A_1153 {offsets = [88, 0], sizes = [8, 512], strides = [1, 1]} : vector<128x512xf32> to vector<8x512xf32>
    %add3A_1176 = arith.addf %add3A_1174, %slice3A_1175 : vector<8x512xf32>
    %slice3A_1177 = vector.extract_strided_slice %transpose3A_1153 {offsets = [96, 0], sizes = [8, 512], strides = [1, 1]} : vector<128x512xf32> to vector<8x512xf32>
    %add3A_1178 = arith.addf %add3A_1176, %slice3A_1177 : vector<8x512xf32>
    %slice3A_1179 = vector.extract_strided_slice %transpose3A_1153 {offsets = [104, 0], sizes = [8, 512], strides = [1, 1]} : vector<128x512xf32> to vector<8x512xf32>
    %add3A_1180 = arith.addf %add3A_1178, %slice3A_1179 : vector<8x512xf32>
    %slice3A_1181 = vector.extract_strided_slice %transpose3A_1153 {offsets = [112, 0], sizes = [8, 512], strides = [1, 1]} : vector<128x512xf32> to vector<8x512xf32>
    %add3A_1182 = arith.addf %add3A_1180, %slice3A_1181 : vector<8x512xf32>
    %slice3A_1183 = vector.extract_strided_slice %transpose3A_1153 {offsets = [120, 0], sizes = [8, 512], strides = [1, 1]} : vector<128x512xf32> to vector<8x512xf32>
    %add3A_1184 = arith.addf %add3A_1182, %slice3A_1183 : vector<8x512xf32>
    %slice3A_1185 = vector.extract_strided_slice %add3A_1184 {offsets = [0, 0], sizes = [4, 512], strides = [1, 1]} : vector<8x512xf32> to vector<4x512xf32>
    %slice3A_1186 = vector.extract_strided_slice %add3A_1184 {offsets = [4, 0], sizes = [4, 512], strides = [1, 1]} : vector<8x512xf32> to vector<4x512xf32>
    %add3A_1187 = arith.addf %slice3A_1185, %slice3A_1186 : vector<4x512xf32>
    %slice3A_1188 = vector.extract_strided_slice %add3A_1187 {offsets = [0, 0], sizes = [2, 512], strides = [1, 1]} : vector<4x512xf32> to vector<2x512xf32>
    %slice3A_1189 = vector.extract_strided_slice %add3A_1187 {offsets = [2, 0], sizes = [2, 512], strides = [1, 1]} : vector<4x512xf32> to vector<2x512xf32>
    %add3A_1190 = arith.addf %slice3A_1188, %slice3A_1189 : vector<2x512xf32>
    %slice3A_1191 = vector.extract_strided_slice %add3A_1190 {offsets = [0, 0], sizes = [1, 512], strides = [1, 1]} : vector<2x512xf32> to vector<1x512xf32>
    %slice3A_1192 = vector.extract_strided_slice %add3A_1190 {offsets = [1, 0], sizes = [1, 512], strides = [1, 1]} : vector<2x512xf32> to vector<1x512xf32>
    %add3A_1193 = arith.addf %slice3A_1191, %slice3A_1192 : vector<1x512xf32>
    %jit3A_1194 = arith.constant -1.000000e+00 : f32
    %broadcast_in_dim3A_1195 = vector.broadcast %jit3A_1194 : f32 to vector<1x512xf32>
    %select_n3A_1196 = arith.select %eq3A_1124, %broadcast_in_dim3A_1195, %add3A_1193 : vector<1x512xi1>, vector<1x512xf32>
    %jit3A_1197 = arith.constant 0.000000e+00 : f32
    %broadcast_in_dim3A_1198 = vector.shape_cast %select_n3A_1196 : vector<1x512xf32> to vector<1x512xf32>
    %broadcast_in_dim3A_1199 = vector.broadcast %broadcast_in_dim3A_1198 : vector<1x512xf32> to vector<512x512xf32>
    %broadcast_in_dim3A_1200 = vector.broadcast %jit3A_1197 : f32 to vector<512x512xf32>
    %select_n3A_1201 = arith.select %eq3A, %broadcast_in_dim3A_1199, %broadcast_in_dim3A_1200 : vector<512x512xi1>, vector<512x512xf32>
    %reduce_sum3A_1202 = arith.constant dense<0.000000e+00> : vector<512xf32>
    %reduce_sum3A_1203 = vector.multi_reduction <add>, %select_n3A_1201, %reduce_sum3A_1202 [1] : vector<512x512xf32> to vector<512xf32>
    %broadcast_in_dim3A_1204 = vector.shape_cast %reduce_sum3A_1203 : vector<512xf32> to vector<512x1xf32>
    %gt3A_1205 = vector.broadcast %broadcast_in_dim3A_1204 : vector<512x1xf32> to vector<512x512xf32>
    %gt3A_1206 = vector.broadcast %select_n3A_1196 : vector<1x512xf32> to vector<512x512xf32>
    %gt3A_1207 = arith.cmpf ogt, %gt3A_1205, %gt3A_1206 : vector<512x512xf32>
    %ge3A_1208 = vector.broadcast %broadcast_in_dim3A_1204 : vector<512x1xf32> to vector<512x512xf32>
    %ge3A_1209 = vector.broadcast %select_n3A_1196 : vector<1x512xf32> to vector<512x512xf32>
    %ge3A_1210 = arith.cmpf oge, %ge3A_1208, %ge3A_1209 : vector<512x512xf32>
    %and3A_1211 = arith.andi %lt3A, %ge3A_1210 : vector<512x512xi1>
    %or3A_1212 = arith.ori %gt3A_1207, %and3A_1211 : vector<512x512xi1>
    %convert_element_type3A_1213 = arith.extui %or3A_1212 : vector<512x512xi1> to vector<512x512xi32>
    %reduce_sum3A_1214 = arith.constant dense<0> : vector<512xi32>
    %reduce_sum3A_1215 = vector.multi_reduction <add>, %convert_element_type3A_1213, %reduce_sum3A_1214 [0] : vector<512x512xi32> to vector<512xi32>
    %broadcast_in_dim3A_1216 = vector.shape_cast %reduce_sum3A_1215 : vector<512xi32> to vector<1x512xi32>
    %swap3A_1217 = arith.constant 1 : index
    %swap3A_1218 = arith.constant 0 : index
    %swap3A_1219 = arith.constant 0 : index
    %swap3A_1220 = arith.constant 0 : index
    %swap3A_1221 = vector.load %arg6[%swap3A_1217, %swap3A_1218, %swap3A_1219, %swap3A_1220] : memref<2x8x1x512xf32, #tpu.memory_space<vmem>>, vector<1x1x1x512xf32>
    %swap3A_1222 = vector.shape_cast %swap3A_1221 : vector<1x1x1x512xf32> to vector<1x512xf32>
    %swap3A_1223 = vector.shape_cast %select_n3A_1196 : vector<1x512xf32> to vector<1x1x1x512xf32>
    tpu.vector_store %arg6[%swap3A_1217, %swap3A_1218, %swap3A_1219, %swap3A_1220], %swap3A_1223 {strides = array<i32>} : memref<2x8x1x512xf32, #tpu.memory_space<vmem>>, vector<1x1x1x512xf32>,
    %swap3A_1224 = arith.constant 1 : index
    %swap3A_1225 = arith.constant 0 : index
    %swap3A_1226 = arith.constant 0 : index
    %swap3A_1227 = arith.constant 0 : index
    %swap3A_1228 = vector.load %arg7[%swap3A_1224, %swap3A_1225, %swap3A_1226, %swap3A_1227] : memref<2x8x1x512xi32, #tpu.memory_space<vmem>>, vector<1x1x1x512xi32>
    %swap3A_1229 = vector.shape_cast %swap3A_1228 : vector<1x1x1x512xi32> to vector<1x512xi32>
    %swap3A_1230 = vector.shape_cast %broadcast_in_dim3A_1216 : vector<1x512xi32> to vector<1x1x1x512xi32>
    tpu.vector_store %arg7[%swap3A_1224, %swap3A_1225, %swap3A_1226, %swap3A_1227], %swap3A_1230 {strides = array<i32>} : memref<2x8x1x512xi32, #tpu.memory_space<vmem>>, vector<1x1x1x512xi32>,
    %gt3A_1231 = arith.constant 0 : i32
    %gt3A_1232 = arith.cmpi sgt, %get3A_1143, %gt3A_1231 : i32
    %jit3A_1233 = arith.constant 0 : i32
    %select_n3A_1234 = arith.select %gt3A_1232, %reduce_sum3A_1137, %jit3A_1233 : i32
    %broadcast_in_dim3A_1235 = vector.broadcast %select_n3A_1234 : i32 to vector<1x1xi32>
    %swap3A_1236 = arith.constant 1 : index
    %swap3A_1237 = arith.constant 0 : index
    %swap3A_1238 = arith.constant 0 : index
    %swap3A_1239 = arith.constant 0 : index
    %swap3A_1240 = vector.load %arg9[%swap3A_1236, %swap3A_1237, %swap3A_1238, %swap3A_1239] : memref<2x8x1x1xi32, #tpu.memory_space<vmem>>, vector<1x1x1x1xi32>
    %swap3A_1241 = vector.shape_cast %swap3A_1240 : vector<1x1x1x1xi32> to vector<1x1xi32>
    %swap3A_1242 = vector.shape_cast %broadcast_in_dim3A_1235 : vector<1x1xi32> to vector<1x1x1x1xi32>
    tpu.vector_store %arg9[%swap3A_1236, %swap3A_1237, %swap3A_1238, %swap3A_1239], %swap3A_1242 {strides = array<i32>} : memref<2x8x1x1xi32, #tpu.memory_space<vmem>>, vector<1x1x1x1xi32>,
    %get3A_1243 = arith.constant 1 : index
    %get3A_1244 = arith.constant 1 : index
    %get3A_1245 = arith.constant 0 : index
    %get3A_1246 = arith.constant 0 : index
    %get3A_1247 = vector.load %arg2[%get3A_1243, %get3A_1244, %get3A_1245, %get3A_1246] : memref<2x8x512x256xf32, #tpu.memory_space<vmem>>, vector<1x1x512x256xf32>
    %get3A_1248 = vector.shape_cast %get3A_1247 : vector<1x1x512x256xf32> to vector<512x256xf32>
    %slice3A_1249 = vector.extract_strided_slice %get3A_1248 {offsets = [0, 0], sizes = [512, 128], strides = [1, 1]} : vector<512x256xf32> to vector<512x128xf32>
    %slice3A_1250 = vector.extract_strided_slice %get3A_1248 {offsets = [0, 128], sizes = [512, 128], strides = [1, 1]} : vector<512x256xf32> to vector<512x128xf32>
    %add3A_1251 = arith.addf %slice3A_1249, %slice3A_1250 : vector<512x128xf32>
    %transpose3A_1252 = tpu.transpose %add3A_1251, [1, 0] : vector<512x128xf32> -> vector<128x512xf32>
    %slice3A_1253 = vector.extract_strided_slice %transpose3A_1252 {offsets = [0, 0], sizes = [8, 512], strides = [1, 1]} : vector<128x512xf32> to vector<8x512xf32>
    %slice3A_1254 = vector.extract_strided_slice %transpose3A_1252 {offsets = [8, 0], sizes = [8, 512], strides = [1, 1]} : vector<128x512xf32> to vector<8x512xf32>
    %add3A_1255 = arith.addf %slice3A_1253, %slice3A_1254 : vector<8x512xf32>
    %slice3A_1256 = vector.extract_strided_slice %transpose3A_1252 {offsets = [16, 0], sizes = [8, 512], strides = [1, 1]} : vector<128x512xf32> to vector<8x512xf32>
    %add3A_1257 = arith.addf %add3A_1255, %slice3A_1256 : vector<8x512xf32>
    %slice3A_1258 = vector.extract_strided_slice %transpose3A_1252 {offsets = [24, 0], sizes = [8, 512], strides = [1, 1]} : vector<128x512xf32> to vector<8x512xf32>
    %add3A_1259 = arith.addf %add3A_1257, %slice3A_1258 : vector<8x512xf32>
    %slice3A_1260 = vector.extract_strided_slice %transpose3A_1252 {offsets = [32, 0], sizes = [8, 512], strides = [1, 1]} : vector<128x512xf32> to vector<8x512xf32>
    %add3A_1261 = arith.addf %add3A_1259, %slice3A_1260 : vector<8x512xf32>
    %slice3A_1262 = vector.extract_strided_slice %transpose3A_1252 {offsets = [40, 0], sizes = [8, 512], strides = [1, 1]} : vector<128x512xf32> to vector<8x512xf32>
    %add3A_1263 = arith.addf %add3A_1261, %slice3A_1262 : vector<8x512xf32>
    %slice3A_1264 = vector.extract_strided_slice %transpose3A_1252 {offsets = [48, 0], sizes = [8, 512], strides = [1, 1]} : vector<128x512xf32> to vector<8x512xf32>
    %add3A_1265 = arith.addf %add3A_1263, %slice3A_1264 : vector<8x512xf32>
    %slice3A_1266 = vector.extract_strided_slice %transpose3A_1252 {offsets = [56, 0], sizes = [8, 512], strides = [1, 1]} : vector<128x512xf32> to vector<8x512xf32>
    %add3A_1267 = arith.addf %add3A_1265, %slice3A_1266 : vector<8x512xf32>
    %slice3A_1268 = vector.extract_strided_slice %transpose3A_1252 {offsets = [64, 0], sizes = [8, 512], strides = [1, 1]} : vector<128x512xf32> to vector<8x512xf32>
    %add3A_1269 = arith.addf %add3A_1267, %slice3A_1268 : vector<8x512xf32>
    %slice3A_1270 = vector.extract_strided_slice %transpose3A_1252 {offsets = [72, 0], sizes = [8, 512], strides = [1, 1]} : vector<128x512xf32> to vector<8x512xf32>
    %add3A_1271 = arith.addf %add3A_1269, %slice3A_1270 : vector<8x512xf32>
    %slice3A_1272 = vector.extract_strided_slice %transpose3A_1252 {offsets = [80, 0], sizes = [8, 512], strides = [1, 1]} : vector<128x512xf32> to vector<8x512xf32>
    %add3A_1273 = arith.addf %add3A_1271, %slice3A_1272 : vector<8x512xf32>
    %slice3A_1274 = vector.extract_strided_slice %transpose3A_1252 {offsets = [88, 0], sizes = [8, 512], strides = [1, 1]} : vector<128x512xf32> to vector<8x512xf32>
    %add3A_1275 = arith.addf %add3A_1273, %slice3A_1274 : vector<8x512xf32>
    %slice3A_1276 = vector.extract_strided_slice %transpose3A_1252 {offsets = [96, 0], sizes = [8, 512], strides = [1, 1]} : vector<128x512xf32> to vector<8x512xf32>
    %add3A_1277 = arith.addf %add3A_1275, %slice3A_1276 : vector<8x512xf32>
    %slice3A_1278 = vector.extract_strided_slice %transpose3A_1252 {offsets = [104, 0], sizes = [8, 512], strides = [1, 1]} : vector<128x512xf32> to vector<8x512xf32>
    %add3A_1279 = arith.addf %add3A_1277, %slice3A_1278 : vector<8x512xf32>
    %slice3A_1280 = vector.extract_strided_slice %transpose3A_1252 {offsets = [112, 0], sizes = [8, 512], strides = [1, 1]} : vector<128x512xf32> to vector<8x512xf32>
    %add3A_1281 = arith.addf %add3A_1279, %slice3A_1280 : vector<8x512xf32>
    %slice3A_1282 = vector.extract_strided_slice %transpose3A_1252 {offsets = [120, 0], sizes = [8, 512], strides = [1, 1]} : vector<128x512xf32> to vector<8x512xf32>
    %add3A_1283 = arith.addf %add3A_1281, %slice3A_1282 : vector<8x512xf32>
    %slice3A_1284 = vector.extract_strided_slice %add3A_1283 {offsets = [0, 0], sizes = [4, 512], strides = [1, 1]} : vector<8x512xf32> to vector<4x512xf32>
    %slice3A_1285 = vector.extract_strided_slice %add3A_1283 {offsets = [4, 0], sizes = [4, 512], strides = [1, 1]} : vector<8x512xf32> to vector<4x512xf32>
    %add3A_1286 = arith.addf %slice3A_1284, %slice3A_1285 : vector<4x512xf32>
    %slice3A_1287 = vector.extract_strided_slice %add3A_1286 {offsets = [0, 0], sizes = [2, 512], strides = [1, 1]} : vector<4x512xf32> to vector<2x512xf32>
    %slice3A_1288 = vector.extract_strided_slice %add3A_1286 {offsets = [2, 0], sizes = [2, 512], strides = [1, 1]} : vector<4x512xf32> to vector<2x512xf32>
    %add3A_1289 = arith.addf %slice3A_1287, %slice3A_1288 : vector<2x512xf32>
    %slice3A_1290 = vector.extract_strided_slice %add3A_1289 {offsets = [0, 0], sizes = [1, 512], strides = [1, 1]} : vector<2x512xf32> to vector<1x512xf32>
    %slice3A_1291 = vector.extract_strided_slice %add3A_1289 {offsets = [1, 0], sizes = [1, 512], strides = [1, 1]} : vector<2x512xf32> to vector<1x512xf32>
    %add3A_1292 = arith.addf %slice3A_1290, %slice3A_1291 : vector<1x512xf32>
    %jit3A_1293 = arith.constant -1.000000e+00 : f32
    %broadcast_in_dim3A_1294 = vector.broadcast %jit3A_1293 : f32 to vector<1x512xf32>
    %select_n3A_1295 = arith.select %eq3A_1124, %broadcast_in_dim3A_1294, %add3A_1292 : vector<1x512xi1>, vector<1x512xf32>
    %jit3A_1296 = arith.constant 0.000000e+00 : f32
    %broadcast_in_dim3A_1297 = vector.shape_cast %select_n3A_1295 : vector<1x512xf32> to vector<1x512xf32>
    %broadcast_in_dim3A_1298 = vector.broadcast %broadcast_in_dim3A_1297 : vector<1x512xf32> to vector<512x512xf32>
    %broadcast_in_dim3A_1299 = vector.broadcast %jit3A_1296 : f32 to vector<512x512xf32>
    %select_n3A_1300 = arith.select %eq3A, %broadcast_in_dim3A_1298, %broadcast_in_dim3A_1299 : vector<512x512xi1>, vector<512x512xf32>
    %reduce_sum3A_1301 = arith.constant dense<0.000000e+00> : vector<512xf32>
    %reduce_sum3A_1302 = vector.multi_reduction <add>, %select_n3A_1300, %reduce_sum3A_1301 [1] : vector<512x512xf32> to vector<512xf32>
    %broadcast_in_dim3A_1303 = vector.shape_cast %reduce_sum3A_1302 : vector<512xf32> to vector<512x1xf32>
    %gt3A_1304 = vector.broadcast %broadcast_in_dim3A_1303 : vector<512x1xf32> to vector<512x512xf32>
    %gt3A_1305 = vector.broadcast %select_n3A_1295 : vector<1x512xf32> to vector<512x512xf32>
    %gt3A_1306 = arith.cmpf ogt, %gt3A_1304, %gt3A_1305 : vector<512x512xf32>
    %ge3A_1307 = vector.broadcast %broadcast_in_dim3A_1303 : vector<512x1xf32> to vector<512x512xf32>
    %ge3A_1308 = vector.broadcast %select_n3A_1295 : vector<1x512xf32> to vector<512x512xf32>
    %ge3A_1309 = arith.cmpf oge, %ge3A_1307, %ge3A_1308 : vector<512x512xf32>
    %and3A_1310 = arith.andi %lt3A, %ge3A_1309 : vector<512x512xi1>
    %or3A_1311 = arith.ori %gt3A_1306, %and3A_1310 : vector<512x512xi1>
    %convert_element_type3A_1312 = arith.extui %or3A_1311 : vector<512x512xi1> to vector<512x512xi32>
    %reduce_sum3A_1313 = arith.constant dense<0> : vector<512xi32>
    %reduce_sum3A_1314 = vector.multi_reduction <add>, %convert_element_type3A_1312, %reduce_sum3A_1313 [0] : vector<512x512xi32> to vector<512xi32>
    %broadcast_in_dim3A_1315 = vector.shape_cast %reduce_sum3A_1314 : vector<512xi32> to vector<1x512xi32>
    %swap3A_1316 = arith.constant 1 : index
    %swap3A_1317 = arith.constant 1 : index
    %swap3A_1318 = arith.constant 0 : index
    %swap3A_1319 = arith.constant 0 : index
    %swap3A_1320 = vector.load %arg6[%swap3A_1316, %swap3A_1317, %swap3A_1318, %swap3A_1319] : memref<2x8x1x512xf32, #tpu.memory_space<vmem>>, vector<1x1x1x512xf32>
    %swap3A_1321 = vector.shape_cast %swap3A_1320 : vector<1x1x1x512xf32> to vector<1x512xf32>
    %swap3A_1322 = vector.shape_cast %select_n3A_1295 : vector<1x512xf32> to vector<1x1x1x512xf32>
    tpu.vector_store %arg6[%swap3A_1316, %swap3A_1317, %swap3A_1318, %swap3A_1319], %swap3A_1322 {strides = array<i32>} : memref<2x8x1x512xf32, #tpu.memory_space<vmem>>, vector<1x1x1x512xf32>,
    %swap3A_1323 = arith.constant 1 : index
    %swap3A_1324 = arith.constant 1 : index
    %swap3A_1325 = arith.constant 0 : index
    %swap3A_1326 = arith.constant 0 : index
    %swap3A_1327 = vector.load %arg7[%swap3A_1323, %swap3A_1324, %swap3A_1325, %swap3A_1326] : memref<2x8x1x512xi32, #tpu.memory_space<vmem>>, vector<1x1x1x512xi32>
    %swap3A_1328 = vector.shape_cast %swap3A_1327 : vector<1x1x1x512xi32> to vector<1x512xi32>
    %swap3A_1329 = vector.shape_cast %broadcast_in_dim3A_1315 : vector<1x512xi32> to vector<1x1x1x512xi32>
    tpu.vector_store %arg7[%swap3A_1323, %swap3A_1324, %swap3A_1325, %swap3A_1326], %swap3A_1329 {strides = array<i32>} : memref<2x8x1x512xi32, #tpu.memory_space<vmem>>, vector<1x1x1x512xi32>,
    %gt3A_1330 = arith.constant 1 : i32
    %gt3A_1331 = arith.cmpi sgt, %get3A_1143, %gt3A_1330 : i32
    %jit3A_1332 = arith.constant 0 : i32
    %select_n3A_1333 = arith.select %gt3A_1331, %reduce_sum3A_1137, %jit3A_1332 : i32
    %broadcast_in_dim3A_1334 = vector.broadcast %select_n3A_1333 : i32 to vector<1x1xi32>
    %swap3A_1335 = arith.constant 1 : index
    %swap3A_1336 = arith.constant 1 : index
    %swap3A_1337 = arith.constant 0 : index
    %swap3A_1338 = arith.constant 0 : index
    %swap3A_1339 = vector.load %arg9[%swap3A_1335, %swap3A_1336, %swap3A_1337, %swap3A_1338] : memref<2x8x1x1xi32, #tpu.memory_space<vmem>>, vector<1x1x1x1xi32>
    %swap3A_1340 = vector.shape_cast %swap3A_1339 : vector<1x1x1x1xi32> to vector<1x1xi32>
    %swap3A_1341 = vector.shape_cast %broadcast_in_dim3A_1334 : vector<1x1xi32> to vector<1x1x1x1xi32>
    tpu.vector_store %arg9[%swap3A_1335, %swap3A_1336, %swap3A_1337, %swap3A_1338], %swap3A_1341 {strides = array<i32>} : memref<2x8x1x1xi32, #tpu.memory_space<vmem>>, vector<1x1x1x1xi32>,
    %get3A_1342 = arith.constant 1 : index
    %get3A_1343 = arith.constant 2 : index
    %get3A_1344 = arith.constant 0 : index
    %get3A_1345 = arith.constant 0 : index
    %get3A_1346 = vector.load %arg2[%get3A_1342, %get3A_1343, %get3A_1344, %get3A_1345] : memref<2x8x512x256xf32, #tpu.memory_space<vmem>>, vector<1x1x512x256xf32>
    %get3A_1347 = vector.shape_cast %get3A_1346 : vector<1x1x512x256xf32> to vector<512x256xf32>
    %slice3A_1348 = vector.extract_strided_slice %get3A_1347 {offsets = [0, 0], sizes = [512, 128], strides = [1, 1]} : vector<512x256xf32> to vector<512x128xf32>
    %slice3A_1349 = vector.extract_strided_slice %get3A_1347 {offsets = [0, 128], sizes = [512, 128], strides = [1, 1]} : vector<512x256xf32> to vector<512x128xf32>
    %add3A_1350 = arith.addf %slice3A_1348, %slice3A_1349 : vector<512x128xf32>
    %transpose3A_1351 = tpu.transpose %add3A_1350, [1, 0] : vector<512x128xf32> -> vector<128x512xf32>
    %slice3A_1352 = vector.extract_strided_slice %transpose3A_1351 {offsets = [0, 0], sizes = [8, 512], strides = [1, 1]} : vector<128x512xf32> to vector<8x512xf32>
    %slice3A_1353 = vector.extract_strided_slice %transpose3A_1351 {offsets = [8, 0], sizes = [8, 512], strides = [1, 1]} : vector<128x512xf32> to vector<8x512xf32>
    %add3A_1354 = arith.addf %slice3A_1352, %slice3A_1353 : vector<8x512xf32>
    %slice3A_1355 = vector.extract_strided_slice %transpose3A_1351 {offsets = [16, 0], sizes = [8, 512], strides = [1, 1]} : vector<128x512xf32> to vector<8x512xf32>
    %add3A_1356 = arith.addf %add3A_1354, %slice3A_1355 : vector<8x512xf32>
    %slice3A_1357 = vector.extract_strided_slice %transpose3A_1351 {offsets = [24, 0], sizes = [8, 512], strides = [1, 1]} : vector<128x512xf32> to vector<8x512xf32>
    %add3A_1358 = arith.addf %add3A_1356, %slice3A_1357 : vector<8x512xf32>
    %slice3A_1359 = vector.extract_strided_slice %transpose3A_1351 {offsets = [32, 0], sizes = [8, 512], strides = [1, 1]} : vector<128x512xf32> to vector<8x512xf32>
    %add3A_1360 = arith.addf %add3A_1358, %slice3A_1359 : vector<8x512xf32>
    %slice3A_1361 = vector.extract_strided_slice %transpose3A_1351 {offsets = [40, 0], sizes = [8, 512], strides = [1, 1]} : vector<128x512xf32> to vector<8x512xf32>
    %add3A_1362 = arith.addf %add3A_1360, %slice3A_1361 : vector<8x512xf32>
    %slice3A_1363 = vector.extract_strided_slice %transpose3A_1351 {offsets = [48, 0], sizes = [8, 512], strides = [1, 1]} : vector<128x512xf32> to vector<8x512xf32>
    %add3A_1364 = arith.addf %add3A_1362, %slice3A_1363 : vector<8x512xf32>
    %slice3A_1365 = vector.extract_strided_slice %transpose3A_1351 {offsets = [56, 0], sizes = [8, 512], strides = [1, 1]} : vector<128x512xf32> to vector<8x512xf32>
    %add3A_1366 = arith.addf %add3A_1364, %slice3A_1365 : vector<8x512xf32>
    %slice3A_1367 = vector.extract_strided_slice %transpose3A_1351 {offsets = [64, 0], sizes = [8, 512], strides = [1, 1]} : vector<128x512xf32> to vector<8x512xf32>
    %add3A_1368 = arith.addf %add3A_1366, %slice3A_1367 : vector<8x512xf32>
    %slice3A_1369 = vector.extract_strided_slice %transpose3A_1351 {offsets = [72, 0], sizes = [8, 512], strides = [1, 1]} : vector<128x512xf32> to vector<8x512xf32>
    %add3A_1370 = arith.addf %add3A_1368, %slice3A_1369 : vector<8x512xf32>
    %slice3A_1371 = vector.extract_strided_slice %transpose3A_1351 {offsets = [80, 0], sizes = [8, 512], strides = [1, 1]} : vector<128x512xf32> to vector<8x512xf32>
    %add3A_1372 = arith.addf %add3A_1370, %slice3A_1371 : vector<8x512xf32>
    %slice3A_1373 = vector.extract_strided_slice %transpose3A_1351 {offsets = [88, 0], sizes = [8, 512], strides = [1, 1]} : vector<128x512xf32> to vector<8x512xf32>
    %add3A_1374 = arith.addf %add3A_1372, %slice3A_1373 : vector<8x512xf32>
    %slice3A_1375 = vector.extract_strided_slice %transpose3A_1351 {offsets = [96, 0], sizes = [8, 512], strides = [1, 1]} : vector<128x512xf32> to vector<8x512xf32>
    %add3A_1376 = arith.addf %add3A_1374, %slice3A_1375 : vector<8x512xf32>
    %slice3A_1377 = vector.extract_strided_slice %transpose3A_1351 {offsets = [104, 0], sizes = [8, 512], strides = [1, 1]} : vector<128x512xf32> to vector<8x512xf32>
    %add3A_1378 = arith.addf %add3A_1376, %slice3A_1377 : vector<8x512xf32>
    %slice3A_1379 = vector.extract_strided_slice %transpose3A_1351 {offsets = [112, 0], sizes = [8, 512], strides = [1, 1]} : vector<128x512xf32> to vector<8x512xf32>
    %add3A_1380 = arith.addf %add3A_1378, %slice3A_1379 : vector<8x512xf32>
    %slice3A_1381 = vector.extract_strided_slice %transpose3A_1351 {offsets = [120, 0], sizes = [8, 512], strides = [1, 1]} : vector<128x512xf32> to vector<8x512xf32>
    %add3A_1382 = arith.addf %add3A_1380, %slice3A_1381 : vector<8x512xf32>
    %slice3A_1383 = vector.extract_strided_slice %add3A_1382 {offsets = [0, 0], sizes = [4, 512], strides = [1, 1]} : vector<8x512xf32> to vector<4x512xf32>
    %slice3A_1384 = vector.extract_strided_slice %add3A_1382 {offsets = [4, 0], sizes = [4, 512], strides = [1, 1]} : vector<8x512xf32> to vector<4x512xf32>
    %add3A_1385 = arith.addf %slice3A_1383, %slice3A_1384 : vector<4x512xf32>
    %slice3A_1386 = vector.extract_strided_slice %add3A_1385 {offsets = [0, 0], sizes = [2, 512], strides = [1, 1]} : vector<4x512xf32> to vector<2x512xf32>
    %slice3A_1387 = vector.extract_strided_slice %add3A_1385 {offsets = [2, 0], sizes = [2, 512], strides = [1, 1]} : vector<4x512xf32> to vector<2x512xf32>
    %add3A_1388 = arith.addf %slice3A_1386, %slice3A_1387 : vector<2x512xf32>
    %slice3A_1389 = vector.extract_strided_slice %add3A_1388 {offsets = [0, 0], sizes = [1, 512], strides = [1, 1]} : vector<2x512xf32> to vector<1x512xf32>
    %slice3A_1390 = vector.extract_strided_slice %add3A_1388 {offsets = [1, 0], sizes = [1, 512], strides = [1, 1]} : vector<2x512xf32> to vector<1x512xf32>
    %add3A_1391 = arith.addf %slice3A_1389, %slice3A_1390 : vector<1x512xf32>
    %jit3A_1392 = arith.constant -1.000000e+00 : f32
    %broadcast_in_dim3A_1393 = vector.broadcast %jit3A_1392 : f32 to vector<1x512xf32>
    %select_n3A_1394 = arith.select %eq3A_1124, %broadcast_in_dim3A_1393, %add3A_1391 : vector<1x512xi1>, vector<1x512xf32>
    %jit3A_1395 = arith.constant 0.000000e+00 : f32
    %broadcast_in_dim3A_1396 = vector.shape_cast %select_n3A_1394 : vector<1x512xf32> to vector<1x512xf32>
    %broadcast_in_dim3A_1397 = vector.broadcast %broadcast_in_dim3A_1396 : vector<1x512xf32> to vector<512x512xf32>
    %broadcast_in_dim3A_1398 = vector.broadcast %jit3A_1395 : f32 to vector<512x512xf32>
    %select_n3A_1399 = arith.select %eq3A, %broadcast_in_dim3A_1397, %broadcast_in_dim3A_1398 : vector<512x512xi1>, vector<512x512xf32>
    %reduce_sum3A_1400 = arith.constant dense<0.000000e+00> : vector<512xf32>
    %reduce_sum3A_1401 = vector.multi_reduction <add>, %select_n3A_1399, %reduce_sum3A_1400 [1] : vector<512x512xf32> to vector<512xf32>
    %broadcast_in_dim3A_1402 = vector.shape_cast %reduce_sum3A_1401 : vector<512xf32> to vector<512x1xf32>
    %gt3A_1403 = vector.broadcast %broadcast_in_dim3A_1402 : vector<512x1xf32> to vector<512x512xf32>
    %gt3A_1404 = vector.broadcast %select_n3A_1394 : vector<1x512xf32> to vector<512x512xf32>
    %gt3A_1405 = arith.cmpf ogt, %gt3A_1403, %gt3A_1404 : vector<512x512xf32>
    %ge3A_1406 = vector.broadcast %broadcast_in_dim3A_1402 : vector<512x1xf32> to vector<512x512xf32>
    %ge3A_1407 = vector.broadcast %select_n3A_1394 : vector<1x512xf32> to vector<512x512xf32>
    %ge3A_1408 = arith.cmpf oge, %ge3A_1406, %ge3A_1407 : vector<512x512xf32>
    %and3A_1409 = arith.andi %lt3A, %ge3A_1408 : vector<512x512xi1>
    %or3A_1410 = arith.ori %gt3A_1405, %and3A_1409 : vector<512x512xi1>
    %convert_element_type3A_1411 = arith.extui %or3A_1410 : vector<512x512xi1> to vector<512x512xi32>
    %reduce_sum3A_1412 = arith.constant dense<0> : vector<512xi32>
    %reduce_sum3A_1413 = vector.multi_reduction <add>, %convert_element_type3A_1411, %reduce_sum3A_1412 [0] : vector<512x512xi32> to vector<512xi32>
    %broadcast_in_dim3A_1414 = vector.shape_cast %reduce_sum3A_1413 : vector<512xi32> to vector<1x512xi32>
    %swap3A_1415 = arith.constant 1 : index
    %swap3A_1416 = arith.constant 2 : index
    %swap3A_1417 = arith.constant 0 : index
    %swap3A_1418 = arith.constant 0 : index
    %swap3A_1419 = vector.load %arg6[%swap3A_1415, %swap3A_1416, %swap3A_1417, %swap3A_1418] : memref<2x8x1x512xf32, #tpu.memory_space<vmem>>, vector<1x1x1x512xf32>
    %swap3A_1420 = vector.shape_cast %swap3A_1419 : vector<1x1x1x512xf32> to vector<1x512xf32>
    %swap3A_1421 = vector.shape_cast %select_n3A_1394 : vector<1x512xf32> to vector<1x1x1x512xf32>
    tpu.vector_store %arg6[%swap3A_1415, %swap3A_1416, %swap3A_1417, %swap3A_1418], %swap3A_1421 {strides = array<i32>} : memref<2x8x1x512xf32, #tpu.memory_space<vmem>>, vector<1x1x1x512xf32>,
    %swap3A_1422 = arith.constant 1 : index
    %swap3A_1423 = arith.constant 2 : index
    %swap3A_1424 = arith.constant 0 : index
    %swap3A_1425 = arith.constant 0 : index
    %swap3A_1426 = vector.load %arg7[%swap3A_1422, %swap3A_1423, %swap3A_1424, %swap3A_1425] : memref<2x8x1x512xi32, #tpu.memory_space<vmem>>, vector<1x1x1x512xi32>
    %swap3A_1427 = vector.shape_cast %swap3A_1426 : vector<1x1x1x512xi32> to vector<1x512xi32>
    %swap3A_1428 = vector.shape_cast %broadcast_in_dim3A_1414 : vector<1x512xi32> to vector<1x1x1x512xi32>
    tpu.vector_store %arg7[%swap3A_1422, %swap3A_1423, %swap3A_1424, %swap3A_1425], %swap3A_1428 {strides = array<i32>} : memref<2x8x1x512xi32, #tpu.memory_space<vmem>>, vector<1x1x1x512xi32>,
    %gt3A_1429 = arith.constant 2 : i32
    %gt3A_1430 = arith.cmpi sgt, %get3A_1143, %gt3A_1429 : i32
    %jit3A_1431 = arith.constant 0 : i32
    %select_n3A_1432 = arith.select %gt3A_1430, %reduce_sum3A_1137, %jit3A_1431 : i32
    %broadcast_in_dim3A_1433 = vector.broadcast %select_n3A_1432 : i32 to vector<1x1xi32>
    %swap3A_1434 = arith.constant 1 : index
    %swap3A_1435 = arith.constant 2 : index
    %swap3A_1436 = arith.constant 0 : index
    %swap3A_1437 = arith.constant 0 : index
    %swap3A_1438 = vector.load %arg9[%swap3A_1434, %swap3A_1435, %swap3A_1436, %swap3A_1437] : memref<2x8x1x1xi32, #tpu.memory_space<vmem>>, vector<1x1x1x1xi32>
    %swap3A_1439 = vector.shape_cast %swap3A_1438 : vector<1x1x1x1xi32> to vector<1x1xi32>
    %swap3A_1440 = vector.shape_cast %broadcast_in_dim3A_1433 : vector<1x1xi32> to vector<1x1x1x1xi32>
    tpu.vector_store %arg9[%swap3A_1434, %swap3A_1435, %swap3A_1436, %swap3A_1437], %swap3A_1440 {strides = array<i32>} : memref<2x8x1x1xi32, #tpu.memory_space<vmem>>, vector<1x1x1x1xi32>,
    %get3A_1441 = arith.constant 1 : index
    %get3A_1442 = arith.constant 3 : index
    %get3A_1443 = arith.constant 0 : index
    %get3A_1444 = arith.constant 0 : index
    %get3A_1445 = vector.load %arg2[%get3A_1441, %get3A_1442, %get3A_1443, %get3A_1444] : memref<2x8x512x256xf32, #tpu.memory_space<vmem>>, vector<1x1x512x256xf32>
    %get3A_1446 = vector.shape_cast %get3A_1445 : vector<1x1x512x256xf32> to vector<512x256xf32>
    %slice3A_1447 = vector.extract_strided_slice %get3A_1446 {offsets = [0, 0], sizes = [512, 128], strides = [1, 1]} : vector<512x256xf32> to vector<512x128xf32>
    %slice3A_1448 = vector.extract_strided_slice %get3A_1446 {offsets = [0, 128], sizes = [512, 128], strides = [1, 1]} : vector<512x256xf32> to vector<512x128xf32>
    %add3A_1449 = arith.addf %slice3A_1447, %slice3A_1448 : vector<512x128xf32>
    %transpose3A_1450 = tpu.transpose %add3A_1449, [1, 0] : vector<512x128xf32> -> vector<128x512xf32>
    %slice3A_1451 = vector.extract_strided_slice %transpose3A_1450 {offsets = [0, 0], sizes = [8, 512], strides = [1, 1]} : vector<128x512xf32> to vector<8x512xf32>
    %slice3A_1452 = vector.extract_strided_slice %transpose3A_1450 {offsets = [8, 0], sizes = [8, 512], strides = [1, 1]} : vector<128x512xf32> to vector<8x512xf32>
    %add3A_1453 = arith.addf %slice3A_1451, %slice3A_1452 : vector<8x512xf32>
    %slice3A_1454 = vector.extract_strided_slice %transpose3A_1450 {offsets = [16, 0], sizes = [8, 512], strides = [1, 1]} : vector<128x512xf32> to vector<8x512xf32>
    %add3A_1455 = arith.addf %add3A_1453, %slice3A_1454 : vector<8x512xf32>
    %slice3A_1456 = vector.extract_strided_slice %transpose3A_1450 {offsets = [24, 0], sizes = [8, 512], strides = [1, 1]} : vector<128x512xf32> to vector<8x512xf32>
    %add3A_1457 = arith.addf %add3A_1455, %slice3A_1456 : vector<8x512xf32>
    %slice3A_1458 = vector.extract_strided_slice %transpose3A_1450 {offsets = [32, 0], sizes = [8, 512], strides = [1, 1]} : vector<128x512xf32> to vector<8x512xf32>
    %add3A_1459 = arith.addf %add3A_1457, %slice3A_1458 : vector<8x512xf32>
    %slice3A_1460 = vector.extract_strided_slice %transpose3A_1450 {offsets = [40, 0], sizes = [8, 512], strides = [1, 1]} : vector<128x512xf32> to vector<8x512xf32>
    %add3A_1461 = arith.addf %add3A_1459, %slice3A_1460 : vector<8x512xf32>
    %slice3A_1462 = vector.extract_strided_slice %transpose3A_1450 {offsets = [48, 0], sizes = [8, 512], strides = [1, 1]} : vector<128x512xf32> to vector<8x512xf32>
    %add3A_1463 = arith.addf %add3A_1461, %slice3A_1462 : vector<8x512xf32>
    %slice3A_1464 = vector.extract_strided_slice %transpose3A_1450 {offsets = [56, 0], sizes = [8, 512], strides = [1, 1]} : vector<128x512xf32> to vector<8x512xf32>
    %add3A_1465 = arith.addf %add3A_1463, %slice3A_1464 : vector<8x512xf32>
    %slice3A_1466 = vector.extract_strided_slice %transpose3A_1450 {offsets = [64, 0], sizes = [8, 512], strides = [1, 1]} : vector<128x512xf32> to vector<8x512xf32>
    %add3A_1467 = arith.addf %add3A_1465, %slice3A_1466 : vector<8x512xf32>
    %slice3A_1468 = vector.extract_strided_slice %transpose3A_1450 {offsets = [72, 0], sizes = [8, 512], strides = [1, 1]} : vector<128x512xf32> to vector<8x512xf32>
    %add3A_1469 = arith.addf %add3A_1467, %slice3A_1468 : vector<8x512xf32>
    %slice3A_1470 = vector.extract_strided_slice %transpose3A_1450 {offsets = [80, 0], sizes = [8, 512], strides = [1, 1]} : vector<128x512xf32> to vector<8x512xf32>
    %add3A_1471 = arith.addf %add3A_1469, %slice3A_1470 : vector<8x512xf32>
    %slice3A_1472 = vector.extract_strided_slice %transpose3A_1450 {offsets = [88, 0], sizes = [8, 512], strides = [1, 1]} : vector<128x512xf32> to vector<8x512xf32>
    %add3A_1473 = arith.addf %add3A_1471, %slice3A_1472 : vector<8x512xf32>
    %slice3A_1474 = vector.extract_strided_slice %transpose3A_1450 {offsets = [96, 0], sizes = [8, 512], strides = [1, 1]} : vector<128x512xf32> to vector<8x512xf32>
    %add3A_1475 = arith.addf %add3A_1473, %slice3A_1474 : vector<8x512xf32>
    %slice3A_1476 = vector.extract_strided_slice %transpose3A_1450 {offsets = [104, 0], sizes = [8, 512], strides = [1, 1]} : vector<128x512xf32> to vector<8x512xf32>
    %add3A_1477 = arith.addf %add3A_1475, %slice3A_1476 : vector<8x512xf32>
    %slice3A_1478 = vector.extract_strided_slice %transpose3A_1450 {offsets = [112, 0], sizes = [8, 512], strides = [1, 1]} : vector<128x512xf32> to vector<8x512xf32>
    %add3A_1479 = arith.addf %add3A_1477, %slice3A_1478 : vector<8x512xf32>
    %slice3A_1480 = vector.extract_strided_slice %transpose3A_1450 {offsets = [120, 0], sizes = [8, 512], strides = [1, 1]} : vector<128x512xf32> to vector<8x512xf32>
    %add3A_1481 = arith.addf %add3A_1479, %slice3A_1480 : vector<8x512xf32>
    %slice3A_1482 = vector.extract_strided_slice %add3A_1481 {offsets = [0, 0], sizes = [4, 512], strides = [1, 1]} : vector<8x512xf32> to vector<4x512xf32>
    %slice3A_1483 = vector.extract_strided_slice %add3A_1481 {offsets = [4, 0], sizes = [4, 512], strides = [1, 1]} : vector<8x512xf32> to vector<4x512xf32>
    %add3A_1484 = arith.addf %slice3A_1482, %slice3A_1483 : vector<4x512xf32>
    %slice3A_1485 = vector.extract_strided_slice %add3A_1484 {offsets = [0, 0], sizes = [2, 512], strides = [1, 1]} : vector<4x512xf32> to vector<2x512xf32>
    %slice3A_1486 = vector.extract_strided_slice %add3A_1484 {offsets = [2, 0], sizes = [2, 512], strides = [1, 1]} : vector<4x512xf32> to vector<2x512xf32>
    %add3A_1487 = arith.addf %slice3A_1485, %slice3A_1486 : vector<2x512xf32>
    %slice3A_1488 = vector.extract_strided_slice %add3A_1487 {offsets = [0, 0], sizes = [1, 512], strides = [1, 1]} : vector<2x512xf32> to vector<1x512xf32>
    %slice3A_1489 = vector.extract_strided_slice %add3A_1487 {offsets = [1, 0], sizes = [1, 512], strides = [1, 1]} : vector<2x512xf32> to vector<1x512xf32>
    %add3A_1490 = arith.addf %slice3A_1488, %slice3A_1489 : vector<1x512xf32>
    %jit3A_1491 = arith.constant -1.000000e+00 : f32
    %broadcast_in_dim3A_1492 = vector.broadcast %jit3A_1491 : f32 to vector<1x512xf32>
    %select_n3A_1493 = arith.select %eq3A_1124, %broadcast_in_dim3A_1492, %add3A_1490 : vector<1x512xi1>, vector<1x512xf32>
    %jit3A_1494 = arith.constant 0.000000e+00 : f32
    %broadcast_in_dim3A_1495 = vector.shape_cast %select_n3A_1493 : vector<1x512xf32> to vector<1x512xf32>
    %broadcast_in_dim3A_1496 = vector.broadcast %broadcast_in_dim3A_1495 : vector<1x512xf32> to vector<512x512xf32>
    %broadcast_in_dim3A_1497 = vector.broadcast %jit3A_1494 : f32 to vector<512x512xf32>
    %select_n3A_1498 = arith.select %eq3A, %broadcast_in_dim3A_1496, %broadcast_in_dim3A_1497 : vector<512x512xi1>, vector<512x512xf32>
    %reduce_sum3A_1499 = arith.constant dense<0.000000e+00> : vector<512xf32>
    %reduce_sum3A_1500 = vector.multi_reduction <add>, %select_n3A_1498, %reduce_sum3A_1499 [1] : vector<512x512xf32> to vector<512xf32>
    %broadcast_in_dim3A_1501 = vector.shape_cast %reduce_sum3A_1500 : vector<512xf32> to vector<512x1xf32>
    %gt3A_1502 = vector.broadcast %broadcast_in_dim3A_1501 : vector<512x1xf32> to vector<512x512xf32>
    %gt3A_1503 = vector.broadcast %select_n3A_1493 : vector<1x512xf32> to vector<512x512xf32>
    %gt3A_1504 = arith.cmpf ogt, %gt3A_1502, %gt3A_1503 : vector<512x512xf32>
    %ge3A_1505 = vector.broadcast %broadcast_in_dim3A_1501 : vector<512x1xf32> to vector<512x512xf32>
    %ge3A_1506 = vector.broadcast %select_n3A_1493 : vector<1x512xf32> to vector<512x512xf32>
    %ge3A_1507 = arith.cmpf oge, %ge3A_1505, %ge3A_1506 : vector<512x512xf32>
    %and3A_1508 = arith.andi %lt3A, %ge3A_1507 : vector<512x512xi1>
    %or3A_1509 = arith.ori %gt3A_1504, %and3A_1508 : vector<512x512xi1>
    %convert_element_type3A_1510 = arith.extui %or3A_1509 : vector<512x512xi1> to vector<512x512xi32>
    %reduce_sum3A_1511 = arith.constant dense<0> : vector<512xi32>
    %reduce_sum3A_1512 = vector.multi_reduction <add>, %convert_element_type3A_1510, %reduce_sum3A_1511 [0] : vector<512x512xi32> to vector<512xi32>
    %broadcast_in_dim3A_1513 = vector.shape_cast %reduce_sum3A_1512 : vector<512xi32> to vector<1x512xi32>
    %swap3A_1514 = arith.constant 1 : index
    %swap3A_1515 = arith.constant 3 : index
    %swap3A_1516 = arith.constant 0 : index
    %swap3A_1517 = arith.constant 0 : index
    %swap3A_1518 = vector.load %arg6[%swap3A_1514, %swap3A_1515, %swap3A_1516, %swap3A_1517] : memref<2x8x1x512xf32, #tpu.memory_space<vmem>>, vector<1x1x1x512xf32>
    %swap3A_1519 = vector.shape_cast %swap3A_1518 : vector<1x1x1x512xf32> to vector<1x512xf32>
    %swap3A_1520 = vector.shape_cast %select_n3A_1493 : vector<1x512xf32> to vector<1x1x1x512xf32>
    tpu.vector_store %arg6[%swap3A_1514, %swap3A_1515, %swap3A_1516, %swap3A_1517], %swap3A_1520 {strides = array<i32>} : memref<2x8x1x512xf32, #tpu.memory_space<vmem>>, vector<1x1x1x512xf32>,
    %swap3A_1521 = arith.constant 1 : index
    %swap3A_1522 = arith.constant 3 : index
    %swap3A_1523 = arith.constant 0 : index
    %swap3A_1524 = arith.constant 0 : index
    %swap3A_1525 = vector.load %arg7[%swap3A_1521, %swap3A_1522, %swap3A_1523, %swap3A_1524] : memref<2x8x1x512xi32, #tpu.memory_space<vmem>>, vector<1x1x1x512xi32>
    %swap3A_1526 = vector.shape_cast %swap3A_1525 : vector<1x1x1x512xi32> to vector<1x512xi32>
    %swap3A_1527 = vector.shape_cast %broadcast_in_dim3A_1513 : vector<1x512xi32> to vector<1x1x1x512xi32>
    tpu.vector_store %arg7[%swap3A_1521, %swap3A_1522, %swap3A_1523, %swap3A_1524], %swap3A_1527 {strides = array<i32>} : memref<2x8x1x512xi32, #tpu.memory_space<vmem>>, vector<1x1x1x512xi32>,
    %gt3A_1528 = arith.constant 3 : i32
    %gt3A_1529 = arith.cmpi sgt, %get3A_1143, %gt3A_1528 : i32
    %jit3A_1530 = arith.constant 0 : i32
    %select_n3A_1531 = arith.select %gt3A_1529, %reduce_sum3A_1137, %jit3A_1530 : i32
    %broadcast_in_dim3A_1532 = vector.broadcast %select_n3A_1531 : i32 to vector<1x1xi32>
    %swap3A_1533 = arith.constant 1 : index
    %swap3A_1534 = arith.constant 3 : index
    %swap3A_1535 = arith.constant 0 : index
    %swap3A_1536 = arith.constant 0 : index
    %swap3A_1537 = vector.load %arg9[%swap3A_1533, %swap3A_1534, %swap3A_1535, %swap3A_1536] : memref<2x8x1x1xi32, #tpu.memory_space<vmem>>, vector<1x1x1x1xi32>
    %swap3A_1538 = vector.shape_cast %swap3A_1537 : vector<1x1x1x1xi32> to vector<1x1xi32>
    %swap3A_1539 = vector.shape_cast %broadcast_in_dim3A_1532 : vector<1x1xi32> to vector<1x1x1x1xi32>
    tpu.vector_store %arg9[%swap3A_1533, %swap3A_1534, %swap3A_1535, %swap3A_1536], %swap3A_1539 {strides = array<i32>} : memref<2x8x1x1xi32, #tpu.memory_space<vmem>>, vector<1x1x1x1xi32>,
    %get3A_1540 = arith.constant 1 : index
    %get3A_1541 = arith.constant 4 : index
    %get3A_1542 = arith.constant 0 : index
    %get3A_1543 = arith.constant 0 : index
    %get3A_1544 = vector.load %arg2[%get3A_1540, %get3A_1541, %get3A_1542, %get3A_1543] : memref<2x8x512x256xf32, #tpu.memory_space<vmem>>, vector<1x1x512x256xf32>
    %get3A_1545 = vector.shape_cast %get3A_1544 : vector<1x1x512x256xf32> to vector<512x256xf32>
    %slice3A_1546 = vector.extract_strided_slice %get3A_1545 {offsets = [0, 0], sizes = [512, 128], strides = [1, 1]} : vector<512x256xf32> to vector<512x128xf32>
    %slice3A_1547 = vector.extract_strided_slice %get3A_1545 {offsets = [0, 128], sizes = [512, 128], strides = [1, 1]} : vector<512x256xf32> to vector<512x128xf32>
    %add3A_1548 = arith.addf %slice3A_1546, %slice3A_1547 : vector<512x128xf32>
    %transpose3A_1549 = tpu.transpose %add3A_1548, [1, 0] : vector<512x128xf32> -> vector<128x512xf32>
    %slice3A_1550 = vector.extract_strided_slice %transpose3A_1549 {offsets = [0, 0], sizes = [8, 512], strides = [1, 1]} : vector<128x512xf32> to vector<8x512xf32>
    %slice3A_1551 = vector.extract_strided_slice %transpose3A_1549 {offsets = [8, 0], sizes = [8, 512], strides = [1, 1]} : vector<128x512xf32> to vector<8x512xf32>
    %add3A_1552 = arith.addf %slice3A_1550, %slice3A_1551 : vector<8x512xf32>
    %slice3A_1553 = vector.extract_strided_slice %transpose3A_1549 {offsets = [16, 0], sizes = [8, 512], strides = [1, 1]} : vector<128x512xf32> to vector<8x512xf32>
    %add3A_1554 = arith.addf %add3A_1552, %slice3A_1553 : vector<8x512xf32>
    %slice3A_1555 = vector.extract_strided_slice %transpose3A_1549 {offsets = [24, 0], sizes = [8, 512], strides = [1, 1]} : vector<128x512xf32> to vector<8x512xf32>
    %add3A_1556 = arith.addf %add3A_1554, %slice3A_1555 : vector<8x512xf32>
    %slice3A_1557 = vector.extract_strided_slice %transpose3A_1549 {offsets = [32, 0], sizes = [8, 512], strides = [1, 1]} : vector<128x512xf32> to vector<8x512xf32>
    %add3A_1558 = arith.addf %add3A_1556, %slice3A_1557 : vector<8x512xf32>
    %slice3A_1559 = vector.extract_strided_slice %transpose3A_1549 {offsets = [40, 0], sizes = [8, 512], strides = [1, 1]} : vector<128x512xf32> to vector<8x512xf32>
    %add3A_1560 = arith.addf %add3A_1558, %slice3A_1559 : vector<8x512xf32>
    %slice3A_1561 = vector.extract_strided_slice %transpose3A_1549 {offsets = [48, 0], sizes = [8, 512], strides = [1, 1]} : vector<128x512xf32> to vector<8x512xf32>
    %add3A_1562 = arith.addf %add3A_1560, %slice3A_1561 : vector<8x512xf32>
    %slice3A_1563 = vector.extract_strided_slice %transpose3A_1549 {offsets = [56, 0], sizes = [8, 512], strides = [1, 1]} : vector<128x512xf32> to vector<8x512xf32>
    %add3A_1564 = arith.addf %add3A_1562, %slice3A_1563 : vector<8x512xf32>
    %slice3A_1565 = vector.extract_strided_slice %transpose3A_1549 {offsets = [64, 0], sizes = [8, 512], strides = [1, 1]} : vector<128x512xf32> to vector<8x512xf32>
    %add3A_1566 = arith.addf %add3A_1564, %slice3A_1565 : vector<8x512xf32>
    %slice3A_1567 = vector.extract_strided_slice %transpose3A_1549 {offsets = [72, 0], sizes = [8, 512], strides = [1, 1]} : vector<128x512xf32> to vector<8x512xf32>
    %add3A_1568 = arith.addf %add3A_1566, %slice3A_1567 : vector<8x512xf32>
    %slice3A_1569 = vector.extract_strided_slice %transpose3A_1549 {offsets = [80, 0], sizes = [8, 512], strides = [1, 1]} : vector<128x512xf32> to vector<8x512xf32>
    %add3A_1570 = arith.addf %add3A_1568, %slice3A_1569 : vector<8x512xf32>
    %slice3A_1571 = vector.extract_strided_slice %transpose3A_1549 {offsets = [88, 0], sizes = [8, 512], strides = [1, 1]} : vector<128x512xf32> to vector<8x512xf32>
    %add3A_1572 = arith.addf %add3A_1570, %slice3A_1571 : vector<8x512xf32>
    %slice3A_1573 = vector.extract_strided_slice %transpose3A_1549 {offsets = [96, 0], sizes = [8, 512], strides = [1, 1]} : vector<128x512xf32> to vector<8x512xf32>
    %add3A_1574 = arith.addf %add3A_1572, %slice3A_1573 : vector<8x512xf32>
    %slice3A_1575 = vector.extract_strided_slice %transpose3A_1549 {offsets = [104, 0], sizes = [8, 512], strides = [1, 1]} : vector<128x512xf32> to vector<8x512xf32>
    %add3A_1576 = arith.addf %add3A_1574, %slice3A_1575 : vector<8x512xf32>
    %slice3A_1577 = vector.extract_strided_slice %transpose3A_1549 {offsets = [112, 0], sizes = [8, 512], strides = [1, 1]} : vector<128x512xf32> to vector<8x512xf32>
    %add3A_1578 = arith.addf %add3A_1576, %slice3A_1577 : vector<8x512xf32>
    %slice3A_1579 = vector.extract_strided_slice %transpose3A_1549 {offsets = [120, 0], sizes = [8, 512], strides = [1, 1]} : vector<128x512xf32> to vector<8x512xf32>
    %add3A_1580 = arith.addf %add3A_1578, %slice3A_1579 : vector<8x512xf32>
    %slice3A_1581 = vector.extract_strided_slice %add3A_1580 {offsets = [0, 0], sizes = [4, 512], strides = [1, 1]} : vector<8x512xf32> to vector<4x512xf32>
    %slice3A_1582 = vector.extract_strided_slice %add3A_1580 {offsets = [4, 0], sizes = [4, 512], strides = [1, 1]} : vector<8x512xf32> to vector<4x512xf32>
    %add3A_1583 = arith.addf %slice3A_1581, %slice3A_1582 : vector<4x512xf32>
    %slice3A_1584 = vector.extract_strided_slice %add3A_1583 {offsets = [0, 0], sizes = [2, 512], strides = [1, 1]} : vector<4x512xf32> to vector<2x512xf32>
    %slice3A_1585 = vector.extract_strided_slice %add3A_1583 {offsets = [2, 0], sizes = [2, 512], strides = [1, 1]} : vector<4x512xf32> to vector<2x512xf32>
    %add3A_1586 = arith.addf %slice3A_1584, %slice3A_1585 : vector<2x512xf32>
    %slice3A_1587 = vector.extract_strided_slice %add3A_1586 {offsets = [0, 0], sizes = [1, 512], strides = [1, 1]} : vector<2x512xf32> to vector<1x512xf32>
    %slice3A_1588 = vector.extract_strided_slice %add3A_1586 {offsets = [1, 0], sizes = [1, 512], strides = [1, 1]} : vector<2x512xf32> to vector<1x512xf32>
    %add3A_1589 = arith.addf %slice3A_1587, %slice3A_1588 : vector<1x512xf32>
    %jit3A_1590 = arith.constant -1.000000e+00 : f32
    %broadcast_in_dim3A_1591 = vector.broadcast %jit3A_1590 : f32 to vector<1x512xf32>
    %select_n3A_1592 = arith.select %eq3A_1124, %broadcast_in_dim3A_1591, %add3A_1589 : vector<1x512xi1>, vector<1x512xf32>
    %jit3A_1593 = arith.constant 0.000000e+00 : f32
    %broadcast_in_dim3A_1594 = vector.shape_cast %select_n3A_1592 : vector<1x512xf32> to vector<1x512xf32>
    %broadcast_in_dim3A_1595 = vector.broadcast %broadcast_in_dim3A_1594 : vector<1x512xf32> to vector<512x512xf32>
    %broadcast_in_dim3A_1596 = vector.broadcast %jit3A_1593 : f32 to vector<512x512xf32>
    %select_n3A_1597 = arith.select %eq3A, %broadcast_in_dim3A_1595, %broadcast_in_dim3A_1596 : vector<512x512xi1>, vector<512x512xf32>
    %reduce_sum3A_1598 = arith.constant dense<0.000000e+00> : vector<512xf32>
    %reduce_sum3A_1599 = vector.multi_reduction <add>, %select_n3A_1597, %reduce_sum3A_1598 [1] : vector<512x512xf32> to vector<512xf32>
    %broadcast_in_dim3A_1600 = vector.shape_cast %reduce_sum3A_1599 : vector<512xf32> to vector<512x1xf32>
    %gt3A_1601 = vector.broadcast %broadcast_in_dim3A_1600 : vector<512x1xf32> to vector<512x512xf32>
    %gt3A_1602 = vector.broadcast %select_n3A_1592 : vector<1x512xf32> to vector<512x512xf32>
    %gt3A_1603 = arith.cmpf ogt, %gt3A_1601, %gt3A_1602 : vector<512x512xf32>
    %ge3A_1604 = vector.broadcast %broadcast_in_dim3A_1600 : vector<512x1xf32> to vector<512x512xf32>
    %ge3A_1605 = vector.broadcast %select_n3A_1592 : vector<1x512xf32> to vector<512x512xf32>
    %ge3A_1606 = arith.cmpf oge, %ge3A_1604, %ge3A_1605 : vector<512x512xf32>
    %and3A_1607 = arith.andi %lt3A, %ge3A_1606 : vector<512x512xi1>
    %or3A_1608 = arith.ori %gt3A_1603, %and3A_1607 : vector<512x512xi1>
    %convert_element_type3A_1609 = arith.extui %or3A_1608 : vector<512x512xi1> to vector<512x512xi32>
    %reduce_sum3A_1610 = arith.constant dense<0> : vector<512xi32>
    %reduce_sum3A_1611 = vector.multi_reduction <add>, %convert_element_type3A_1609, %reduce_sum3A_1610 [0] : vector<512x512xi32> to vector<512xi32>
    %broadcast_in_dim3A_1612 = vector.shape_cast %reduce_sum3A_1611 : vector<512xi32> to vector<1x512xi32>
    %swap3A_1613 = arith.constant 1 : index
    %swap3A_1614 = arith.constant 4 : index
    %swap3A_1615 = arith.constant 0 : index
    %swap3A_1616 = arith.constant 0 : index
    %swap3A_1617 = vector.load %arg6[%swap3A_1613, %swap3A_1614, %swap3A_1615, %swap3A_1616] : memref<2x8x1x512xf32, #tpu.memory_space<vmem>>, vector<1x1x1x512xf32>
    %swap3A_1618 = vector.shape_cast %swap3A_1617 : vector<1x1x1x512xf32> to vector<1x512xf32>
    %swap3A_1619 = vector.shape_cast %select_n3A_1592 : vector<1x512xf32> to vector<1x1x1x512xf32>
    tpu.vector_store %arg6[%swap3A_1613, %swap3A_1614, %swap3A_1615, %swap3A_1616], %swap3A_1619 {strides = array<i32>} : memref<2x8x1x512xf32, #tpu.memory_space<vmem>>, vector<1x1x1x512xf32>,
    %swap3A_1620 = arith.constant 1 : index
    %swap3A_1621 = arith.constant 4 : index
    %swap3A_1622 = arith.constant 0 : index
    %swap3A_1623 = arith.constant 0 : index
    %swap3A_1624 = vector.load %arg7[%swap3A_1620, %swap3A_1621, %swap3A_1622, %swap3A_1623] : memref<2x8x1x512xi32, #tpu.memory_space<vmem>>, vector<1x1x1x512xi32>
    %swap3A_1625 = vector.shape_cast %swap3A_1624 : vector<1x1x1x512xi32> to vector<1x512xi32>
    %swap3A_1626 = vector.shape_cast %broadcast_in_dim3A_1612 : vector<1x512xi32> to vector<1x1x1x512xi32>
    tpu.vector_store %arg7[%swap3A_1620, %swap3A_1621, %swap3A_1622, %swap3A_1623], %swap3A_1626 {strides = array<i32>} : memref<2x8x1x512xi32, #tpu.memory_space<vmem>>, vector<1x1x1x512xi32>,
    %gt3A_1627 = arith.constant 4 : i32
    %gt3A_1628 = arith.cmpi sgt, %get3A_1143, %gt3A_1627 : i32
    %jit3A_1629 = arith.constant 0 : i32
    %select_n3A_1630 = arith.select %gt3A_1628, %reduce_sum3A_1137, %jit3A_1629 : i32
    %broadcast_in_dim3A_1631 = vector.broadcast %select_n3A_1630 : i32 to vector<1x1xi32>
    %swap3A_1632 = arith.constant 1 : index
    %swap3A_1633 = arith.constant 4 : index
    %swap3A_1634 = arith.constant 0 : index
    %swap3A_1635 = arith.constant 0 : index
    %swap3A_1636 = vector.load %arg9[%swap3A_1632, %swap3A_1633, %swap3A_1634, %swap3A_1635] : memref<2x8x1x1xi32, #tpu.memory_space<vmem>>, vector<1x1x1x1xi32>
    %swap3A_1637 = vector.shape_cast %swap3A_1636 : vector<1x1x1x1xi32> to vector<1x1xi32>
    %swap3A_1638 = vector.shape_cast %broadcast_in_dim3A_1631 : vector<1x1xi32> to vector<1x1x1x1xi32>
    tpu.vector_store %arg9[%swap3A_1632, %swap3A_1633, %swap3A_1634, %swap3A_1635], %swap3A_1638 {strides = array<i32>} : memref<2x8x1x1xi32, #tpu.memory_space<vmem>>, vector<1x1x1x1xi32>,
    %get3A_1639 = arith.constant 1 : index
    %get3A_1640 = arith.constant 5 : index
    %get3A_1641 = arith.constant 0 : index
    %get3A_1642 = arith.constant 0 : index
    %get3A_1643 = vector.load %arg2[%get3A_1639, %get3A_1640, %get3A_1641, %get3A_1642] : memref<2x8x512x256xf32, #tpu.memory_space<vmem>>, vector<1x1x512x256xf32>
    %get3A_1644 = vector.shape_cast %get3A_1643 : vector<1x1x512x256xf32> to vector<512x256xf32>
    %slice3A_1645 = vector.extract_strided_slice %get3A_1644 {offsets = [0, 0], sizes = [512, 128], strides = [1, 1]} : vector<512x256xf32> to vector<512x128xf32>
    %slice3A_1646 = vector.extract_strided_slice %get3A_1644 {offsets = [0, 128], sizes = [512, 128], strides = [1, 1]} : vector<512x256xf32> to vector<512x128xf32>
    %add3A_1647 = arith.addf %slice3A_1645, %slice3A_1646 : vector<512x128xf32>
    %transpose3A_1648 = tpu.transpose %add3A_1647, [1, 0] : vector<512x128xf32> -> vector<128x512xf32>
    %slice3A_1649 = vector.extract_strided_slice %transpose3A_1648 {offsets = [0, 0], sizes = [8, 512], strides = [1, 1]} : vector<128x512xf32> to vector<8x512xf32>
    %slice3A_1650 = vector.extract_strided_slice %transpose3A_1648 {offsets = [8, 0], sizes = [8, 512], strides = [1, 1]} : vector<128x512xf32> to vector<8x512xf32>
    %add3A_1651 = arith.addf %slice3A_1649, %slice3A_1650 : vector<8x512xf32>
    %slice3A_1652 = vector.extract_strided_slice %transpose3A_1648 {offsets = [16, 0], sizes = [8, 512], strides = [1, 1]} : vector<128x512xf32> to vector<8x512xf32>
    %add3A_1653 = arith.addf %add3A_1651, %slice3A_1652 : vector<8x512xf32>
    %slice3A_1654 = vector.extract_strided_slice %transpose3A_1648 {offsets = [24, 0], sizes = [8, 512], strides = [1, 1]} : vector<128x512xf32> to vector<8x512xf32>
    %add3A_1655 = arith.addf %add3A_1653, %slice3A_1654 : vector<8x512xf32>
    %slice3A_1656 = vector.extract_strided_slice %transpose3A_1648 {offsets = [32, 0], sizes = [8, 512], strides = [1, 1]} : vector<128x512xf32> to vector<8x512xf32>
    %add3A_1657 = arith.addf %add3A_1655, %slice3A_1656 : vector<8x512xf32>
    %slice3A_1658 = vector.extract_strided_slice %transpose3A_1648 {offsets = [40, 0], sizes = [8, 512], strides = [1, 1]} : vector<128x512xf32> to vector<8x512xf32>
    %add3A_1659 = arith.addf %add3A_1657, %slice3A_1658 : vector<8x512xf32>
    %slice3A_1660 = vector.extract_strided_slice %transpose3A_1648 {offsets = [48, 0], sizes = [8, 512], strides = [1, 1]} : vector<128x512xf32> to vector<8x512xf32>
    %add3A_1661 = arith.addf %add3A_1659, %slice3A_1660 : vector<8x512xf32>
    %slice3A_1662 = vector.extract_strided_slice %transpose3A_1648 {offsets = [56, 0], sizes = [8, 512], strides = [1, 1]} : vector<128x512xf32> to vector<8x512xf32>
    %add3A_1663 = arith.addf %add3A_1661, %slice3A_1662 : vector<8x512xf32>
    %slice3A_1664 = vector.extract_strided_slice %transpose3A_1648 {offsets = [64, 0], sizes = [8, 512], strides = [1, 1]} : vector<128x512xf32> to vector<8x512xf32>
    %add3A_1665 = arith.addf %add3A_1663, %slice3A_1664 : vector<8x512xf32>
    %slice3A_1666 = vector.extract_strided_slice %transpose3A_1648 {offsets = [72, 0], sizes = [8, 512], strides = [1, 1]} : vector<128x512xf32> to vector<8x512xf32>
    %add3A_1667 = arith.addf %add3A_1665, %slice3A_1666 : vector<8x512xf32>
    %slice3A_1668 = vector.extract_strided_slice %transpose3A_1648 {offsets = [80, 0], sizes = [8, 512], strides = [1, 1]} : vector<128x512xf32> to vector<8x512xf32>
    %add3A_1669 = arith.addf %add3A_1667, %slice3A_1668 : vector<8x512xf32>
    %slice3A_1670 = vector.extract_strided_slice %transpose3A_1648 {offsets = [88, 0], sizes = [8, 512], strides = [1, 1]} : vector<128x512xf32> to vector<8x512xf32>
    %add3A_1671 = arith.addf %add3A_1669, %slice3A_1670 : vector<8x512xf32>
    %slice3A_1672 = vector.extract_strided_slice %transpose3A_1648 {offsets = [96, 0], sizes = [8, 512], strides = [1, 1]} : vector<128x512xf32> to vector<8x512xf32>
    %add3A_1673 = arith.addf %add3A_1671, %slice3A_1672 : vector<8x512xf32>
    %slice3A_1674 = vector.extract_strided_slice %transpose3A_1648 {offsets = [104, 0], sizes = [8, 512], strides = [1, 1]} : vector<128x512xf32> to vector<8x512xf32>
    %add3A_1675 = arith.addf %add3A_1673, %slice3A_1674 : vector<8x512xf32>
    %slice3A_1676 = vector.extract_strided_slice %transpose3A_1648 {offsets = [112, 0], sizes = [8, 512], strides = [1, 1]} : vector<128x512xf32> to vector<8x512xf32>
    %add3A_1677 = arith.addf %add3A_1675, %slice3A_1676 : vector<8x512xf32>
    %slice3A_1678 = vector.extract_strided_slice %transpose3A_1648 {offsets = [120, 0], sizes = [8, 512], strides = [1, 1]} : vector<128x512xf32> to vector<8x512xf32>
    %add3A_1679 = arith.addf %add3A_1677, %slice3A_1678 : vector<8x512xf32>
    %slice3A_1680 = vector.extract_strided_slice %add3A_1679 {offsets = [0, 0], sizes = [4, 512], strides = [1, 1]} : vector<8x512xf32> to vector<4x512xf32>
    %slice3A_1681 = vector.extract_strided_slice %add3A_1679 {offsets = [4, 0], sizes = [4, 512], strides = [1, 1]} : vector<8x512xf32> to vector<4x512xf32>
    %add3A_1682 = arith.addf %slice3A_1680, %slice3A_1681 : vector<4x512xf32>
    %slice3A_1683 = vector.extract_strided_slice %add3A_1682 {offsets = [0, 0], sizes = [2, 512], strides = [1, 1]} : vector<4x512xf32> to vector<2x512xf32>
    %slice3A_1684 = vector.extract_strided_slice %add3A_1682 {offsets = [2, 0], sizes = [2, 512], strides = [1, 1]} : vector<4x512xf32> to vector<2x512xf32>
    %add3A_1685 = arith.addf %slice3A_1683, %slice3A_1684 : vector<2x512xf32>
    %slice3A_1686 = vector.extract_strided_slice %add3A_1685 {offsets = [0, 0], sizes = [1, 512], strides = [1, 1]} : vector<2x512xf32> to vector<1x512xf32>
    %slice3A_1687 = vector.extract_strided_slice %add3A_1685 {offsets = [1, 0], sizes = [1, 512], strides = [1, 1]} : vector<2x512xf32> to vector<1x512xf32>
    %add3A_1688 = arith.addf %slice3A_1686, %slice3A_1687 : vector<1x512xf32>
    %jit3A_1689 = arith.constant -1.000000e+00 : f32
    %broadcast_in_dim3A_1690 = vector.broadcast %jit3A_1689 : f32 to vector<1x512xf32>
    %select_n3A_1691 = arith.select %eq3A_1124, %broadcast_in_dim3A_1690, %add3A_1688 : vector<1x512xi1>, vector<1x512xf32>
    %jit3A_1692 = arith.constant 0.000000e+00 : f32
    %broadcast_in_dim3A_1693 = vector.shape_cast %select_n3A_1691 : vector<1x512xf32> to vector<1x512xf32>
    %broadcast_in_dim3A_1694 = vector.broadcast %broadcast_in_dim3A_1693 : vector<1x512xf32> to vector<512x512xf32>
    %broadcast_in_dim3A_1695 = vector.broadcast %jit3A_1692 : f32 to vector<512x512xf32>
    %select_n3A_1696 = arith.select %eq3A, %broadcast_in_dim3A_1694, %broadcast_in_dim3A_1695 : vector<512x512xi1>, vector<512x512xf32>
    %reduce_sum3A_1697 = arith.constant dense<0.000000e+00> : vector<512xf32>
    %reduce_sum3A_1698 = vector.multi_reduction <add>, %select_n3A_1696, %reduce_sum3A_1697 [1] : vector<512x512xf32> to vector<512xf32>
    %broadcast_in_dim3A_1699 = vector.shape_cast %reduce_sum3A_1698 : vector<512xf32> to vector<512x1xf32>
    %gt3A_1700 = vector.broadcast %broadcast_in_dim3A_1699 : vector<512x1xf32> to vector<512x512xf32>
    %gt3A_1701 = vector.broadcast %select_n3A_1691 : vector<1x512xf32> to vector<512x512xf32>
    %gt3A_1702 = arith.cmpf ogt, %gt3A_1700, %gt3A_1701 : vector<512x512xf32>
    %ge3A_1703 = vector.broadcast %broadcast_in_dim3A_1699 : vector<512x1xf32> to vector<512x512xf32>
    %ge3A_1704 = vector.broadcast %select_n3A_1691 : vector<1x512xf32> to vector<512x512xf32>
    %ge3A_1705 = arith.cmpf oge, %ge3A_1703, %ge3A_1704 : vector<512x512xf32>
    %and3A_1706 = arith.andi %lt3A, %ge3A_1705 : vector<512x512xi1>
    %or3A_1707 = arith.ori %gt3A_1702, %and3A_1706 : vector<512x512xi1>
    %convert_element_type3A_1708 = arith.extui %or3A_1707 : vector<512x512xi1> to vector<512x512xi32>
    %reduce_sum3A_1709 = arith.constant dense<0> : vector<512xi32>
    %reduce_sum3A_1710 = vector.multi_reduction <add>, %convert_element_type3A_1708, %reduce_sum3A_1709 [0] : vector<512x512xi32> to vector<512xi32>
    %broadcast_in_dim3A_1711 = vector.shape_cast %reduce_sum3A_1710 : vector<512xi32> to vector<1x512xi32>
    %swap3A_1712 = arith.constant 1 : index
    %swap3A_1713 = arith.constant 5 : index
    %swap3A_1714 = arith.constant 0 : index
    %swap3A_1715 = arith.constant 0 : index
    %swap3A_1716 = vector.load %arg6[%swap3A_1712, %swap3A_1713, %swap3A_1714, %swap3A_1715] : memref<2x8x1x512xf32, #tpu.memory_space<vmem>>, vector<1x1x1x512xf32>
    %swap3A_1717 = vector.shape_cast %swap3A_1716 : vector<1x1x1x512xf32> to vector<1x512xf32>
    %swap3A_1718 = vector.shape_cast %select_n3A_1691 : vector<1x512xf32> to vector<1x1x1x512xf32>
    tpu.vector_store %arg6[%swap3A_1712, %swap3A_1713, %swap3A_1714, %swap3A_1715], %swap3A_1718 {strides = array<i32>} : memref<2x8x1x512xf32, #tpu.memory_space<vmem>>, vector<1x1x1x512xf32>,
    %swap3A_1719 = arith.constant 1 : index
    %swap3A_1720 = arith.constant 5 : index
    %swap3A_1721 = arith.constant 0 : index
    %swap3A_1722 = arith.constant 0 : index
    %swap3A_1723 = vector.load %arg7[%swap3A_1719, %swap3A_1720, %swap3A_1721, %swap3A_1722] : memref<2x8x1x512xi32, #tpu.memory_space<vmem>>, vector<1x1x1x512xi32>
    %swap3A_1724 = vector.shape_cast %swap3A_1723 : vector<1x1x1x512xi32> to vector<1x512xi32>
    %swap3A_1725 = vector.shape_cast %broadcast_in_dim3A_1711 : vector<1x512xi32> to vector<1x1x1x512xi32>
    tpu.vector_store %arg7[%swap3A_1719, %swap3A_1720, %swap3A_1721, %swap3A_1722], %swap3A_1725 {strides = array<i32>} : memref<2x8x1x512xi32, #tpu.memory_space<vmem>>, vector<1x1x1x512xi32>,
    %gt3A_1726 = arith.constant 5 : i32
    %gt3A_1727 = arith.cmpi sgt, %get3A_1143, %gt3A_1726 : i32
    %jit3A_1728 = arith.constant 0 : i32
    %select_n3A_1729 = arith.select %gt3A_1727, %reduce_sum3A_1137, %jit3A_1728 : i32
    %broadcast_in_dim3A_1730 = vector.broadcast %select_n3A_1729 : i32 to vector<1x1xi32>
    %swap3A_1731 = arith.constant 1 : index
    %swap3A_1732 = arith.constant 5 : index
    %swap3A_1733 = arith.constant 0 : index
    %swap3A_1734 = arith.constant 0 : index
    %swap3A_1735 = vector.load %arg9[%swap3A_1731, %swap3A_1732, %swap3A_1733, %swap3A_1734] : memref<2x8x1x1xi32, #tpu.memory_space<vmem>>, vector<1x1x1x1xi32>
    %swap3A_1736 = vector.shape_cast %swap3A_1735 : vector<1x1x1x1xi32> to vector<1x1xi32>
    %swap3A_1737 = vector.shape_cast %broadcast_in_dim3A_1730 : vector<1x1xi32> to vector<1x1x1x1xi32>
    tpu.vector_store %arg9[%swap3A_1731, %swap3A_1732, %swap3A_1733, %swap3A_1734], %swap3A_1737 {strides = array<i32>} : memref<2x8x1x1xi32, #tpu.memory_space<vmem>>, vector<1x1x1x1xi32>,
    %get3A_1738 = arith.constant 1 : index
    %get3A_1739 = arith.constant 6 : index
    %get3A_1740 = arith.constant 0 : index
    %get3A_1741 = arith.constant 0 : index
    %get3A_1742 = vector.load %arg2[%get3A_1738, %get3A_1739, %get3A_1740, %get3A_1741] : memref<2x8x512x256xf32, #tpu.memory_space<vmem>>, vector<1x1x512x256xf32>
    %get3A_1743 = vector.shape_cast %get3A_1742 : vector<1x1x512x256xf32> to vector<512x256xf32>
    %slice3A_1744 = vector.extract_strided_slice %get3A_1743 {offsets = [0, 0], sizes = [512, 128], strides = [1, 1]} : vector<512x256xf32> to vector<512x128xf32>
    %slice3A_1745 = vector.extract_strided_slice %get3A_1743 {offsets = [0, 128], sizes = [512, 128], strides = [1, 1]} : vector<512x256xf32> to vector<512x128xf32>
    %add3A_1746 = arith.addf %slice3A_1744, %slice3A_1745 : vector<512x128xf32>
    %transpose3A_1747 = tpu.transpose %add3A_1746, [1, 0] : vector<512x128xf32> -> vector<128x512xf32>
    %slice3A_1748 = vector.extract_strided_slice %transpose3A_1747 {offsets = [0, 0], sizes = [8, 512], strides = [1, 1]} : vector<128x512xf32> to vector<8x512xf32>
    %slice3A_1749 = vector.extract_strided_slice %transpose3A_1747 {offsets = [8, 0], sizes = [8, 512], strides = [1, 1]} : vector<128x512xf32> to vector<8x512xf32>
    %add3A_1750 = arith.addf %slice3A_1748, %slice3A_1749 : vector<8x512xf32>
    %slice3A_1751 = vector.extract_strided_slice %transpose3A_1747 {offsets = [16, 0], sizes = [8, 512], strides = [1, 1]} : vector<128x512xf32> to vector<8x512xf32>
    %add3A_1752 = arith.addf %add3A_1750, %slice3A_1751 : vector<8x512xf32>
    %slice3A_1753 = vector.extract_strided_slice %transpose3A_1747 {offsets = [24, 0], sizes = [8, 512], strides = [1, 1]} : vector<128x512xf32> to vector<8x512xf32>
    %add3A_1754 = arith.addf %add3A_1752, %slice3A_1753 : vector<8x512xf32>
    %slice3A_1755 = vector.extract_strided_slice %transpose3A_1747 {offsets = [32, 0], sizes = [8, 512], strides = [1, 1]} : vector<128x512xf32> to vector<8x512xf32>
    %add3A_1756 = arith.addf %add3A_1754, %slice3A_1755 : vector<8x512xf32>
    %slice3A_1757 = vector.extract_strided_slice %transpose3A_1747 {offsets = [40, 0], sizes = [8, 512], strides = [1, 1]} : vector<128x512xf32> to vector<8x512xf32>
    %add3A_1758 = arith.addf %add3A_1756, %slice3A_1757 : vector<8x512xf32>
    %slice3A_1759 = vector.extract_strided_slice %transpose3A_1747 {offsets = [48, 0], sizes = [8, 512], strides = [1, 1]} : vector<128x512xf32> to vector<8x512xf32>
    %add3A_1760 = arith.addf %add3A_1758, %slice3A_1759 : vector<8x512xf32>
    %slice3A_1761 = vector.extract_strided_slice %transpose3A_1747 {offsets = [56, 0], sizes = [8, 512], strides = [1, 1]} : vector<128x512xf32> to vector<8x512xf32>
    %add3A_1762 = arith.addf %add3A_1760, %slice3A_1761 : vector<8x512xf32>
    %slice3A_1763 = vector.extract_strided_slice %transpose3A_1747 {offsets = [64, 0], sizes = [8, 512], strides = [1, 1]} : vector<128x512xf32> to vector<8x512xf32>
    %add3A_1764 = arith.addf %add3A_1762, %slice3A_1763 : vector<8x512xf32>
    %slice3A_1765 = vector.extract_strided_slice %transpose3A_1747 {offsets = [72, 0], sizes = [8, 512], strides = [1, 1]} : vector<128x512xf32> to vector<8x512xf32>
    %add3A_1766 = arith.addf %add3A_1764, %slice3A_1765 : vector<8x512xf32>
    %slice3A_1767 = vector.extract_strided_slice %transpose3A_1747 {offsets = [80, 0], sizes = [8, 512], strides = [1, 1]} : vector<128x512xf32> to vector<8x512xf32>
    %add3A_1768 = arith.addf %add3A_1766, %slice3A_1767 : vector<8x512xf32>
    %slice3A_1769 = vector.extract_strided_slice %transpose3A_1747 {offsets = [88, 0], sizes = [8, 512], strides = [1, 1]} : vector<128x512xf32> to vector<8x512xf32>
    %add3A_1770 = arith.addf %add3A_1768, %slice3A_1769 : vector<8x512xf32>
    %slice3A_1771 = vector.extract_strided_slice %transpose3A_1747 {offsets = [96, 0], sizes = [8, 512], strides = [1, 1]} : vector<128x512xf32> to vector<8x512xf32>
    %add3A_1772 = arith.addf %add3A_1770, %slice3A_1771 : vector<8x512xf32>
    %slice3A_1773 = vector.extract_strided_slice %transpose3A_1747 {offsets = [104, 0], sizes = [8, 512], strides = [1, 1]} : vector<128x512xf32> to vector<8x512xf32>
    %add3A_1774 = arith.addf %add3A_1772, %slice3A_1773 : vector<8x512xf32>
    %slice3A_1775 = vector.extract_strided_slice %transpose3A_1747 {offsets = [112, 0], sizes = [8, 512], strides = [1, 1]} : vector<128x512xf32> to vector<8x512xf32>
    %add3A_1776 = arith.addf %add3A_1774, %slice3A_1775 : vector<8x512xf32>
    %slice3A_1777 = vector.extract_strided_slice %transpose3A_1747 {offsets = [120, 0], sizes = [8, 512], strides = [1, 1]} : vector<128x512xf32> to vector<8x512xf32>
    %add3A_1778 = arith.addf %add3A_1776, %slice3A_1777 : vector<8x512xf32>
    %slice3A_1779 = vector.extract_strided_slice %add3A_1778 {offsets = [0, 0], sizes = [4, 512], strides = [1, 1]} : vector<8x512xf32> to vector<4x512xf32>
    %slice3A_1780 = vector.extract_strided_slice %add3A_1778 {offsets = [4, 0], sizes = [4, 512], strides = [1, 1]} : vector<8x512xf32> to vector<4x512xf32>
    %add3A_1781 = arith.addf %slice3A_1779, %slice3A_1780 : vector<4x512xf32>
    %slice3A_1782 = vector.extract_strided_slice %add3A_1781 {offsets = [0, 0], sizes = [2, 512], strides = [1, 1]} : vector<4x512xf32> to vector<2x512xf32>
    %slice3A_1783 = vector.extract_strided_slice %add3A_1781 {offsets = [2, 0], sizes = [2, 512], strides = [1, 1]} : vector<4x512xf32> to vector<2x512xf32>
    %add3A_1784 = arith.addf %slice3A_1782, %slice3A_1783 : vector<2x512xf32>
    %slice3A_1785 = vector.extract_strided_slice %add3A_1784 {offsets = [0, 0], sizes = [1, 512], strides = [1, 1]} : vector<2x512xf32> to vector<1x512xf32>
    %slice3A_1786 = vector.extract_strided_slice %add3A_1784 {offsets = [1, 0], sizes = [1, 512], strides = [1, 1]} : vector<2x512xf32> to vector<1x512xf32>
    %add3A_1787 = arith.addf %slice3A_1785, %slice3A_1786 : vector<1x512xf32>
    %jit3A_1788 = arith.constant -1.000000e+00 : f32
    %broadcast_in_dim3A_1789 = vector.broadcast %jit3A_1788 : f32 to vector<1x512xf32>
    %select_n3A_1790 = arith.select %eq3A_1124, %broadcast_in_dim3A_1789, %add3A_1787 : vector<1x512xi1>, vector<1x512xf32>
    %jit3A_1791 = arith.constant 0.000000e+00 : f32
    %broadcast_in_dim3A_1792 = vector.shape_cast %select_n3A_1790 : vector<1x512xf32> to vector<1x512xf32>
    %broadcast_in_dim3A_1793 = vector.broadcast %broadcast_in_dim3A_1792 : vector<1x512xf32> to vector<512x512xf32>
    %broadcast_in_dim3A_1794 = vector.broadcast %jit3A_1791 : f32 to vector<512x512xf32>
    %select_n3A_1795 = arith.select %eq3A, %broadcast_in_dim3A_1793, %broadcast_in_dim3A_1794 : vector<512x512xi1>, vector<512x512xf32>
    %reduce_sum3A_1796 = arith.constant dense<0.000000e+00> : vector<512xf32>
    %reduce_sum3A_1797 = vector.multi_reduction <add>, %select_n3A_1795, %reduce_sum3A_1796 [1] : vector<512x512xf32> to vector<512xf32>
    %broadcast_in_dim3A_1798 = vector.shape_cast %reduce_sum3A_1797 : vector<512xf32> to vector<512x1xf32>
    %gt3A_1799 = vector.broadcast %broadcast_in_dim3A_1798 : vector<512x1xf32> to vector<512x512xf32>
    %gt3A_1800 = vector.broadcast %select_n3A_1790 : vector<1x512xf32> to vector<512x512xf32>
    %gt3A_1801 = arith.cmpf ogt, %gt3A_1799, %gt3A_1800 : vector<512x512xf32>
    %ge3A_1802 = vector.broadcast %broadcast_in_dim3A_1798 : vector<512x1xf32> to vector<512x512xf32>
    %ge3A_1803 = vector.broadcast %select_n3A_1790 : vector<1x512xf32> to vector<512x512xf32>
    %ge3A_1804 = arith.cmpf oge, %ge3A_1802, %ge3A_1803 : vector<512x512xf32>
    %and3A_1805 = arith.andi %lt3A, %ge3A_1804 : vector<512x512xi1>
    %or3A_1806 = arith.ori %gt3A_1801, %and3A_1805 : vector<512x512xi1>
    %convert_element_type3A_1807 = arith.extui %or3A_1806 : vector<512x512xi1> to vector<512x512xi32>
    %reduce_sum3A_1808 = arith.constant dense<0> : vector<512xi32>
    %reduce_sum3A_1809 = vector.multi_reduction <add>, %convert_element_type3A_1807, %reduce_sum3A_1808 [0] : vector<512x512xi32> to vector<512xi32>
    %broadcast_in_dim3A_1810 = vector.shape_cast %reduce_sum3A_1809 : vector<512xi32> to vector<1x512xi32>
    %swap3A_1811 = arith.constant 1 : index
    %swap3A_1812 = arith.constant 6 : index
    %swap3A_1813 = arith.constant 0 : index
    %swap3A_1814 = arith.constant 0 : index
    %swap3A_1815 = vector.load %arg6[%swap3A_1811, %swap3A_1812, %swap3A_1813, %swap3A_1814] : memref<2x8x1x512xf32, #tpu.memory_space<vmem>>, vector<1x1x1x512xf32>
    %swap3A_1816 = vector.shape_cast %swap3A_1815 : vector<1x1x1x512xf32> to vector<1x512xf32>
    %swap3A_1817 = vector.shape_cast %select_n3A_1790 : vector<1x512xf32> to vector<1x1x1x512xf32>
    tpu.vector_store %arg6[%swap3A_1811, %swap3A_1812, %swap3A_1813, %swap3A_1814], %swap3A_1817 {strides = array<i32>} : memref<2x8x1x512xf32, #tpu.memory_space<vmem>>, vector<1x1x1x512xf32>,
    %swap3A_1818 = arith.constant 1 : index
    %swap3A_1819 = arith.constant 6 : index
    %swap3A_1820 = arith.constant 0 : index
    %swap3A_1821 = arith.constant 0 : index
    %swap3A_1822 = vector.load %arg7[%swap3A_1818, %swap3A_1819, %swap3A_1820, %swap3A_1821] : memref<2x8x1x512xi32, #tpu.memory_space<vmem>>, vector<1x1x1x512xi32>
    %swap3A_1823 = vector.shape_cast %swap3A_1822 : vector<1x1x1x512xi32> to vector<1x512xi32>
    %swap3A_1824 = vector.shape_cast %broadcast_in_dim3A_1810 : vector<1x512xi32> to vector<1x1x1x512xi32>
    tpu.vector_store %arg7[%swap3A_1818, %swap3A_1819, %swap3A_1820, %swap3A_1821], %swap3A_1824 {strides = array<i32>} : memref<2x8x1x512xi32, #tpu.memory_space<vmem>>, vector<1x1x1x512xi32>,
    %gt3A_1825 = arith.constant 6 : i32
    %gt3A_1826 = arith.cmpi sgt, %get3A_1143, %gt3A_1825 : i32
    %jit3A_1827 = arith.constant 0 : i32
    %select_n3A_1828 = arith.select %gt3A_1826, %reduce_sum3A_1137, %jit3A_1827 : i32
    %broadcast_in_dim3A_1829 = vector.broadcast %select_n3A_1828 : i32 to vector<1x1xi32>
    %swap3A_1830 = arith.constant 1 : index
    %swap3A_1831 = arith.constant 6 : index
    %swap3A_1832 = arith.constant 0 : index
    %swap3A_1833 = arith.constant 0 : index
    %swap3A_1834 = vector.load %arg9[%swap3A_1830, %swap3A_1831, %swap3A_1832, %swap3A_1833] : memref<2x8x1x1xi32, #tpu.memory_space<vmem>>, vector<1x1x1x1xi32>
    %swap3A_1835 = vector.shape_cast %swap3A_1834 : vector<1x1x1x1xi32> to vector<1x1xi32>
    %swap3A_1836 = vector.shape_cast %broadcast_in_dim3A_1829 : vector<1x1xi32> to vector<1x1x1x1xi32>
    tpu.vector_store %arg9[%swap3A_1830, %swap3A_1831, %swap3A_1832, %swap3A_1833], %swap3A_1836 {strides = array<i32>} : memref<2x8x1x1xi32, #tpu.memory_space<vmem>>, vector<1x1x1x1xi32>,
    %get3A_1837 = arith.constant 1 : index
    %get3A_1838 = arith.constant 7 : index
    %get3A_1839 = arith.constant 0 : index
    %get3A_1840 = arith.constant 0 : index
    %get3A_1841 = vector.load %arg2[%get3A_1837, %get3A_1838, %get3A_1839, %get3A_1840] : memref<2x8x512x256xf32, #tpu.memory_space<vmem>>, vector<1x1x512x256xf32>
    %get3A_1842 = vector.shape_cast %get3A_1841 : vector<1x1x512x256xf32> to vector<512x256xf32>
    %slice3A_1843 = vector.extract_strided_slice %get3A_1842 {offsets = [0, 0], sizes = [512, 128], strides = [1, 1]} : vector<512x256xf32> to vector<512x128xf32>
    %slice3A_1844 = vector.extract_strided_slice %get3A_1842 {offsets = [0, 128], sizes = [512, 128], strides = [1, 1]} : vector<512x256xf32> to vector<512x128xf32>
    %add3A_1845 = arith.addf %slice3A_1843, %slice3A_1844 : vector<512x128xf32>
    %transpose3A_1846 = tpu.transpose %add3A_1845, [1, 0] : vector<512x128xf32> -> vector<128x512xf32>
    %slice3A_1847 = vector.extract_strided_slice %transpose3A_1846 {offsets = [0, 0], sizes = [8, 512], strides = [1, 1]} : vector<128x512xf32> to vector<8x512xf32>
    %slice3A_1848 = vector.extract_strided_slice %transpose3A_1846 {offsets = [8, 0], sizes = [8, 512], strides = [1, 1]} : vector<128x512xf32> to vector<8x512xf32>
    %add3A_1849 = arith.addf %slice3A_1847, %slice3A_1848 : vector<8x512xf32>
    %slice3A_1850 = vector.extract_strided_slice %transpose3A_1846 {offsets = [16, 0], sizes = [8, 512], strides = [1, 1]} : vector<128x512xf32> to vector<8x512xf32>
    %add3A_1851 = arith.addf %add3A_1849, %slice3A_1850 : vector<8x512xf32>
    %slice3A_1852 = vector.extract_strided_slice %transpose3A_1846 {offsets = [24, 0], sizes = [8, 512], strides = [1, 1]} : vector<128x512xf32> to vector<8x512xf32>
    %add3A_1853 = arith.addf %add3A_1851, %slice3A_1852 : vector<8x512xf32>
    %slice3A_1854 = vector.extract_strided_slice %transpose3A_1846 {offsets = [32, 0], sizes = [8, 512], strides = [1, 1]} : vector<128x512xf32> to vector<8x512xf32>
    %add3A_1855 = arith.addf %add3A_1853, %slice3A_1854 : vector<8x512xf32>
    %slice3A_1856 = vector.extract_strided_slice %transpose3A_1846 {offsets = [40, 0], sizes = [8, 512], strides = [1, 1]} : vector<128x512xf32> to vector<8x512xf32>
    %add3A_1857 = arith.addf %add3A_1855, %slice3A_1856 : vector<8x512xf32>
    %slice3A_1858 = vector.extract_strided_slice %transpose3A_1846 {offsets = [48, 0], sizes = [8, 512], strides = [1, 1]} : vector<128x512xf32> to vector<8x512xf32>
    %add3A_1859 = arith.addf %add3A_1857, %slice3A_1858 : vector<8x512xf32>
    %slice3A_1860 = vector.extract_strided_slice %transpose3A_1846 {offsets = [56, 0], sizes = [8, 512], strides = [1, 1]} : vector<128x512xf32> to vector<8x512xf32>
    %add3A_1861 = arith.addf %add3A_1859, %slice3A_1860 : vector<8x512xf32>
    %slice3A_1862 = vector.extract_strided_slice %transpose3A_1846 {offsets = [64, 0], sizes = [8, 512], strides = [1, 1]} : vector<128x512xf32> to vector<8x512xf32>
    %add3A_1863 = arith.addf %add3A_1861, %slice3A_1862 : vector<8x512xf32>
    %slice3A_1864 = vector.extract_strided_slice %transpose3A_1846 {offsets = [72, 0], sizes = [8, 512], strides = [1, 1]} : vector<128x512xf32> to vector<8x512xf32>
    %add3A_1865 = arith.addf %add3A_1863, %slice3A_1864 : vector<8x512xf32>
    %slice3A_1866 = vector.extract_strided_slice %transpose3A_1846 {offsets = [80, 0], sizes = [8, 512], strides = [1, 1]} : vector<128x512xf32> to vector<8x512xf32>
    %add3A_1867 = arith.addf %add3A_1865, %slice3A_1866 : vector<8x512xf32>
    %slice3A_1868 = vector.extract_strided_slice %transpose3A_1846 {offsets = [88, 0], sizes = [8, 512], strides = [1, 1]} : vector<128x512xf32> to vector<8x512xf32>
    %add3A_1869 = arith.addf %add3A_1867, %slice3A_1868 : vector<8x512xf32>
    %slice3A_1870 = vector.extract_strided_slice %transpose3A_1846 {offsets = [96, 0], sizes = [8, 512], strides = [1, 1]} : vector<128x512xf32> to vector<8x512xf32>
    %add3A_1871 = arith.addf %add3A_1869, %slice3A_1870 : vector<8x512xf32>
    %slice3A_1872 = vector.extract_strided_slice %transpose3A_1846 {offsets = [104, 0], sizes = [8, 512], strides = [1, 1]} : vector<128x512xf32> to vector<8x512xf32>
    %add3A_1873 = arith.addf %add3A_1871, %slice3A_1872 : vector<8x512xf32>
    %slice3A_1874 = vector.extract_strided_slice %transpose3A_1846 {offsets = [112, 0], sizes = [8, 512], strides = [1, 1]} : vector<128x512xf32> to vector<8x512xf32>
    %add3A_1875 = arith.addf %add3A_1873, %slice3A_1874 : vector<8x512xf32>
    %slice3A_1876 = vector.extract_strided_slice %transpose3A_1846 {offsets = [120, 0], sizes = [8, 512], strides = [1, 1]} : vector<128x512xf32> to vector<8x512xf32>
    %add3A_1877 = arith.addf %add3A_1875, %slice3A_1876 : vector<8x512xf32>
    %slice3A_1878 = vector.extract_strided_slice %add3A_1877 {offsets = [0, 0], sizes = [4, 512], strides = [1, 1]} : vector<8x512xf32> to vector<4x512xf32>
    %slice3A_1879 = vector.extract_strided_slice %add3A_1877 {offsets = [4, 0], sizes = [4, 512], strides = [1, 1]} : vector<8x512xf32> to vector<4x512xf32>
    %add3A_1880 = arith.addf %slice3A_1878, %slice3A_1879 : vector<4x512xf32>
    %slice3A_1881 = vector.extract_strided_slice %add3A_1880 {offsets = [0, 0], sizes = [2, 512], strides = [1, 1]} : vector<4x512xf32> to vector<2x512xf32>
    %slice3A_1882 = vector.extract_strided_slice %add3A_1880 {offsets = [2, 0], sizes = [2, 512], strides = [1, 1]} : vector<4x512xf32> to vector<2x512xf32>
    %add3A_1883 = arith.addf %slice3A_1881, %slice3A_1882 : vector<2x512xf32>
    %slice3A_1884 = vector.extract_strided_slice %add3A_1883 {offsets = [0, 0], sizes = [1, 512], strides = [1, 1]} : vector<2x512xf32> to vector<1x512xf32>
    %slice3A_1885 = vector.extract_strided_slice %add3A_1883 {offsets = [1, 0], sizes = [1, 512], strides = [1, 1]} : vector<2x512xf32> to vector<1x512xf32>
    %add3A_1886 = arith.addf %slice3A_1884, %slice3A_1885 : vector<1x512xf32>
    %jit3A_1887 = arith.constant -1.000000e+00 : f32
    %broadcast_in_dim3A_1888 = vector.broadcast %jit3A_1887 : f32 to vector<1x512xf32>
    %select_n3A_1889 = arith.select %eq3A_1124, %broadcast_in_dim3A_1888, %add3A_1886 : vector<1x512xi1>, vector<1x512xf32>
    %jit3A_1890 = arith.constant 0.000000e+00 : f32
    %broadcast_in_dim3A_1891 = vector.shape_cast %select_n3A_1889 : vector<1x512xf32> to vector<1x512xf32>
    %broadcast_in_dim3A_1892 = vector.broadcast %broadcast_in_dim3A_1891 : vector<1x512xf32> to vector<512x512xf32>
    %broadcast_in_dim3A_1893 = vector.broadcast %jit3A_1890 : f32 to vector<512x512xf32>
    %select_n3A_1894 = arith.select %eq3A, %broadcast_in_dim3A_1892, %broadcast_in_dim3A_1893 : vector<512x512xi1>, vector<512x512xf32>
    %reduce_sum3A_1895 = arith.constant dense<0.000000e+00> : vector<512xf32>
    %reduce_sum3A_1896 = vector.multi_reduction <add>, %select_n3A_1894, %reduce_sum3A_1895 [1] : vector<512x512xf32> to vector<512xf32>
    %broadcast_in_dim3A_1897 = vector.shape_cast %reduce_sum3A_1896 : vector<512xf32> to vector<512x1xf32>
    %gt3A_1898 = vector.broadcast %broadcast_in_dim3A_1897 : vector<512x1xf32> to vector<512x512xf32>
    %gt3A_1899 = vector.broadcast %select_n3A_1889 : vector<1x512xf32> to vector<512x512xf32>
    %gt3A_1900 = arith.cmpf ogt, %gt3A_1898, %gt3A_1899 : vector<512x512xf32>
    %ge3A_1901 = vector.broadcast %broadcast_in_dim3A_1897 : vector<512x1xf32> to vector<512x512xf32>
    %ge3A_1902 = vector.broadcast %select_n3A_1889 : vector<1x512xf32> to vector<512x512xf32>
    %ge3A_1903 = arith.cmpf oge, %ge3A_1901, %ge3A_1902 : vector<512x512xf32>
    %and3A_1904 = arith.andi %lt3A, %ge3A_1903 : vector<512x512xi1>
    %or3A_1905 = arith.ori %gt3A_1900, %and3A_1904 : vector<512x512xi1>
    %convert_element_type3A_1906 = arith.extui %or3A_1905 : vector<512x512xi1> to vector<512x512xi32>
    %reduce_sum3A_1907 = arith.constant dense<0> : vector<512xi32>
    %reduce_sum3A_1908 = vector.multi_reduction <add>, %convert_element_type3A_1906, %reduce_sum3A_1907 [0] : vector<512x512xi32> to vector<512xi32>
    %broadcast_in_dim3A_1909 = vector.shape_cast %reduce_sum3A_1908 : vector<512xi32> to vector<1x512xi32>
    %swap3A_1910 = arith.constant 1 : index
    %swap3A_1911 = arith.constant 7 : index
    %swap3A_1912 = arith.constant 0 : index
    %swap3A_1913 = arith.constant 0 : index
    %swap3A_1914 = vector.load %arg6[%swap3A_1910, %swap3A_1911, %swap3A_1912, %swap3A_1913] : memref<2x8x1x512xf32, #tpu.memory_space<vmem>>, vector<1x1x1x512xf32>
    %swap3A_1915 = vector.shape_cast %swap3A_1914 : vector<1x1x1x512xf32> to vector<1x512xf32>
    %swap3A_1916 = vector.shape_cast %select_n3A_1889 : vector<1x512xf32> to vector<1x1x1x512xf32>
    tpu.vector_store %arg6[%swap3A_1910, %swap3A_1911, %swap3A_1912, %swap3A_1913], %swap3A_1916 {strides = array<i32>} : memref<2x8x1x512xf32, #tpu.memory_space<vmem>>, vector<1x1x1x512xf32>,
    %swap3A_1917 = arith.constant 1 : index
    %swap3A_1918 = arith.constant 7 : index
    %swap3A_1919 = arith.constant 0 : index
    %swap3A_1920 = arith.constant 0 : index
    %swap3A_1921 = vector.load %arg7[%swap3A_1917, %swap3A_1918, %swap3A_1919, %swap3A_1920] : memref<2x8x1x512xi32, #tpu.memory_space<vmem>>, vector<1x1x1x512xi32>
    %swap3A_1922 = vector.shape_cast %swap3A_1921 : vector<1x1x1x512xi32> to vector<1x512xi32>
    %swap3A_1923 = vector.shape_cast %broadcast_in_dim3A_1909 : vector<1x512xi32> to vector<1x1x1x512xi32>
    tpu.vector_store %arg7[%swap3A_1917, %swap3A_1918, %swap3A_1919, %swap3A_1920], %swap3A_1923 {strides = array<i32>} : memref<2x8x1x512xi32, #tpu.memory_space<vmem>>, vector<1x1x1x512xi32>,
    %gt3A_1924 = arith.constant 7 : i32
    %gt3A_1925 = arith.cmpi sgt, %get3A_1143, %gt3A_1924 : i32
    %jit3A_1926 = arith.constant 0 : i32
    %select_n3A_1927 = arith.select %gt3A_1925, %reduce_sum3A_1137, %jit3A_1926 : i32
    %broadcast_in_dim3A_1928 = vector.broadcast %select_n3A_1927 : i32 to vector<1x1xi32>
    %swap3A_1929 = arith.constant 1 : index
    %swap3A_1930 = arith.constant 7 : index
    %swap3A_1931 = arith.constant 0 : index
    %swap3A_1932 = arith.constant 0 : index
    %swap3A_1933 = vector.load %arg9[%swap3A_1929, %swap3A_1930, %swap3A_1931, %swap3A_1932] : memref<2x8x1x1xi32, #tpu.memory_space<vmem>>, vector<1x1x1x1xi32>
    %swap3A_1934 = vector.shape_cast %swap3A_1933 : vector<1x1x1x1xi32> to vector<1x1xi32>
    %swap3A_1935 = vector.shape_cast %broadcast_in_dim3A_1928 : vector<1x1xi32> to vector<1x1x1x1xi32>
    tpu.vector_store %arg9[%swap3A_1929, %swap3A_1930, %swap3A_1931, %swap3A_1932], %swap3A_1935 {strides = array<i32>} : memref<2x8x1x1xi32, #tpu.memory_space<vmem>>, vector<1x1x1x1xi32>,
    return
  }
  func.func @transform_0(%arg0: i32) -> i32 {
    %c0_i32 = arith.constant 0 : i32
    %c0_i32_0 = arith.constant 0 : i32
    return %c0_i32 : i32
  }
  func.func @transform_1(%arg0: i32) -> (i32, i32, i32, i32) {
    %c0_i32 = arith.constant 0 : i32
    %c0_i32_0 = arith.constant 0 : i32
    %c0_i32_1 = arith.constant 0 : i32
    %c0_i32_2 = arith.constant 0 : i32
    return %arg0, %c0_i32, %c0_i32_0, %c0_i32_1 : i32, i32, i32, i32
  }
  func.func @transform_2(%arg0: i32) -> (i32, i32, i32) {
    %c0_i32 = arith.constant 0 : i32
    %c0_i32_0 = arith.constant 0 : i32
    %c0_i32_1 = arith.constant 0 : i32
    return %arg0, %c0_i32, %c0_i32_0 : i32, i32, i32
  }
  func.func @transform_3(%arg0: i32) -> (i32, i32, i32) {
    %c0_i32 = arith.constant 0 : i32
    %c0_i32_0 = arith.constant 0 : i32
    %c0_i32_1 = arith.constant 0 : i32
    return %arg0, %c0_i32, %c0_i32_0 : i32, i32, i32
  }
  func.func @transform_4(%arg0: i32) -> (i32, i32, i32) {
    %c0_i32 = arith.constant 0 : i32
    %c0_i32_0 = arith.constant 0 : i32
    %c0_i32_1 = arith.constant 0 : i32
    return %arg0, %c0_i32, %c0_i32_0 : i32, i32, i32
  }
  func.func @transform_5(%arg0: i32) -> (i32, i32, i32, i32) {
    %c0_i32 = arith.constant 0 : i32
    %c0_i32_0 = arith.constant 0 : i32
    %c0_i32_1 = arith.constant 0 : i32
    %c0_i32_2 = arith.constant 0 : i32
    return %arg0, %c0_i32, %c0_i32_0, %c0_i32_1 : i32, i32, i32, i32
  }
  func.func @transform_6(%arg0: i32) -> (i32, i32, i32, i32) {
    %c0_i32 = arith.constant 0 : i32
    %c0_i32_0 = arith.constant 0 : i32
    %c0_i32_1 = arith.constant 0 : i32
    %c0_i32_2 = arith.constant 0 : i32
    return %arg0, %c0_i32, %c0_i32_0, %c0_i32_1 : i32, i32, i32, i32
  }
  func.func @transform_7(%arg0: i32) -> (i32, i32, i32) {
    %c0_i32 = arith.constant 0 : i32
    %c0_i32_0 = arith.constant 0 : i32
    %c0_i32_1 = arith.constant 0 : i32
    return %arg0, %c0_i32, %c0_i32_0 : i32, i32, i32
  }
  func.func @transform_8(%arg0: i32) -> (i32, i32, i32, i32) {
    %c0_i32 = arith.constant 0 : i32
    %c0_i32_0 = arith.constant 0 : i32
    %c0_i32_1 = arith.constant 0 : i32
    %c0_i32_2 = arith.constant 0 : i32
    return %arg0, %c0_i32, %c0_i32_0, %c0_i32_1 : i32, i32, i32, i32
  }
}

</mosaic_0001>

<sc_bundles>
// kernel: kernel.4.cloned.1.call-start
scs
__scs_entry_jumppad:
0x0: {  	(pc) =	sbr.rel $0x88, $3  }
0x1: {  	(tag) =	ssettag $0x0;
	lr =	simm.s32 $0x1  }
0x2: {  	[smem:$0x3F9D] =	sst lr;
	_ =	strace $0xD0000000  }
0x3: {  	_ = 	snop  }
0x4: {  	_ = 	snop  }
0x5: {  	_ = 	snop  }
0x6: {  	_ = 	snop  }
0x7: {  	_ = 	snop  }
__scs_overlays_trampoline_lowered:
0x8: {  	[smem:$0x3FAC] =	sst s0  }
0x9: {  	[smem:$0x3FAD] =	sst s1  }
0xa: {  	[smem:$0x3FAE] =	sst s2  }
0xb: {  	[smem:$0x3FAF] =	sst s3  }
0xc: {  	[smem:$0x3FB0] =	sst s4  }
0xd: {  	[smem:$0x3FB1] =	sst s5  }
0xe: {  	[smem:$0x3FB2] =	sst s6  }
0xf: {  	[smem:$0x3FB3] =	sst s7  }
0x10: {  	[smem:$0x3FB4] =	sst s8  }
0x11: {  	[smem:$0x3FB5] =	sst s9;
	s0 =	simm.s32 @!p0 $0x0  }
0x12: {  	s1 =	sld [smem:$0x3F9B];
	s0 =	simm.s32 @p0 $0x1  }
0x13: {  	[smem:$0x3FB6] =	sst s0;
	s0 =	simm.s32 @!p1 $0x0  }
0x14: {  	s2 =	sld [smem:$0x3F9A];
	s0 =	simm.s32 @p1 $0x1  }
0x15: {  	[smem:$0x3FB7] =	sst s0;
	s0 =	simm.s32 @!p2 $0x0  }
0x16: {  	s3 =	sld [smem:$0x3FDB];
	s0 =	simm.s32 @p2 $0x1  }
0x17: {  	s4 =	simm.s32 $0x1BF5;
	[smem:$0x3FB9] =	sst s0  }
0x18: {  	s0 =	sld [smem:$0x3F9C];
	_ =	swait.ge [sflag:s4], $0x0  }
0x19: {  	s7 =	sld [smem:$0x3F9D]  }
0x1a: {  	s8 =	sadd.s32 $0xFFFFE003, lr  }
0x1b: {  	s9 =	sadd.s32 $0xFFFFFEF7, lr;
	s5 =	simm.s32 $0xFFFFFFFF;
	p2 =	slt.u32 s8, $0xFFFFF086  }
0x1c: {  	p1 =	slt.u32 s9, $0xF7A;
	s5 =	simm.s32 @!p2 $0x0  }
0x1d: {  	s5 =	simm.s32 @p1 $0x1;
	p0 =	seq.s32 s7, s2  }
0x1e: {  	s7 =	smul.u32 @!p0 $0xF7A, s2;
	p2 =	seq.s32 @!p0 s5, $0x0  }
0x1f: {  	s9 =	smul.u32 $0xF7A, s1;
	s8 =	simm.s32 @!p0 $0x1BF5;
	p2 =	por !p2, p0  }
0x20: {  	[sflag:s8] =	ssyncset.s32 @!p0 $0xFFFFF086;
	s6 =	sadd.s32 @!p0 s3, s7;
	s7 =	simm.s32 @!p0 $0x108  }
0x21: {  	s3 =	sadd.s32 s3, s9;
	s6 =	sadd.s32 @!p0 $0x88, s6;
	s7 =	simm.s32 @p2 $0x1082  }
0x22: {  	[simem:s7], [sflag:s8] =	dma.local @!p0 [hbm:s6], $0xF7A  }
0x23: {  	s9 =	sor.u32 $0xD0000000, s2;
	s6 =	simm.s32 $0x108;
	_ =	swait.ge @!p0 [sflag:s8], $0x0  }
0x24: {  	s3 =	sadd.s32 $0x88, s3;
	s6 =	simm.s32 @!p1 $0x1082;
	[sflag:s4] =	ssyncset.s32 $0xFFFFF086  }
0x25: {  	[simem:s6], [sflag:s4] =	dma.local [hbm:s3], $0xF7A  }
0x26: {  	[smem:$0x3F9D] =	sst s1;
	(tag) =	ssettag s2;
	_ =	strace s9  }
0x27: {  	s1 =	sld [smem:$0x3FAD]  }
0x28: {  	s2 =	sld [smem:$0x3FAE]  }
0x29: {  	s4 =	sld [smem:$0x3FB0]  }
0x2a: {  	p0 =	seq.s32 s5, $0x0;
	s5 =	sld [smem:$0x3FB1]  }
0x2b: {  	s6 =	sld [smem:$0x3FB2]  }
0x2c: {  	s7 =	sld [smem:$0x3FB3]  }
0x2d: {  	s3 =	simm.s32 $0x108;
	s8 =	sld [smem:$0x3FB4]  }
0x2e: {  	s3 =	simm.s32 @!p0 $0x1082;
	s9 =	sld [smem:$0x3FB5]  }
0x2f: {  	lr =	sadd.s32 s0, s3;
	s0 =	sld [smem:$0x3FAC]  }
0x30: {  	s3 =	sld [smem:$0x3FAF]  }
0x31: {  	[smem:$0x3FB8] =	sst s10  }
0x32: {  	s10 =	sld [smem:$0x3FB6];
	_ =	sdelay $0x3  }
0x33: {  	p0 =	seq.s32 s10, $0x1;
	s10 =	sld [smem:$0x3FB8];
	_ =	sdelay $0x3  }
0x34: {  	[smem:$0x3FB8] =	sst s10  }
0x35: {  	s10 =	sld [smem:$0x3FB7];
	_ =	sdelay $0x3  }
0x36: {  	p1 =	seq.s32 s10, $0x1;
	s10 =	sld [smem:$0x3FB8];
	_ =	sdelay $0x3  }
0x37: {  	[smem:$0x3FB8] =	sst s10  }
0x38: {  	s10 =	sld [smem:$0x3FB9]  }
0x39: {  	_ = 	snop;
	(pc) =	sbr.ind lr, $3  }
0x3a: {  	_ = 	snop  }
0x3b: {  	_ = 	snop  }
0x3c: {  	p2 =	seq.s32 s10, $0x1;
	s10 =	sld [smem:$0x3FB8]  }
0x3d: {  	_ =	shalt  }
0x3e: {  	_ =	shalt  }
0x3f: {  	_ =	shalt  }
0x40: {  	_ =	shalt  }
0x41: {  	_ =	shalt  }
0x42: {  	_ =	shalt  }
0x43: {  	_ =	shalt  }
0x44: {  	_ =	shalt  }
0x45: {  	_ =	shalt  }
0x46: {  	_ =	shalt  }
0x47: {  	_ =	shalt  }
0x48: {  	_ =	shalt  }
0x49: {  	_ =	shalt  }
0x4a: {  	_ =	shalt  }
0x4b: {  	_ =	shalt  }
0x4c: {  	_ =	shalt  }
0x4d: {  	_ =	shalt  }
0x4e: {  	_ =	shalt  }
0x4f: {  	_ =	shalt  }
0x50: {  	_ =	shalt  }
0x51: {  	_ =	shalt  }
0x52: {  	_ =	shalt  }
0x53: {  	_ =	shalt  }
0x54: {  	_ =	shalt  }
0x55: {  	_ =	shalt  }
0x56: {  	_ =	shalt  }
0x57: {  	_ =	shalt  }
0x58: {  	_ =	shalt  }
0x59: {  	_ =	shalt  }
0x5a: {  	_ =	shalt  }
0x5b: {  	_ =	shalt  }
0x5c: {  	_ =	shalt  }
0x5d: {  	_ =	shalt  }
0x5e: {  	_ =	shalt  }
0x5f: {  	_ =	shalt  }
0x60: {  	_ =	shalt  }
0x61: {  	_ =	shalt  }
0x62: {  	_ =	shalt  }
0x63: {  	_ =	shalt  }
0x64: {  	_ =	shalt  }
0x65: {  	_ =	shalt  }
0x66: {  	_ =	shalt  }
0x67: {  	_ =	shalt  }
0x68: {  	_ =	shalt  }
0x69: {  	_ =	shalt  }
0x6a: {  	_ =	shalt  }
0x6b: {  	_ =	shalt  }
0x6c: {  	_ =	shalt  }
0x6d: {  	_ =	shalt  }
0x6e: {  	_ =	shalt  }
0x6f: {  	_ =	shalt  }
0x70: {  	_ =	shalt  }
0x71: {  	_ =	shalt  }
0x72: {  	_ =	shalt  }
0x73: {  	_ =	shalt  }
0x74: {  	_ =	shalt  }
0x75: {  	_ =	shalt  }
0x76: {  	_ =	shalt  }
0x77: {  	_ =	shalt  }
0x78: {  	_ =	shalt  }
0x79: {  	_ =	shalt  }
0x7a: {  	_ =	shalt  }
0x7b: {  	_ =	shalt  }
0x7c: {  	_ =	shalt  }
0x7d: {  	_ =	shalt  }
0x7e: {  	_ =	shalt  }
0x7f: {  	_ =	shalt  }
0x80: {  	_ =	shalt  }
0x81: {  	_ =	shalt  }
0x82: {  	_ =	shalt  }
0x83: {  	_ =	shalt  }
0x84: {  	_ =	shalt  }
0x85: {  	_ =	shalt  }
0x86: {  	_ =	shalt  }
0x87: {  	_ =	shalt  }
.Lfunc_end0:
.L_simem_size_0:
called_computation_lowered:
.L_overlay_start_0:
0x88: {  	s2 =	sld [smem:$0x3FD9]  }
0x89: {  	s3 =	sld [smem:$0x3FFE];
	_ =	sdelay $0x1  }
0x8a: {  	s1 =	srdreg.scid  }
0x8b: {  	s0 =	sand.u32 $0x1, s1  }
0x8c: {  	s14 =	sshll.u32 s0, $0xA;
	s2 =	sadd.s32 s3, s2  }
0x8d: {  	s2 =	sadd.s32 s2, s14  }
0x8e: {  	[smem:$0x3FC4] =	sst s2  }
0x8f: {  	_ = 	snop  }
0x90: {  	s2 =	sld [smem:$0x3FD0];
	_ =	sdelay $0x2  }
0x91: {  	s15 =	simm.s32 $0xA;
	s4 =	simm.s32 $0x10  }
0x92: {  	[smem:s4], [sflag:s15] =	dma.local [hbm:s2], $0x1  }
0x93: {  	_ =	swait.eq [sflag:s15], $0x1  }
0x94: {  	[sflag:s15] =	ssyncset.done $0x0  }
0x95: {  	s16 =	sld [smem:$0x11];
	[sflag:s15] =	ssyncadd.s32 $0xFFFFFFFF  }
0x96: {  	s17 =	sld [smem:$0x12];
	(tm) =	ssettm $0x1  }
0x97: {  	s18 =	sld [smem:$0x3FFB];
	_ =	sdelay $0x3  }
0x98: {  	_ =	strace s18  }
0x99: {  	s4 =	sld [smem:$0x3FFC];
	_ =	sdelay $0x3  }
0x9a: {  	_ =	strace s4  }
0x9b: {  	s4 =	sld [smem:$0x3FFD];
	_ =	sdelay $0x3  }
0x9c: {  	_ =	strace s4  }
0x9d: {  	_ =	strace $0x8FFFFFFF  }
0x9e: {  	s19 =	sld [smem:$0x3FDB];
	_ =	sdelay $0x1  }
0x9f: {  	s5 =	simm.s32 $_scs_section_size  }
0xa0: {  	s6 =	simm.s32 $_size__tile_overlayer_lowered;
	s7 =	simm.s32 $_tile_overlayer_lowered  }
0xa1: {  	s22 =	simm.s32 $0x1BFF;
	s21 =	sshll.u32 s7, $0x1;
	s4 =	sadd.s32 s5, s19  }
0xa2: {  	s8 =	simm.s32 $0x0;
	s20 =	sshll.u32 s6, $0x1;
	s6 =	sadd.s32 s21, s4  }
0xa3: {  	[timem:s8], [sflag:s22] =	dma.local [hbm:s6], s20  }
0xa4: {  	_ =	swait.ge [sflag:s22], s20  }
0xa5: {  	s5 =	ssub.s32 $0x0, s20;
	[sflag:s22] =	ssyncset.done $0x0  }
0xa6: {  	[sflag:s22] =	ssyncadd.s32 s5;
	_ =	sdelay $0x1  }
0xa7: {  	s23 =	simm.s32 $0x1B8B  }
0xa8: {  	_ =	swait.ge [sflag:s23], $0x1  }
0xa9: {  	[sflag:s23] =	ssyncset.done $0x0  }
0xaa: {  	s25 =	simm.s32 $0x1B8E;
	s24 =	sld [smem:$0x3FFE];
	[sflag:s23] =	ssyncadd.s32 $0xFFFFFFFF  }
0xab: {  	s26 =	simm.s32 $execute0_lowered;
	[smem:$0x3FD2] =	sst s25  }
0xac: {  	s6 =	sshll.u32 s26, $0x1;
	_ =	strace $0x80000046;
	[dreg:$0x1] =	wrdreg $0xFFFFFFFF  }
0xad: {  	s28 =	simm.s32 $_size_execute0_lowered;
	s4 =	sadd.s32 s4, s6;
	[dreg:$0x0] =	wrdreg $0x0  }
0xae: {  	s6 =	sshll.u32 s28, $0x1;
	[dreg:$0x2] =	wrdreg s4  }
0xaf: {  	[dreg:$0x3] =	wrdreg s6  }
0xb0: {  	[dreg:$0x4] =	wrdreg $0xC0  }
0xb1: {  	_ =	task [dreg:s8], $0x5FFFF  }
0xb2: {  	[dreg:$0x1] =	wrdreg $0xFFFFFFFF  }
0xb3: {  	[dreg:$0x0] =	wrdreg $0x60  }
0xb4: {  	[dreg:$0x2] =	wrdreg s24  }
0xb5: {  	[dreg:$0x3] =	wrdreg s16  }
0xb6: {  	[dreg:$0x4] =	wrdreg s17  }
0xb7: {  	[dreg:$0x5] =	wrdreg $0x9  }
0xb8: {  	_ =	task.clear_ibuf [dreg:s8], $0x6FFFF;
	_ =	strace $0x90000046  }
0xb9: {  	s29 =	simm.s32 $0x9;
	_ =	strace $0x80000048  }
0xba: {  	_ =	swait.ge [sflag:s29], $0x1  }
0xbb: {  	[sflag:s29] =	ssyncadd.s32 $0xFFFFFFFF  }
0xbc: {  	_ =	strace $0x90000048  }
0xbd: {  	_ =	sfence  }
0xbe: {  	s30 =	sld [smem:$0x0];
	_ =	sdelay $0x2  }
0xbf: {  	s31 =	sshll.u32 s1, $0xD;
	s1 =	sshrl.u32 s1, $0x2  }
0xc0: {  	s3 =	sand.u32 $0x4000, s31;
	s1 =	sadd.s32 s1, s30  }
0xc1: {  	s0 =	sor.u32 s3, s0;
	s1 =	sshll.u32 s1, $0x11  }
0xc2: {  	s0 =	sor.u32 s1, s0  }
0xc3: {  	s0 =	sadd.s32 $0x8F2B, s0  }
0xc4: {  	[sflag:s0] =	ssyncadd.remote.s32 $0x1  }
0xc5: {  	_ =	sfence.sel $0xFFFF  }
0xc6: {  	[dreg:$0x0] =	wrdreg $0xFFFFFFFF;
	(pc) =	sbr.abs _section_cstart, $3  }
0xc7: {  	[dreg:$0x1] =	wrdreg $0xFFFFFFFF  }
0xc8: {  	_ =	task.clear_ibuf [dreg:s8], $0x2FFFF;
	_ =	strace $0x9FFFFFFF  }
0xc9: {  	(tm) =	ssettm $0x7FFFFFFF  }
tec
execute0_lowered:
.L_overlay_start_1:
0x0: {  	(tag) =	ssettag $0x1  }
0x1: {  	s3 =	rddreg [dreg:$0x0]  }
0x2: {  	s9 =	rddreg [dreg:$0x1]  }
0x3: {  	s10 =	rddreg [dreg:$0x2]  }
0x4: {  	s0 =	rddreg [dreg:$0x3]  }
0x5: {  	s2 =	simm.s32 $0x0;
	s1 =	stileid.u32;
	s5 =	srdreg.scid  }
0x6: {  	s14 =	simm.s32 $0x80;
	s16 =	simm.s32 $0x600;
	s17 =	simm.s32 $0xC00  }
0x7: {  	s18 =	simm.s32 $0xA00;
	s19 =	simm.s32 $0x800;
	s20 =	simm.s32 $0x0  }
0x8: {  	[smem:$0x7FF] =	sst s2;
	s4 =	sshll.u32 s1, $0x3;
	s8 =	sadd.s32 $0xE00, s3  }
0x9: {  	s5 =	sand.u32 $0x1, s5;
	s30 =	sshll.u32 s1, $0x2;
	s31 =	sshll.u32 s1, $0xB  }
0xa: {  	_ =	strace $0x80000047;
	s4 =	sand.u32 $0x70, s4;
	s7 =	sshll.u32 s5, $0x1  }
0xb: {  	s5 =	ssub.s32 $0x2, s5;
	s6 =	sadd.s32 s4, s3;
	s3 =	sadd.s32 $0xA00, s3  }
0xc: {  	v0 =	vimm.s32 $0xEDCBA987;
	v1 =	vimm.s32 $0x6543210F;
	s11 =	sor.u32 s7, s30;
	s4 =	sand.u32 $0x7000, s31;
	s13 =	sshrl.u32 s5, $0x1  }
0xd: {  	v0 =	vunpack.c.l.s4.s8 v0;
	v1 =	vunpack.c.l.s4.s8 v1;
	s7 =	sshll.u32 s11, $0x7;
	s15 =	sor.u32 $0x1, s11;
	s13 =	ssub.s32 s5, s13  }
0xe: {  	s5 =	sadd.s32 $0xC00, s6;
	s7 =	sand.u32 $0x300, s7;
	s12 =	sshll.u32 s15, $0x7  }
0xf: {  	v2 =	vunpack.c.0.s8.s32 v0;
	v1 =	vunpack.c.0.s8.s32 v1;
	v0 =	vmov s11;
	s11 =	smax.u32 s13, $0x1;
	s7 =	sor.u32 s4, s7;
	s12 =	sand.u32 $0x380, s12  }
0x10: {  	s13 =	simm.s32 $0x1;
	s7 =	sshrl.u32 s7, $0x3;
	s12 =	sor.u32 s4, s12  }
0x11: {  	v4 =	vcombine.low v1, v2;
	v1 =	vmov s15;
	s15 =	simm.s32 $0x400;
	s4 =	sadd.s32 s8, s7;
	s12 =	sshrl.u32 s12, $0x3  }
0x12: {  	v3 =	vlaneseq.u32;
	vm0 =	vcmask $0x3F04;
	v5 =	vimm.s32 $0x0;
	s6 =	sadd.s32 s9, s7;
	s7 =	sadd.s32 s10, s7;
	s8 =	sadd.s32 s8, s12  }
0x13: {  	v0 =	vbroadcast v0, $0x0;
	v2 =	vimm.s32 $0xFFFFFFFF;
	v4 =	vand.u32 $0xF, v4;
	s9 =	sadd.s32 s9, s12;
	s10 =	sadd.s32 s10, s12;
	s12 =	simm.s32 $0xC80  }
.LBB2_1:
0x14: {  	[tilespmem:s12], [sflag:$0x1] =	stream.linear.gather [hbm4b:s3+s2], $0x80, $0x38;
	[tilespmem:$0xD00] =	vst v63  }
0x15: {  	_ =	swait.ge [sflag:s13], $0x80  }
0x16: {  	[sflag:s13] =	ssyncset.done $0x0  }
0x17: {  	[sflag:s13] =	ssyncadd.s32 $0xFFFFFF80  }
0x18: {  	[tilespmem:s2], [sflag:$0x1] =	stream.strided.gather [hbm4b:s4+s14], $0x200, s15, s14, $0x38;
	[tilespmem:$0xD00] =	vst v63  }
0x19: {  	_ =	swait.ge [sflag:s13], $0x200  }
0x1a: {  	[sflag:s13] =	ssyncset.done $0x0  }
0x1b: {  	s21 =	simm.s32 $0x200;
	[sflag:s13] =	ssyncadd.s32 $0xFFFFFE00  }
0x1c: {  	[tilespmem:s21], [sflag:$0x1] =	stream.strided.gather [hbm4b:s5+s14], $0x200, s15, s14, $0x38;
	[tilespmem:$0xD00] =	vst v63  }
0x1d: {  	_ =	swait.ge [sflag:s13], $0x200  }
0x1e: {  	[sflag:s13] =	ssyncset.done $0x0  }
0x1f: {  	[sflag:s13] =	ssyncadd.s32 $0xFFFFFE00  }
0x20: {  	[tilespmem:$0xA00] =	vst v2  }
0x21: {  	[tilespmem:$0xA10] =	vst v2  }
0x22: {  	[tilespmem:$0xA20] =	vst v2  }
0x23: {  	[tilespmem:$0xA30] =	vst v2  }
0x24: {  	[tilespmem:$0xA40] =	vst v2  }
0x25: {  	[tilespmem:$0xA50] =	vst v2  }
0x26: {  	[tilespmem:$0xA60] =	vst v2  }
0x27: {  	[tilespmem:$0xA70] =	vst v2  }
0x28: {  	[tilespmem:$0xA80] =	vst v2  }
0x29: {  	[tilespmem:$0xA90] =	vst v2  }
0x2a: {  	[tilespmem:$0xAA0] =	vst v2  }
0x2b: {  	[tilespmem:$0xAB0] =	vst v2  }
0x2c: {  	[tilespmem:$0xAC0] =	vst v2  }
0x2d: {  	[tilespmem:$0xAD0] =	vst v2  }
0x2e: {  	[tilespmem:$0xAE0] =	vst v2  }
0x2f: {  	[tilespmem:$0xAF0] =	vst v2  }
0x30: {  	[tilespmem:$0xB00] =	vst v2  }
0x31: {  	[tilespmem:$0xB10] =	vst v2  }
0x32: {  	[tilespmem:$0xB20] =	vst v2  }
0x33: {  	[tilespmem:$0xB30] =	vst v2  }
0x34: {  	[tilespmem:$0xB40] =	vst v2  }
0x35: {  	[tilespmem:$0xB50] =	vst v2  }
0x36: {  	[tilespmem:$0xB60] =	vst v2  }
0x37: {  	[tilespmem:$0xB70] =	vst v2  }
0x38: {  	[tilespmem:$0xB80] =	vst v2  }
0x39: {  	[tilespmem:$0xB90] =	vst v2  }
0x3a: {  	[tilespmem:$0xBA0] =	vst v2  }
0x3b: {  	[tilespmem:$0xBB0] =	vst v2  }
0x3c: {  	[tilespmem:$0xBC0] =	vst v2  }
0x3d: {  	[tilespmem:$0xBD0] =	vst v2  }
0x3e: {  	[tilespmem:$0xBE0] =	vst v2  }
0x3f: {  	[tilespmem:$0xBF0] =	vst v2  }
0x40: {  	v6 =	vld [tilespmem:s2+$0x0];
	_ =	sdelay $0x6  }
0x41: {  	v7 =	vor.u32 s2, v3  }
0x42: {  	[tilespmem:v6+s15+$0x0] =	vst.idx.msk $0xffff, v7  }
0x43: {  	v7 =	vld [tilespmem:s21+$0x0];
	_ =	sdelay $0x4  }
0x44: {  	s22 =	simm.s32 $0x10;
	[tilespmem:v6+s16+$0x0] =	vst.idx.msk $0xffff, v7  }
0x45: {  	s23 =	simm.s32 $0x20;
	s24 =	simm.s32 $0x10;
	v6 =	vld [tilespmem:s22+$0x0]  }
.LBB2_2:
0x46: {  	p0 =	sne.s32 s23, $0x1F0;
	_ =	sdelay $0x5  }
0x47: {  	v7 =	vor.u32 s22, v3;
	s22 =	smov.u32 s23  }
0x48: {  	s21 =	sadd.s32 $0x10, s21;
	[tilespmem:v6+s15+$0x0] =	vst.idx.msk $0xffff, v7  }
0x49: {  	v7 =	vld [tilespmem:s21+$0x0];
	_ =	sdelay $0x1  }
.Ltmp0:
0x4a: {  	(pc) =	sbr.rel @p0 .LBB2_2-.Ltmp0, $3  }
0x4b: {  	_ =	sdelay $0x1  }
0x4c: {  	s24 =	sadd.s32 $0x10, s24;
	[tilespmem:v6+s16+$0x0] =	vst.idx.msk $0xffff, v7  }
0x4d: {  	s23 =	sadd.s32 $0x10, s23;
	v6 =	vld [tilespmem:s24+$0x0]  }
0x4e: {  	_ =	sdelay $0x6  }
0x4f: {  	v7 =	vor.u32 s22, v3  }
0x50: {  	s21 =	sadd.s32 $0x10, s21;
	[tilespmem:v6+s15+$0x0] =	vst.idx.msk $0xffff, v7  }
0x51: {  	v7 =	vld [tilespmem:s21+$0x0];
	_ =	sdelay $0x4  }
0x52: {  	s30 =	simm.s32 $0x600;
	[tilespmem:v6+s16+$0x0] =	vst.idx.msk $0xffff, v7  }
0x53: {  	v7 =	vld [tilespmem:s30+$0x0];
	_ =	sdelay $0x4  }
0x54: {  	v6 =	vshll.u32 v7, $0x4  }
0x55: {  	v6 =	vor.u32 v3, v6  }
0x56: {  	(xrf1) =	vsort.ascd.msk.u32 $0xffff, v6, v6;
	_ =	sdelay $0xd  }
0x57: {  	v8, _, _ =	vpop (xrf1)  }
0x58: {  	v9 =	vshra.s32 v8, $0x4  }
0x59: {  	v6 =	vld.idx.msk [tilespmem:v0+s12+$0x0], $0xffff;
	[tilespmem:$0xC00] =	vst v9  }
0x5a: {  	v10 =	vld.idx.msk [tilespmem:v4+s17+$0x0], $0xffff;
	_ =	sdelay $0x2  }
0x5b: {  	v8 =	vand.u32 $0xF, v8;
	_ =	sdelay $0x1  }
0x5c: {  	vm1 =	veq.s32 v9, v10  }
0x5d: {  	vm1 =	vmand vm1, vm0  }
0x5e: {  	v61 =	vsel vm1, $0x1, v5  }
0x5f: {  	[tilespmem:v8+s17+$0x0] =	vst.idx.msk $0xffff, v61  }
0x60: {  	v8 =	vld.idx.msk [tilespmem:v7+s18+$0x0], $0xffff  }
0x61: {  	v9 =	vld [tilespmem:$0xC00];
	_ =	sdelay $0x4  }
0x62: {  	vm1 =	veq.s32 v9, $0x0;
	vm2 =	veq.s32 v8, $0xFFFFFFFF  }
0x63: {  	vm1 =	vmand vm1, vm2  }
0x64: {  	v8 =	vmpcnt.ones.xlane vm1  }
0x65: {  	v62 =	vsel vm1, $0x1, v5  }
0x66: {  	(xrf0) =	vadd.scan.msk.s32 $0xffff, v62;
	v8 =	vxor.u32 $0x80000000, v8  }
0x67: {  	(xrf0) =	vmax.scan.msk.u32 $0xffff, v8;
	_ =	sdelay $0x3  }
0x68: {  	s31 =	simm.s32 $0x0;
	v8 =	vsel vm1, $0xFFFFFFFF, v5  }
0x69: {  	v8 =	vadd.s32 s31, v8;
	v9, _, _ =	vpop (xrf0)  }
0x6a: {  	v8 =	vadd.s32 v9, v8;
	v63, _, _ =	vpop (xrf0)  }
0x6b: {  	[tilespmem:v7+s18+$0x0] =	vst.idx.msk vm1, v8;
	(v2sf) =	vpush v63, $0xF  }
0x6c: {  	v7 =	vld.idx.msk [tilespmem:v7+s18+$0x0], $0xffff;
	_ =	sdelay $0x2  }
0x6d: {  	v8 =	vor.u32 s31, v3  }
0x6e: {  	vm1 =	vlt.s32 v8, v6  }
0x6f: {  	s21 =	simm.s32 $0x800;
	v7 =	vnsel vm1, $0xFFFFFFFF, v7  }
0x70: {  	s23 =	simm.s32 $0x610;
	[tilespmem:s21+$0x0] =	vst v7  }
0x71: {  	v7 =	vld [tilespmem:s23+$0x0];
	_ =	sdelay $0x4  }
0x72: {  	v8 =	vshll.u32 v7, $0x4  }
0x73: {  	v8 =	vor.u32 v3, v8  }
0x74: {  	(xrf1) =	vsort.ascd.msk.u32 $0xffff, v8, v8;
	s25 =	spop (v2sf)  }
0x75: {  	s22 =	simm.s32 $0x10;
	s24 =	simm.s32 $0x20;
	s25 =	sadd.s32 $0x0, s25  }
.LBB2_4:
0x76: {  	p0 =	sne.s32 s24, $0x1F0;
	s25 =	sadd.s32 $0x80000000, s25;
	s21 =	sadd.s32 $0x10, s21  }
0x77: {  	s26 =	smov.u32 s24;
	s24 =	sadd.s32 $0x10, s24;
	_ =	sdelay $0xa  }
0x78: {  	v8, _, _ =	vpop (xrf1)  }
0x79: {  	v9 =	vshra.s32 v8, $0x4  }
0x7a: {  	[tilespmem:$0xC00] =	vst v9  }
0x7b: {  	v10 =	vld.idx.msk [tilespmem:v4+s17+$0x0], $0xffff;
	_ =	sdelay $0x3  }
0x7c: {  	v8 =	vand.u32 $0xF, v8;
	_ =	sdelay $0x1  }
0x7d: {  	vm1 =	veq.s32 v9, v10  }
0x7e: {  	vm1 =	vmand vm1, vm0  }
0x7f: {  	v9 =	vsel vm1, $0x1, v5  }
0x80: {  	[tilespmem:v8+s17+$0x0] =	vst.idx.msk $0xffff, v9  }
0x81: {  	v8 =	vld.idx.msk [tilespmem:v7+s18+$0x0], $0xffff  }
0x82: {  	v9 =	vld [tilespmem:$0xC00];
	_ =	sdelay $0x4  }
0x83: {  	vm2 =	veq.s32 v8, $0xFFFFFFFF;
	vm1 =	veq.s32 v9, $0x0  }
0x84: {  	vm1 =	vmand vm1, vm2  }
0x85: {  	v8 =	vsel vm1, $0xFFFFFFFF, v5;
	v9 =	vsel vm1, $0x1, v5;
	v10 =	vmpcnt.ones.xlane vm1  }
0x86: {  	(xrf0) =	vadd.scan.msk.s32 $0xffff, v9  }
0x87: {  	v9 =	vxor.u32 $0x80000000, v10  }
0x88: {  	(xrf0) =	vmax.scan.msk.u32 $0xffff, v9;
	_ =	sdelay $0x3  }
0x89: {  	v10 =	vadd.s32 s25, v8;
	v9, _, _ =	vpop (xrf0)  }
0x8a: {  	v9 =	vadd.s32 v9, v10  }
0x8b: {  	[tilespmem:v7+s18+$0x0] =	vst.idx.msk vm1, v9;
	v8, _, _ =	vpop (xrf0)  }
0x8c: {  	v7 =	vld.idx.msk [tilespmem:v7+s18+$0x0], $0xffff;
	(v2sf) =	vpush v8, $0xF;
	_ =	sdelay $0x3  }
0x8d: {  	v8 =	vor.u32 s22, v3;
	s22 =	smov.u32 s26  }
0x8e: {  	vm1 =	vlt.s32 v8, v6  }
0x8f: {  	v7 =	vnsel vm1, $0xFFFFFFFF, v7  }
0x90: {  	s23 =	sadd.s32 $0x10, s23;
	[tilespmem:s21+$0x0] =	vst v7  }
0x91: {  	v7 =	vld [tilespmem:s23+$0x0];
	_ =	sdelay $0x3  }
.Ltmp1:
0x92: {  	(pc) =	sbr.rel @p0 .LBB2_4-.Ltmp1, $4  }
0x93: {  	v8 =	vshll.u32 v7, $0x4  }
0x94: {  	v8 =	vor.u32 v3, v8  }
0x95: {  	(xrf1) =	vsort.ascd.msk.u32 $0xffff, v8, v8;
	s26 =	spop (v2sf)  }
0x96: {  	s25 =	sadd.s32 s26, s25  }
0x97: {  	_ =	sdelay $0xb  }
0x98: {  	v8, _, _ =	vpop (xrf1)  }
0x99: {  	v9 =	vshra.s32 v8, $0x4  }
0x9a: {  	[tilespmem:$0xC00] =	vst v9  }
0x9b: {  	v10 =	vld.idx.msk [tilespmem:v4+s17+$0x0], $0xffff;
	_ =	sdelay $0x2  }
0x9c: {  	v8 =	vand.u32 $0xF, v8;
	_ =	sdelay $0x1  }
0x9d: {  	vm1 =	veq.s32 v9, v10  }
0x9e: {  	vm1 =	vmand vm1, vm0  }
0x9f: {  	v60 =	vsel vm1, $0x1, v5  }
0xa0: {  	[tilespmem:v8+s17+$0x0] =	vst.idx.msk $0xffff, v60  }
0xa1: {  	v8 =	vld.idx.msk [tilespmem:v7+s18+$0x0], $0xffff  }
0xa2: {  	v9 =	vld [tilespmem:$0xC00];
	_ =	sdelay $0x4  }
0xa3: {  	vm1 =	veq.s32 v9, $0x0;
	vm2 =	veq.s32 v8, $0xFFFFFFFF  }
0xa4: {  	vm1 =	vmand vm1, vm2  }
0xa5: {  	v8 =	vmpcnt.ones.xlane vm1  }
0xa6: {  	v61 =	vsel vm1, $0x1, v5  }
0xa7: {  	(xrf0) =	vadd.scan.msk.s32 $0xffff, v61;
	v8 =	vxor.u32 $0x80000000, v8  }
0xa8: {  	(xrf0) =	vmax.scan.msk.u32 $0xffff, v8;
	_ =	sdelay $0x4  }
0xa9: {  	v8, _, _ =	vpop (xrf0)  }
0xaa: {  	v62, _, _ =	vpop (xrf0)  }
0xab: {  	(v2sf) =	vpush v62, $0xF;
	_ =	sdelay $0x2  }
0xac: {  	s23 =	sadd.s32 $0x80000000, s25;
	v63 =	vsel vm1, $0xFFFFFFFF, v5  }
0xad: {  	v9 =	vadd.s32 s23, v63  }
0xae: {  	v8 =	vadd.s32 v8, v9  }
0xaf: {  	[tilespmem:v7+s18+$0x0] =	vst.idx.msk vm1, v8  }
0xb0: {  	v7 =	vld.idx.msk [tilespmem:v7+s18+$0x0], $0xffff;
	_ =	sdelay $0x2  }
0xb1: {  	v8 =	vor.u32 s22, v3  }
0xb2: {  	vm1 =	vlt.s32 v8, v6  }
0xb3: {  	s21 =	sadd.s32 $0x10, s21;
	v6 =	vnsel vm1, $0xFFFFFFFF, v7  }
0xb4: {  	[tilespmem:s21+$0x0] =	vst v6  }
0xb5: {  	[hbm4b:s6+s14] =	stream.strided.scatter [tilespmem:s15], [sflag:$0x1], $0x200, s15, s14, $0x38;
	[tilespmem:$0xD00] =	vst v63  }
0xb6: {  	s30 =	spop (v2sf)  }
0xb7: {  	_ =	swait.ge [sflag:s13], $0x200  }
0xb8: {  	[sflag:s13] =	ssyncset.done $0x0  }
0xb9: {  	[sflag:s13] =	ssyncadd.s32 $0xFFFFFE00  }
0xba: {  	[hbm4b:s7+s14] =	stream.strided.scatter [tilespmem:s19], [sflag:$0x1], $0x200, s15, s14, $0x38;
	[tilespmem:$0xD00] =	vst v63  }
0xbb: {  	_ =	swait.ge [sflag:s13], $0x200  }
0xbc: {  	[sflag:s13] =	ssyncset.done $0x0  }
0xbd: {  	s31 =	simm.s32 $0x0;
	[sflag:s13] =	ssyncadd.s32 $0xFFFFFE00  }
0xbe: {  	[tilespmem:s31], [sflag:$0x1] =	stream.strided.gather [hbm4b:s8+s14], $0x200, s15, s14, $0x38;
	[tilespmem:$0xD00] =	vst v63  }
0xbf: {  	_ =	swait.ge [sflag:s13], $0x200  }
0xc0: {  	[sflag:s13] =	ssyncset.done $0x0  }
0xc1: {  	s21 =	simm.s32 $0x200;
	[sflag:s13] =	ssyncadd.s32 $0xFFFFFE00  }
0xc2: {  	[tilespmem:s21], [sflag:$0x1] =	stream.strided.gather [hbm4b:s5+s14], $0x200, s15, s14, $0x38;
	[tilespmem:$0xD00] =	vst v63  }
0xc3: {  	_ =	swait.ge [sflag:s13], $0x200  }
0xc4: {  	[sflag:s13] =	ssyncset.done $0x0  }
0xc5: {  	[sflag:s13] =	ssyncadd.s32 $0xFFFFFE00  }
0xc6: {  	[tilespmem:$0xA00] =	vst v2  }
0xc7: {  	[tilespmem:$0xA10] =	vst v2  }
0xc8: {  	[tilespmem:$0xA20] =	vst v2  }
0xc9: {  	[tilespmem:$0xA30] =	vst v2  }
0xca: {  	[tilespmem:$0xA40] =	vst v2  }
0xcb: {  	[tilespmem:$0xA50] =	vst v2  }
0xcc: {  	[tilespmem:$0xA60] =	vst v2  }
0xcd: {  	[tilespmem:$0xA70] =	vst v2  }
0xce: {  	[tilespmem:$0xA80] =	vst v2  }
0xcf: {  	[tilespmem:$0xA90] =	vst v2  }
0xd0: {  	[tilespmem:$0xAA0] =	vst v2  }
0xd1: {  	[tilespmem:$0xAB0] =	vst v2  }
0xd2: {  	[tilespmem:$0xAC0] =	vst v2  }
0xd3: {  	[tilespmem:$0xAD0] =	vst v2  }
0xd4: {  	[tilespmem:$0xAE0] =	vst v2  }
0xd5: {  	[tilespmem:$0xAF0] =	vst v2  }
0xd6: {  	[tilespmem:$0xB00] =	vst v2  }
0xd7: {  	[tilespmem:$0xB10] =	vst v2  }
0xd8: {  	[tilespmem:$0xB20] =	vst v2  }
0xd9: {  	[tilespmem:$0xB30] =	vst v2  }
0xda: {  	[tilespmem:$0xB40] =	vst v2  }
0xdb: {  	[tilespmem:$0xB50] =	vst v2  }
0xdc: {  	[tilespmem:$0xB60] =	vst v2  }
0xdd: {  	[tilespmem:$0xB70] =	vst v2  }
0xde: {  	[tilespmem:$0xB80] =	vst v2  }
0xdf: {  	[tilespmem:$0xB90] =	vst v2  }
0xe0: {  	[tilespmem:$0xBA0] =	vst v2  }
0xe1: {  	[tilespmem:$0xBB0] =	vst v2  }
0xe2: {  	[tilespmem:$0xBC0] =	vst v2  }
0xe3: {  	[tilespmem:$0xBD0] =	vst v2  }
0xe4: {  	[tilespmem:$0xBE0] =	vst v2  }
0xe5: {  	[tilespmem:$0xBF0] =	vst v2  }
0xe6: {  	v6 =	vld [tilespmem:s31+$0x0];
	_ =	sdelay $0x6  }
0xe7: {  	v7 =	vor.u32 s31, v3  }
0xe8: {  	[tilespmem:v6+s15+$0x0] =	vst.idx.msk $0xffff, v7  }
0xe9: {  	v7 =	vld [tilespmem:s21+$0x0];
	_ =	sdelay $0x4  }
0xea: {  	s22 =	simm.s32 $0x10;
	[tilespmem:v6+s16+$0x0] =	vst.idx.msk $0xffff, v7  }
0xeb: {  	s24 =	simm.s32 $0x10;
	s23 =	simm.s32 $0x20;
	v6 =	vld [tilespmem:s22+$0x0]  }
.LBB2_6:
0xec: {  	p0 =	sne.s32 s23, $0x1F0;
	_ =	sdelay $0x5  }
0xed: {  	v7 =	vor.u32 s22, v3;
	s22 =	smov.u32 s23  }
0xee: {  	s21 =	sadd.s32 $0x10, s21;
	[tilespmem:v6+s15+$0x0] =	vst.idx.msk $0xffff, v7  }
0xef: {  	v7 =	vld [tilespmem:s21+$0x0];
	_ =	sdelay $0x1  }
.Ltmp2:
0xf0: {  	(pc) =	sbr.rel @p0 .LBB2_6-.Ltmp2, $3  }
0xf1: {  	_ =	sdelay $0x1  }
0xf2: {  	s24 =	sadd.s32 $0x10, s24;
	[tilespmem:v6+s16+$0x0] =	vst.idx.msk $0xffff, v7  }
0xf3: {  	s23 =	sadd.s32 $0x10, s23;
	v6 =	vld [tilespmem:s24+$0x0]  }
0xf4: {  	_ =	sdelay $0x6  }
0xf5: {  	v7 =	vor.u32 s22, v3  }
0xf6: {  	s21 =	sadd.s32 $0x10, s21;
	[tilespmem:v6+s15+$0x0] =	vst.idx.msk $0xffff, v7  }
0xf7: {  	v7 =	vld [tilespmem:s21+$0x0];
	_ =	sdelay $0x4  }
0xf8: {  	s30 =	simm.s32 $0x600;
	[tilespmem:v6+s16+$0x0] =	vst.idx.msk $0xffff, v7  }
0xf9: {  	v7 =	vld [tilespmem:s30+$0x0];
	_ =	sdelay $0x4  }
0xfa: {  	v6 =	vshll.u32 v7, $0x4  }
0xfb: {  	v6 =	vor.u32 v3, v6  }
0xfc: {  	(xrf1) =	vsort.ascd.msk.u32 $0xffff, v6, v6;
	_ =	sdelay $0xd  }
0xfd: {  	v8, _, _ =	vpop (xrf1)  }
0xfe: {  	v9 =	vshra.s32 v8, $0x4  }
0xff: {  	v6 =	vld.idx.msk [tilespmem:v1+s12+$0x0], $0xffff;
	[tilespmem:$0xC00] =	vst v9  }
0x100: {  	v10 =	vld.idx.msk [tilespmem:v4+s17+$0x0], $0xffff;
	_ =	sdelay $0x2  }
0x101: {  	v8 =	vand.u32 $0xF, v8;
	_ =	sdelay $0x1  }
0x102: {  	vm1 =	veq.s32 v9, v10  }
0x103: {  	vm1 =	vmand vm1, vm0  }
0x104: {  	v61 =	vsel vm1, $0x1, v5  }
0x105: {  	[tilespmem:v8+s17+$0x0] =	vst.idx.msk $0xffff, v61  }
0x106: {  	v8 =	vld.idx.msk [tilespmem:v7+s18+$0x0], $0xffff  }
0x107: {  	v9 =	vld [tilespmem:$0xC00];
	_ =	sdelay $0x4  }
0x108: {  	vm1 =	veq.s32 v9, $0x0;
	vm2 =	veq.s32 v8, $0xFFFFFFFF  }
0x109: {  	vm1 =	vmand vm1, vm2  }
0x10a: {  	v8 =	vmpcnt.ones.xlane vm1  }
0x10b: {  	v62 =	vsel vm1, $0x1, v5  }
0x10c: {  	(xrf0) =	vadd.scan.msk.s32 $0xffff, v62;
	v8 =	vxor.u32 $0x80000000, v8  }
0x10d: {  	(xrf0) =	vmax.scan.msk.u32 $0xffff, v8;
	_ =	sdelay $0x3  }
0x10e: {  	s31 =	simm.s32 $0x0;
	v8 =	vsel vm1, $0xFFFFFFFF, v5  }
0x10f: {  	v8 =	vadd.s32 s31, v8;
	v9, _, _ =	vpop (xrf0)  }
0x110: {  	v8 =	vadd.s32 v9, v8;
	v63, _, _ =	vpop (xrf0)  }
0x111: {  	[tilespmem:v7+s18+$0x0] =	vst.idx.msk vm1, v8;
	(v2sf) =	vpush v63, $0xF  }
0x112: {  	v7 =	vld.idx.msk [tilespmem:v7+s18+$0x0], $0xffff;
	_ =	sdelay $0x2  }
0x113: {  	v8 =	vor.u32 s31, v3  }
0x114: {  	vm1 =	vlt.s32 v8, v6  }
0x115: {  	s21 =	simm.s32 $0x800;
	v7 =	vnsel vm1, $0xFFFFFFFF, v7  }
0x116: {  	s23 =	simm.s32 $0x610;
	[tilespmem:s21+$0x0] =	vst v7  }
0x117: {  	v7 =	vld [tilespmem:s23+$0x0];
	_ =	sdelay $0x4  }
0x118: {  	v8 =	vshll.u32 v7, $0x4  }
0x119: {  	v8 =	vor.u32 v3, v8  }
0x11a: {  	(xrf1) =	vsort.ascd.msk.u32 $0xffff, v8, v8;
	s25 =	spop (v2sf)  }
0x11b: {  	s22 =	simm.s32 $0x10;
	s24 =	simm.s32 $0x20;
	s25 =	sadd.s32 $0x0, s25  }
.LBB2_8:
0x11c: {  	p0 =	sne.s32 s24, $0x1F0;
	s25 =	sadd.s32 $0x80000000, s25;
	s21 =	sadd.s32 $0x10, s21  }
0x11d: {  	s26 =	smov.u32 s24;
	s24 =	sadd.s32 $0x10, s24;
	_ =	sdelay $0xa  }
0x11e: {  	v8, _, _ =	vpop (xrf1)  }
0x11f: {  	v9 =	vshra.s32 v8, $0x4  }
0x120: {  	[tilespmem:$0xC00] =	vst v9  }
0x121: {  	v10 =	vld.idx.msk [tilespmem:v4+s17+$0x0], $0xffff;
	_ =	sdelay $0x3  }
0x122: {  	v8 =	vand.u32 $0xF, v8;
	_ =	sdelay $0x1  }
0x123: {  	vm1 =	veq.s32 v9, v10  }
0x124: {  	vm1 =	vmand vm1, vm0  }
0x125: {  	v9 =	vsel vm1, $0x1, v5  }
0x126: {  	[tilespmem:v8+s17+$0x0] =	vst.idx.msk $0xffff, v9  }
0x127: {  	v8 =	vld.idx.msk [tilespmem:v7+s18+$0x0], $0xffff  }
0x128: {  	v9 =	vld [tilespmem:$0xC00];
	_ =	sdelay $0x4  }
0x129: {  	vm2 =	veq.s32 v8, $0xFFFFFFFF;
	vm1 =	veq.s32 v9, $0x0  }
0x12a: {  	vm1 =	vmand vm1, vm2  }
0x12b: {  	v8 =	vsel vm1, $0xFFFFFFFF, v5;
	v9 =	vsel vm1, $0x1, v5;
	v10 =	vmpcnt.ones.xlane vm1  }
0x12c: {  	(xrf0) =	vadd.scan.msk.s32 $0xffff, v9  }
0x12d: {  	v9 =	vxor.u32 $0x80000000, v10  }
0x12e: {  	(xrf0) =	vmax.scan.msk.u32 $0xffff, v9;
	_ =	sdelay $0x3  }
0x12f: {  	v10 =	vadd.s32 s25, v8;
	v9, _, _ =	vpop (xrf0)  }
0x130: {  	v9 =	vadd.s32 v9, v10  }
0x131: {  	[tilespmem:v7+s18+$0x0] =	vst.idx.msk vm1, v9;
	v8, _, _ =	vpop (xrf0)  }
0x132: {  	v7 =	vld.idx.msk [tilespmem:v7+s18+$0x0], $0xffff;
	(v2sf) =	vpush v8, $0xF;
	_ =	sdelay $0x3  }
0x133: {  	v8 =	vor.u32 s22, v3;
	s22 =	smov.u32 s26  }
0x134: {  	vm1 =	vlt.s32 v8, v6  }
0x135: {  	v7 =	vnsel vm1, $0xFFFFFFFF, v7  }
0x136: {  	s23 =	sadd.s32 $0x10, s23;
	[tilespmem:s21+$0x0] =	vst v7  }
0x137: {  	v7 =	vld [tilespmem:s23+$0x0];
	_ =	sdelay $0x3  }
.Ltmp3:
0x138: {  	(pc) =	sbr.rel @p0 .LBB2_8-.Ltmp3, $4  }
0x139: {  	v8 =	vshll.u32 v7, $0x4  }
0x13a: {  	v8 =	vor.u32 v3, v8  }
0x13b: {  	(xrf1) =	vsort.ascd.msk.u32 $0xffff, v8, v8;
	s26 =	spop (v2sf)  }
0x13c: {  	s25 =	sadd.s32 s26, s25  }
0x13d: {  	_ =	sdelay $0xb  }
0x13e: {  	v8, _, _ =	vpop (xrf1)  }
0x13f: {  	v9 =	vshra.s32 v8, $0x4  }
0x140: {  	[tilespmem:$0xC00] =	vst v9  }
0x141: {  	v10 =	vld.idx.msk [tilespmem:v4+s17+$0x0], $0xffff;
	_ =	sdelay $0x2  }
0x142: {  	v8 =	vand.u32 $0xF, v8;
	_ =	sdelay $0x1  }
0x143: {  	vm1 =	veq.s32 v9, v10  }
0x144: {  	vm1 =	vmand vm1, vm0  }
0x145: {  	v57 =	vsel vm1, $0x1, v5  }
0x146: {  	[tilespmem:v8+s17+$0x0] =	vst.idx.msk $0xffff, v57  }
0x147: {  	v8 =	vld.idx.msk [tilespmem:v7+s18+$0x0], $0xffff  }
0x148: {  	v9 =	vld [tilespmem:$0xC00];
	_ =	sdelay $0x4  }
0x149: {  	vm1 =	veq.s32 v9, $0x0;
	vm2 =	veq.s32 v8, $0xFFFFFFFF  }
0x14a: {  	vm1 =	vmand vm1, vm2  }
0x14b: {  	v58 =	vmpcnt.ones.xlane vm1  }
0x14c: {  	v59 =	vsel vm1, $0x1, v5  }
0x14d: {  	(xrf0) =	vadd.scan.msk.s32 $0xffff, v59;
	v8 =	vxor.u32 $0x80000000, v58  }
0x14e: {  	(xrf0) =	vmax.scan.msk.u32 $0xffff, v8;
	_ =	sdelay $0x4  }
0x14f: {  	v60, _, _ =	vpop (xrf0)  }
0x150: {  	v61, _, _ =	vpop (xrf0)  }
0x151: {  	(v2sf) =	vpush v61, $0xF;
	_ =	sdelay $0x2  }
0x152: {  	s23 =	sadd.s32 $0x80000000, s25;
	v62 =	vsel vm1, $0xFFFFFFFF, v5  }
0x153: {  	v9 =	vadd.s32 s23, v62  }
0x154: {  	v8 =	vadd.s32 v60, v9  }
0x155: {  	[tilespmem:v7+s18+$0x0] =	vst.idx.msk vm1, v8  }
0x156: {  	v7 =	vld.idx.msk [tilespmem:v7+s18+$0x0], $0xffff;
	_ =	sdelay $0x2  }
0x157: {  	v63 =	vor.u32 s22, v3  }
0x158: {  	vm1 =	vlt.s32 v63, v6  }
0x159: {  	s21 =	sadd.s32 $0x10, s21;
	v6 =	vnsel vm1, $0xFFFFFFFF, v7  }
0x15a: {  	[tilespmem:s21+$0x0] =	vst v6  }
0x15b: {  	[hbm4b:s9+s14] =	stream.strided.scatter [tilespmem:s15], [sflag:$0x1], $0x200, s15, s14, $0x38;
	[tilespmem:$0xD00] =	vst v63  }
0x15c: {  	s31 =	spop (v2sf)  }
0x15d: {  	s20 =	sadd.s32 $0x1, s20;
	_ =	swait.ge [sflag:s13], $0x200  }
0x15e: {  	p0 =	sne.s32 s20, s11;
	[sflag:s13] =	ssyncset.done $0x0  }
.Ltmp4:
0x15f: {  	[sflag:s13] =	ssyncadd.s32 $0xFFFFFE00;
	(pc) =	sbr.rel @p0 .LBB2_1-.Ltmp4, $4  }
0x160: {  	[hbm4b:s10+s14] =	stream.strided.scatter [tilespmem:s19], [sflag:$0x1], $0x200, s15, s14, $0x38;
	[tilespmem:$0xD00] =	vst v63  }
0x161: {  	_ =	swait.ge [sflag:s13], $0x200  }
0x162: {  	[sflag:s13] =	ssyncset.done $0x0  }
0x163: {  	[sflag:s13] =	ssyncadd.s32 $0xFFFFFE00  }
0x164: {  	_ =	sfence.sel $0x180000  }
0x165: {  	[bflag:$0x0] =	sbarrier.arrive $0xFFFF  }
0x166: {  	p0 =	sne.s32 s1, $0x0;
	_ =	strace $0x90000047  }
0x167: {  	s0 =	sadd.s32 @!p0 $0x100000, s0;
	[bflag:$0x2] =	sbarrier.arrive $0xFFFF  }
0x168: {  	[sflag:s0] =	ssyncadd.tile.s32 @!p0 $0x1;
	_ =	shalt  }
.Lfunc_end2:
_tile_overlayer_lowered:
.L_overlay_start_2:
0x169: {  	(tag) =	ssettag $0x2  }
0x16a: {  	s0 =	rddreg [dreg:$0x0];
	s2 =	stileid.u32  }
0x16b: {  	s1 =	rddreg [dreg:$0x1];
	p0 =	sne.s32 s2, $0x0  }
0x16c: {  	s3 =	rddreg [dreg:$0x2];
	[bflag:$0x3] =	sbarrier.arrive $0xFFFF;
	s2 =	simm.s32 @!p0 $0x1C01  }
0x16d: {  	[timem:s3], [sflag:s2] =	dma.local @!p0 [hbm:s0], s1  }
0x16e: {  	s0 =	simm.s32 @!p0 $0x1  }
0x16f: {  	_ =	swait.ge @!p0 [sflag:s0], s1  }
0x170: {  	s1 =	ssub.s32 @!p0 $0x0, s1;
	[sflag:s0] =	ssyncset.done @!p0 $0x0  }
0x171: {  	[sflag:s0] =	ssyncadd.s32 @!p0 s1  }
0x172: {  	[bflag:$0x3] =	sbarrier.arrive $0xFFFF  }
0x173: {  	_ =	shalt  }

</sc_bundles>
